<compile_context>
chip_gen: v7x
topology: tpu7x:2x2x1
jax: 0.10.2.dev20260603
libtpu: 0.0.44.dev20260713+nightly
codegen_flags: <defaults>
</compile_context>

<pallas_src>
import functools

import jax
import jax.numpy as jnp
import numpy as np
from jax import lax
from jax.experimental import pallas as pl
from jax.experimental.pallas import tpu as pltpu
from jax.experimental.pallas import tpu_sc as plsc

_N = 4096
_B = 1024
_NB = _N // _B
_NSTEPS = _NB * (_NB + 1) // 2
_NUM_BINS = 10


def _sig2(u):
    a = u * 0.005
    return -2.0 / jnp.log(1.0 - a * a)


def _sigma_extremes_sc(sigmas):
    mesh = plsc.VectorSubcoreMesh(core_axis_name="c", subcore_axis_name="s")

    @functools.partial(
        pl.kernel, mesh=mesh,
        out_type=jax.ShapeDtypeStruct((64,), jnp.float32),
        scratch_types=[
            pltpu.VMEM((_N,), jnp.float32),
            pltpu.VMEM((64,), jnp.float32),
        ],
    )
    def k(sig_hbm, out_hbm, sig_v, res_v):
        @pl.when((lax.axis_index("c") == 0) & (lax.axis_index("s") == 0))
        def _tile0():
            pltpu.sync_copy(sig_hbm, sig_v)
            ninf = jnp.full((16,), -jnp.inf, jnp.float32)
            pinf = jnp.full((16,), jnp.inf, jnp.float32)
            m1, m2, n1, n2 = ninf, ninf, pinf, pinf
            for i in range(_N // 16):
                x = sig_v[i * 16:(i + 1) * 16]
                m2 = jnp.maximum(m2, jnp.minimum(m1, x))
                m1 = jnp.maximum(m1, x)
                n2 = jnp.minimum(n2, jnp.maximum(n1, x))
                n1 = jnp.minimum(n1, x)
            res_v[0:16] = m1
            res_v[16:32] = m2
            res_v[32:48] = n1
            res_v[48:64] = n2
            pltpu.sync_copy(res_v, out_hbm)

    return k(sigmas)


def _pair_kernel(bs_ref, cs_ref, ext_ref, sig_row_ref, sig_all_ref, y_ref,
                 yt_ref, py_ref, pyt_ref, out_ref, thr_ref, rc_ref, rr_ref,
                 vacc_ref):
    step = pl.program_id(0)
    bi = bs_ref[step]
    cbi = cs_ref[step]

    @pl.when(step == 0)
    def _prologue():
        m1 = jnp.float32(-jnp.inf)
        m2 = jnp.float32(-jnp.inf)
        n1 = jnp.float32(jnp.inf)
        n2 = jnp.float32(jnp.inf)
        for kk in range(32):
            x = ext_ref[kk]
            m2 = jnp.maximum(m2, jnp.minimum(m1, x))
            m1 = jnp.maximum(m1, x)
        for kk in range(32, 64):
            x = ext_ref[kk]
            n2 = jnp.minimum(n2, jnp.maximum(n1, x))
            n1 = jnp.minimum(n1, x)
        begin = _sig2(m1 + m2)
        end = _sig2(n1 + n2)
        interval = (end - begin) / _NUM_BINS
        thr_ref[0] = begin + 9 * interval
        thr_ref[1] = begin + 10 * interval + 1.0
        ya = yt_ref[:, :]
        pa = pyt_ref[:, :]
        rc_ref[0:1, :] = jnp.sum(ya * ya, axis=0, keepdims=True)
        rc_ref[1:2, :] = jnp.sum(pa * pa, axis=0, keepdims=True)
        yb = y_ref[:, :]
        pb = py_ref[:, :]
        rr_ref[:, 0:1] = jnp.sum(yb * yb, axis=1, keepdims=True)
        rr_ref[:, 1:2] = jnp.sum(pb * pb, axis=1, keepdims=True)
        vacc_ref[:, :] = jnp.zeros((16, _B), jnp.float32)

    left9 = thr_ref[0]
    left10 = thr_ref[1]
    i0 = bi * _B
    j0 = cbi * _B
    hp = jax.lax.Precision.DEFAULT
    dn = (((1,), (0,)), ((), ()))

    s = _sig2(sig_row_ref[pl.ds(i0, _B), :] +
              sig_all_ref[:, pl.ds(j0, _B)])

    yb = y_ref[pl.ds(i0, _B), :]
    ya = yt_ref[:, pl.ds(j0, _B)]
    g_gt = jax.lax.dot_general(yb, ya, dn, precision=hp)
    d2_gt = jnp.maximum(
        rr_ref[pl.ds(i0, _B), 0:1] + rc_ref[0:1, pl.ds(j0, _B)] - 2.0 * g_gt,
        0.0)
    pb = py_ref[pl.ds(i0, _B), :]
    pa = pyt_ref[:, pl.ds(j0, _B)]
    g_pr = jax.lax.dot_general(pb, pa, dn, precision=hp)
    d2_pr = jnp.maximum(
        rr_ref[pl.ds(i0, _B), 1:2] + rc_ref[1:2, pl.ds(j0, _B)] - 2.0 * g_pr,
        0.0)
    t = d2_gt + d2_pr - 2.0 * jnp.sqrt(d2_gt * d2_pr)

    offd = cbi != bi
    cols = j0 + jax.lax.broadcasted_iota(jnp.int32, (_B, _B), 1)
    rows = i0 + jax.lax.broadcasted_iota(jnp.int32, (_B, _B), 0)
    m = (s >= left9) & (s <= left10) & ((cols != rows) | offd)
    w = jnp.where(offd, 2.0, 1.0)

    def _fold(x):
        return jnp.sum(x.reshape(_B // 8, 8, _B), axis=0)

    vacc_ref[0:8, :] += w * _fold(jnp.where(m, s, 0.0))
    vacc_ref[8:16, :] += w * _fold(jnp.where(m, t, 0.0))

    @pl.when(step == _NSTEPS - 1)
    def _fini():
        val = jnp.abs(1.0 - jnp.sqrt(jnp.sum(vacc_ref[8:16, :]) /
                                     jnp.sum(vacc_ref[0:8, :])))
        out_ref[:, :] = jnp.full((1, 1), val, jnp.float32)


_BS = np.array([b for b in range(_NB) for c in range(b, _NB)], np.int32)
_CS = np.array([c for b in range(_NB) for c in range(b, _NB)], np.int32)


def kernel(sigmas, y, py):
    extremes = _sigma_extremes_sc(sigmas)
    sig_row = sigmas.reshape(_N, 1)
    sig_all = sigmas.reshape(1, _N)
    y8 = jnp.pad(y, ((0, 0), (0, 5)))
    py8 = jnp.pad(py, ((0, 0), (0, 5)))
    yt = y8.T
    pyt = py8.T
    full = lambda shape: pl.BlockSpec(shape, lambda *_: (0,) * len(shape))
    out = pl.pallas_call(
        _pair_kernel,
        grid_spec=pltpu.PrefetchScalarGridSpec(
            num_scalar_prefetch=3,
            grid=(_NSTEPS,),
            in_specs=[
                full((_N, 1)),
                full((1, _N)),
                full((_N, 8)),
                full((8, _N)),
                full((_N, 8)),
                full((8, _N)),
            ],
            out_specs=full((1, 1)),
            scratch_shapes=[
                pltpu.SMEM((2,), jnp.float32),
                pltpu.VMEM((2, _N), jnp.float32),
                pltpu.VMEM((_N, 2), jnp.float32),
                pltpu.VMEM((16, _B), jnp.float32),
            ],
        ),
        out_shape=jax.ShapeDtypeStruct((1, 1), jnp.float32),
        compiler_params=pltpu.CompilerParams(
            dimension_semantics=("arbitrary",)),
    )(jnp.asarray(_BS), jnp.asarray(_CS), extremes, sig_row, sig_all, y8, yt,
      py8, pyt)
    return out[0, 0]

# --- scband reference (transcript-rebuilt; emitter-appended) ---
"""Pipeline reference for scband-encelddt-67602785239182 (READ-ONLY COPY).

The authoritative reference and input builder live on the scoring server;
editing this copy changes nothing except your own understanding.
"""

import jax, jax.numpy as jnp
import numpy as np

NUM_BINS = 10
N = 4096


def setup_inputs(seed: int = 0) -> dict:
    key = jax.random.key(seed)
    k1, k2 = jax.random.split(key)
    # sigmas must be strictly positive and bounded so that a=(s_i+s_j)/200 in (0,1)
    # and 1-a**2 does not round to 1.0 in fp32 (which would give -2/log(1)= -inf -> nan).
    sigmas = jnp.ones((N,), dtype=jnp.float32)
    y = jax.random.normal(k1, (N, 3), dtype=jnp.float32)
    py = jax.random.normal(k2, (N, 3), dtype=jnp.float32)
    return {"sigmas": sigmas, "y": y, "py": py}


def _strip_diag(m, n):
    # flatten()[1:].view(n-1, n+1)[:, :-1].reshape(n, n-1).flatten()  (removes diagonal)
    return m.ravel()[1:].reshape(n - 1, n + 1)[:, :-1].reshape(n, n - 1).ravel()


def reference(sigmas, y, py):
    average = (sigmas[:, None] + sigmas[None, :]) / 200.0
    dist_gt = jnp.sqrt(((y[:, None, :] - y[None, :, :]) ** 2).sum(axis=-1))
    dist_pred = jnp.sqrt(((py[:, None, :] - py[None, :, :]) ** 2).sum(axis=-1))
    n = average.shape[0]
    average = _strip_diag(average, n)
    dist_gt = _strip_diag(dist_gt, n)
    dist_pred = _strip_diag(dist_pred, n)
    truths = dist_gt - dist_pred
    sig = jnp.sqrt(-2.0 / jnp.log(1.0 - average ** 2))
    # torch.no_grad() block -> stop_gradient
    sig = jax.lax.stop_gradient(sig)
    truths = jax.lax.stop_gradient(truths)
    ids = jnp.argsort(sig)
    s = jnp.power(sig[ids], 2)
    t = jnp.power(truths[ids], 2)
    begin = s[0]
    end = s[-1]
    interval = (end - begin) / NUM_BINS
    left = [begin + i * interval for i in range(NUM_BINS)]
    left.append(begin + NUM_BINS * interval + 1.0)
    mvar = None
    rmse = None
    for i in range(NUM_BINS):
        if i == NUM_BINS - 1:
            mask = (s >= left[i]) & (s <= left[i + 1])
        else:
            mask = (s >= left[i]) & (s < left[i + 1])
        cnt = jnp.sum(mask.astype(jnp.float32))
        # mean over elements in bin (trace-safe form of s[mask].mean())
        mvar = jnp.sqrt(jnp.sum(jnp.where(mask, s, 0.0)) / cnt)
        rmse = jnp.sqrt(jnp.sum(jnp.where(mask, t, 0.0)) / cnt)
    # as in the original code, only the LAST bin's mvar/rmse reach the output
    abs_val = jnp.abs(mvar - rmse) / mvar
    return jnp.mean(abs_val)

if __name__ == "__main__":
    import jax
    _d = setup_inputs()
    print(jax.jit(kernel)(*tuple(_d.values())))

</pallas_src>

<mosaic_0001>
#map = affine_map<(d0, d1) -> (0)>
module attributes {stable_mosaic.version = 14 : i64} {
  func.func @k(%arg0: i32, %arg1: i32, %arg2: memref<4096xf32, #tpu.memory_space<hbm>>, %arg3: memref<64xf32, #tpu.memory_space<hbm>>, %arg4: memref<4096xf32, #tpu.memory_space<vmem>>, %arg5: memref<64xf32, #tpu.memory_space<vmem>>) attributes {dimension_semantics = [#tpu.dimension_semantics<core_parallel>, #tpu.dimension_semantics<subcore_parallel>], iteration_bounds = array<i64: 2, 16>, scalar_prefetch = 0 : i64, scratch_operands = 2 : i64, tpu.core_type = #tpu.core_type<sc_vector_subcore>, window_params = [{transform_indices = #map}, {transform_indices = #map}]} {
    %eq3A = arith.constant 0 : i32
    %eq3A_0 = arith.cmpi eq, %arg0, %eq3A : i32
    %eq3A_1 = arith.constant 0 : i32
    %eq3A_2 = arith.cmpi eq, %arg1, %eq3A_1 : i32
    %and3A = arith.andi %eq3A_0, %eq3A_2 : i1
    %convert_element_type3A = arith.extui %and3A : i1 to i32
    %cond3A = arith.constant 0 : i32
    %cond3A_3 = arith.cmpi ne, %convert_element_type3A, %cond3A : i32
    scf.if %cond3A_3 {
      "tpu.region"() ({
        %run_scoped3A = tpu.sem_alloc : memref<!tpu.dma_semaphore, #tpu.memory_space<semaphore_mem>>
        tpu.enqueue_dma source(%arg2 : memref<4096xf32, #tpu.memory_space<hbm>>) target(%arg4 : memref<4096xf32, #tpu.memory_space<vmem>>) target_semaphore(%run_scoped3A : memref<!tpu.dma_semaphore, #tpu.memory_space<semaphore_mem>>)
        tpu.wait_dma2 semaphore(%run_scoped3A : memref<!tpu.dma_semaphore, #tpu.memory_space<semaphore_mem>>) src(%arg2 : memref<4096xf32, #tpu.memory_space<hbm>>) dst(%arg4 : memref<4096xf32, #tpu.memory_space<vmem>>)
        tpu.yield
      }) : () -> ()
      %broadcast_in_dim3A = arith.constant 0xFF800000 : f32
      %broadcast_in_dim3A_4 = vector.broadcast %broadcast_in_dim3A : f32 to vector<16xf32>
      %broadcast_in_dim3A_5 = arith.constant 0x7F800000 : f32
      %broadcast_in_dim3A_6 = vector.broadcast %broadcast_in_dim3A_5 : f32 to vector<16xf32>
      %get3A = arith.constant 0 : index
      %get3A_7 = tpu.vector_load %arg4[%get3A] {strides = array<i32>} : memref<4096xf32, #tpu.memory_space<vmem>>, vector<16xf32>,
      %get3A_8 = vector.shape_cast %get3A_7 : vector<16xf32> to vector<16xf32>
      %min3A = arith.minimumf %broadcast_in_dim3A_4, %get3A_8 : vector<16xf32>
      %max3A = arith.maximumf %broadcast_in_dim3A_4, %min3A : vector<16xf32>
      %max3A_9 = arith.maximumf %broadcast_in_dim3A_4, %get3A_8 : vector<16xf32>
      %max3A_10 = arith.maximumf %broadcast_in_dim3A_6, %get3A_8 : vector<16xf32>
      %min3A_11 = arith.minimumf %broadcast_in_dim3A_6, %max3A_10 : vector<16xf32>
      %min3A_12 = arith.minimumf %broadcast_in_dim3A_6, %get3A_8 : vector<16xf32>
      %get3A_13 = arith.constant 16 : index
      %get3A_14 = tpu.vector_load %arg4[%get3A_13] {strides = array<i32>} : memref<4096xf32, #tpu.memory_space<vmem>>, vector<16xf32>,
      %get3A_15 = vector.shape_cast %get3A_14 : vector<16xf32> to vector<16xf32>
      %min3A_16 = arith.minimumf %max3A_9, %get3A_15 : vector<16xf32>
      %max3A_17 = arith.maximumf %max3A, %min3A_16 : vector<16xf32>
      %max3A_18 = arith.maximumf %max3A_9, %get3A_15 : vector<16xf32>
      %max3A_19 = arith.maximumf %min3A_12, %get3A_15 : vector<16xf32>
      %min3A_20 = arith.minimumf %min3A_11, %max3A_19 : vector<16xf32>
      %min3A_21 = arith.minimumf %min3A_12, %get3A_15 : vector<16xf32>
      %get3A_22 = arith.constant 32 : index
      %get3A_23 = tpu.vector_load %arg4[%get3A_22] {strides = array<i32>} : memref<4096xf32, #tpu.memory_space<vmem>>, vector<16xf32>,
      %get3A_24 = vector.shape_cast %get3A_23 : vector<16xf32> to vector<16xf32>
      %min3A_25 = arith.minimumf %max3A_18, %get3A_24 : vector<16xf32>
      %max3A_26 = arith.maximumf %max3A_17, %min3A_25 : vector<16xf32>
      %max3A_27 = arith.maximumf %max3A_18, %get3A_24 : vector<16xf32>
      %max3A_28 = arith.maximumf %min3A_21, %get3A_24 : vector<16xf32>
      %min3A_29 = arith.minimumf %min3A_20, %max3A_28 : vector<16xf32>
      %min3A_30 = arith.minimumf %min3A_21, %get3A_24 : vector<16xf32>
      %get3A_31 = arith.constant 48 : index
      %get3A_32 = tpu.vector_load %arg4[%get3A_31] {strides = array<i32>} : memref<4096xf32, #tpu.memory_space<vmem>>, vector<16xf32>,
      %get3A_33 = vector.shape_cast %get3A_32 : vector<16xf32> to vector<16xf32>
      %min3A_34 = arith.minimumf %max3A_27, %get3A_33 : vector<16xf32>
      %max3A_35 = arith.maximumf %max3A_26, %min3A_34 : vector<16xf32>
      %max3A_36 = arith.maximumf %max3A_27, %get3A_33 : vector<16xf32>
      %max3A_37 = arith.maximumf %min3A_30, %get3A_33 : vector<16xf32>
      %min3A_38 = arith.minimumf %min3A_29, %max3A_37 : vector<16xf32>
      %min3A_39 = arith.minimumf %min3A_30, %get3A_33 : vector<16xf32>
      %get3A_40 = arith.constant 64 : index
      %get3A_41 = tpu.vector_load %arg4[%get3A_40] {strides = array<i32>} : memref<4096xf32, #tpu.memory_space<vmem>>, vector<16xf32>,
      %get3A_42 = vector.shape_cast %get3A_41 : vector<16xf32> to vector<16xf32>
      %min3A_43 = arith.minimumf %max3A_36, %get3A_42 : vector<16xf32>
      %max3A_44 = arith.maximumf %max3A_35, %min3A_43 : vector<16xf32>
      %max3A_45 = arith.maximumf %max3A_36, %get3A_42 : vector<16xf32>
      %max3A_46 = arith.maximumf %min3A_39, %get3A_42 : vector<16xf32>
      %min3A_47 = arith.minimumf %min3A_38, %max3A_46 : vector<16xf32>
      %min3A_48 = arith.minimumf %min3A_39, %get3A_42 : vector<16xf32>
      %get3A_49 = arith.constant 80 : index
      %get3A_50 = tpu.vector_load %arg4[%get3A_49] {strides = array<i32>} : memref<4096xf32, #tpu.memory_space<vmem>>, vector<16xf32>,
      %get3A_51 = vector.shape_cast %get3A_50 : vector<16xf32> to vector<16xf32>
      %min3A_52 = arith.minimumf %max3A_45, %get3A_51 : vector<16xf32>
      %max3A_53 = arith.maximumf %max3A_44, %min3A_52 : vector<16xf32>
      %max3A_54 = arith.maximumf %max3A_45, %get3A_51 : vector<16xf32>
      %max3A_55 = arith.maximumf %min3A_48, %get3A_51 : vector<16xf32>
      %min3A_56 = arith.minimumf %min3A_47, %max3A_55 : vector<16xf32>
      %min3A_57 = arith.minimumf %min3A_48, %get3A_51 : vector<16xf32>
      %get3A_58 = arith.constant 96 : index
      %get3A_59 = tpu.vector_load %arg4[%get3A_58] {strides = array<i32>} : memref<4096xf32, #tpu.memory_space<vmem>>, vector<16xf32>,
      %get3A_60 = vector.shape_cast %get3A_59 : vector<16xf32> to vector<16xf32>
      %min3A_61 = arith.minimumf %max3A_54, %get3A_60 : vector<16xf32>
      %max3A_62 = arith.maximumf %max3A_53, %min3A_61 : vector<16xf32>
      %max3A_63 = arith.maximumf %max3A_54, %get3A_60 : vector<16xf32>
      %max3A_64 = arith.maximumf %min3A_57, %get3A_60 : vector<16xf32>
      %min3A_65 = arith.minimumf %min3A_56, %max3A_64 : vector<16xf32>
      %min3A_66 = arith.minimumf %min3A_57, %get3A_60 : vector<16xf32>
      %get3A_67 = arith.constant 112 : index
      %get3A_68 = tpu.vector_load %arg4[%get3A_67] {strides = array<i32>} : memref<4096xf32, #tpu.memory_space<vmem>>, vector<16xf32>,
      %get3A_69 = vector.shape_cast %get3A_68 : vector<16xf32> to vector<16xf32>
      %min3A_70 = arith.minimumf %max3A_63, %get3A_69 : vector<16xf32>
      %max3A_71 = arith.maximumf %max3A_62, %min3A_70 : vector<16xf32>
      %max3A_72 = arith.maximumf %max3A_63, %get3A_69 : vector<16xf32>
      %max3A_73 = arith.maximumf %min3A_66, %get3A_69 : vector<16xf32>
      %min3A_74 = arith.minimumf %min3A_65, %max3A_73 : vector<16xf32>
      %min3A_75 = arith.minimumf %min3A_66, %get3A_69 : vector<16xf32>
      %get3A_76 = arith.constant 128 : index
      %get3A_77 = tpu.vector_load %arg4[%get3A_76] {strides = array<i32>} : memref<4096xf32, #tpu.memory_space<vmem>>, vector<16xf32>,
      %get3A_78 = vector.shape_cast %get3A_77 : vector<16xf32> to vector<16xf32>
      %min3A_79 = arith.minimumf %max3A_72, %get3A_78 : vector<16xf32>
      %max3A_80 = arith.maximumf %max3A_71, %min3A_79 : vector<16xf32>
      %max3A_81 = arith.maximumf %max3A_72, %get3A_78 : vector<16xf32>
      %max3A_82 = arith.maximumf %min3A_75, %get3A_78 : vector<16xf32>
      %min3A_83 = arith.minimumf %min3A_74, %max3A_82 : vector<16xf32>
      %min3A_84 = arith.minimumf %min3A_75, %get3A_78 : vector<16xf32>
      %get3A_85 = arith.constant 144 : index
      %get3A_86 = tpu.vector_load %arg4[%get3A_85] {strides = array<i32>} : memref<4096xf32, #tpu.memory_space<vmem>>, vector<16xf32>,
      %get3A_87 = vector.shape_cast %get3A_86 : vector<16xf32> to vector<16xf32>
      %min3A_88 = arith.minimumf %max3A_81, %get3A_87 : vector<16xf32>
      %max3A_89 = arith.maximumf %max3A_80, %min3A_88 : vector<16xf32>
      %max3A_90 = arith.maximumf %max3A_81, %get3A_87 : vector<16xf32>
      %max3A_91 = arith.maximumf %min3A_84, %get3A_87 : vector<16xf32>
      %min3A_92 = arith.minimumf %min3A_83, %max3A_91 : vector<16xf32>
      %min3A_93 = arith.minimumf %min3A_84, %get3A_87 : vector<16xf32>
      %get3A_94 = arith.constant 160 : index
      %get3A_95 = tpu.vector_load %arg4[%get3A_94] {strides = array<i32>} : memref<4096xf32, #tpu.memory_space<vmem>>, vector<16xf32>,
      %get3A_96 = vector.shape_cast %get3A_95 : vector<16xf32> to vector<16xf32>
      %min3A_97 = arith.minimumf %max3A_90, %get3A_96 : vector<16xf32>
      %max3A_98 = arith.maximumf %max3A_89, %min3A_97 : vector<16xf32>
      %max3A_99 = arith.maximumf %max3A_90, %get3A_96 : vector<16xf32>
      %max3A_100 = arith.maximumf %min3A_93, %get3A_96 : vector<16xf32>
      %min3A_101 = arith.minimumf %min3A_92, %max3A_100 : vector<16xf32>
      %min3A_102 = arith.minimumf %min3A_93, %get3A_96 : vector<16xf32>
      %get3A_103 = arith.constant 176 : index
      %get3A_104 = tpu.vector_load %arg4[%get3A_103] {strides = array<i32>} : memref<4096xf32, #tpu.memory_space<vmem>>, vector<16xf32>,
      %get3A_105 = vector.shape_cast %get3A_104 : vector<16xf32> to vector<16xf32>
      %min3A_106 = arith.minimumf %max3A_99, %get3A_105 : vector<16xf32>
      %max3A_107 = arith.maximumf %max3A_98, %min3A_106 : vector<16xf32>
      %max3A_108 = arith.maximumf %max3A_99, %get3A_105 : vector<16xf32>
      %max3A_109 = arith.maximumf %min3A_102, %get3A_105 : vector<16xf32>
      %min3A_110 = arith.minimumf %min3A_101, %max3A_109 : vector<16xf32>
      %min3A_111 = arith.minimumf %min3A_102, %get3A_105 : vector<16xf32>
      %get3A_112 = arith.constant 192 : index
      %get3A_113 = tpu.vector_load %arg4[%get3A_112] {strides = array<i32>} : memref<4096xf32, #tpu.memory_space<vmem>>, vector<16xf32>,
      %get3A_114 = vector.shape_cast %get3A_113 : vector<16xf32> to vector<16xf32>
      %min3A_115 = arith.minimumf %max3A_108, %get3A_114 : vector<16xf32>
      %max3A_116 = arith.maximumf %max3A_107, %min3A_115 : vector<16xf32>
      %max3A_117 = arith.maximumf %max3A_108, %get3A_114 : vector<16xf32>
      %max3A_118 = arith.maximumf %min3A_111, %get3A_114 : vector<16xf32>
      %min3A_119 = arith.minimumf %min3A_110, %max3A_118 : vector<16xf32>
      %min3A_120 = arith.minimumf %min3A_111, %get3A_114 : vector<16xf32>
      %get3A_121 = arith.constant 208 : index
      %get3A_122 = tpu.vector_load %arg4[%get3A_121] {strides = array<i32>} : memref<4096xf32, #tpu.memory_space<vmem>>, vector<16xf32>,
      %get3A_123 = vector.shape_cast %get3A_122 : vector<16xf32> to vector<16xf32>
      %min3A_124 = arith.minimumf %max3A_117, %get3A_123 : vector<16xf32>
      %max3A_125 = arith.maximumf %max3A_116, %min3A_124 : vector<16xf32>
      %max3A_126 = arith.maximumf %max3A_117, %get3A_123 : vector<16xf32>
      %max3A_127 = arith.maximumf %min3A_120, %get3A_123 : vector<16xf32>
      %min3A_128 = arith.minimumf %min3A_119, %max3A_127 : vector<16xf32>
      %min3A_129 = arith.minimumf %min3A_120, %get3A_123 : vector<16xf32>
      %get3A_130 = arith.constant 224 : index
      %get3A_131 = tpu.vector_load %arg4[%get3A_130] {strides = array<i32>} : memref<4096xf32, #tpu.memory_space<vmem>>, vector<16xf32>,
      %get3A_132 = vector.shape_cast %get3A_131 : vector<16xf32> to vector<16xf32>
      %min3A_133 = arith.minimumf %max3A_126, %get3A_132 : vector<16xf32>
      %max3A_134 = arith.maximumf %max3A_125, %min3A_133 : vector<16xf32>
      %max3A_135 = arith.maximumf %max3A_126, %get3A_132 : vector<16xf32>
      %max3A_136 = arith.maximumf %min3A_129, %get3A_132 : vector<16xf32>
      %min3A_137 = arith.minimumf %min3A_128, %max3A_136 : vector<16xf32>
      %min3A_138 = arith.minimumf %min3A_129, %get3A_132 : vector<16xf32>
      %get3A_139 = arith.constant 240 : index
      %get3A_140 = tpu.vector_load %arg4[%get3A_139] {strides = array<i32>} : memref<4096xf32, #tpu.memory_space<vmem>>, vector<16xf32>,
      %get3A_141 = vector.shape_cast %get3A_140 : vector<16xf32> to vector<16xf32>
      %min3A_142 = arith.minimumf %max3A_135, %get3A_141 : vector<16xf32>
      %max3A_143 = arith.maximumf %max3A_134, %min3A_142 : vector<16xf32>
      %max3A_144 = arith.maximumf %max3A_135, %get3A_141 : vector<16xf32>
      %max3A_145 = arith.maximumf %min3A_138, %get3A_141 : vector<16xf32>
      %min3A_146 = arith.minimumf %min3A_137, %max3A_145 : vector<16xf32>
      %min3A_147 = arith.minimumf %min3A_138, %get3A_141 : vector<16xf32>
      %get3A_148 = arith.constant 256 : index
      %get3A_149 = tpu.vector_load %arg4[%get3A_148] {strides = array<i32>} : memref<4096xf32, #tpu.memory_space<vmem>>, vector<16xf32>,
      %get3A_150 = vector.shape_cast %get3A_149 : vector<16xf32> to vector<16xf32>
      %min3A_151 = arith.minimumf %max3A_144, %get3A_150 : vector<16xf32>
      %max3A_152 = arith.maximumf %max3A_143, %min3A_151 : vector<16xf32>
      %max3A_153 = arith.maximumf %max3A_144, %get3A_150 : vector<16xf32>
      %max3A_154 = arith.maximumf %min3A_147, %get3A_150 : vector<16xf32>
      %min3A_155 = arith.minimumf %min3A_146, %max3A_154 : vector<16xf32>
      %min3A_156 = arith.minimumf %min3A_147, %get3A_150 : vector<16xf32>
      %get3A_157 = arith.constant 272 : index
      %get3A_158 = tpu.vector_load %arg4[%get3A_157] {strides = array<i32>} : memref<4096xf32, #tpu.memory_space<vmem>>, vector<16xf32>,
      %get3A_159 = vector.shape_cast %get3A_158 : vector<16xf32> to vector<16xf32>
      %min3A_160 = arith.minimumf %max3A_153, %get3A_159 : vector<16xf32>
      %max3A_161 = arith.maximumf %max3A_152, %min3A_160 : vector<16xf32>
      %max3A_162 = arith.maximumf %max3A_153, %get3A_159 : vector<16xf32>
      %max3A_163 = arith.maximumf %min3A_156, %get3A_159 : vector<16xf32>
      %min3A_164 = arith.minimumf %min3A_155, %max3A_163 : vector<16xf32>
      %min3A_165 = arith.minimumf %min3A_156, %get3A_159 : vector<16xf32>
      %get3A_166 = arith.constant 288 : index
      %get3A_167 = tpu.vector_load %arg4[%get3A_166] {strides = array<i32>} : memref<4096xf32, #tpu.memory_space<vmem>>, vector<16xf32>,
      %get3A_168 = vector.shape_cast %get3A_167 : vector<16xf32> to vector<16xf32>
      %min3A_169 = arith.minimumf %max3A_162, %get3A_168 : vector<16xf32>
      %max3A_170 = arith.maximumf %max3A_161, %min3A_169 : vector<16xf32>
      %max3A_171 = arith.maximumf %max3A_162, %get3A_168 : vector<16xf32>
      %max3A_172 = arith.maximumf %min3A_165, %get3A_168 : vector<16xf32>
      %min3A_173 = arith.minimumf %min3A_164, %max3A_172 : vector<16xf32>
      %min3A_174 = arith.minimumf %min3A_165, %get3A_168 : vector<16xf32>
      %get3A_175 = arith.constant 304 : index
      %get3A_176 = tpu.vector_load %arg4[%get3A_175] {strides = array<i32>} : memref<4096xf32, #tpu.memory_space<vmem>>, vector<16xf32>,
      %get3A_177 = vector.shape_cast %get3A_176 : vector<16xf32> to vector<16xf32>
      %min3A_178 = arith.minimumf %max3A_171, %get3A_177 : vector<16xf32>
      %max3A_179 = arith.maximumf %max3A_170, %min3A_178 : vector<16xf32>
      %max3A_180 = arith.maximumf %max3A_171, %get3A_177 : vector<16xf32>
      %max3A_181 = arith.maximumf %min3A_174, %get3A_177 : vector<16xf32>
      %min3A_182 = arith.minimumf %min3A_173, %max3A_181 : vector<16xf32>
      %min3A_183 = arith.minimumf %min3A_174, %get3A_177 : vector<16xf32>
      %get3A_184 = arith.constant 320 : index
      %get3A_185 = tpu.vector_load %arg4[%get3A_184] {strides = array<i32>} : memref<4096xf32, #tpu.memory_space<vmem>>, vector<16xf32>,
      %get3A_186 = vector.shape_cast %get3A_185 : vector<16xf32> to vector<16xf32>
      %min3A_187 = arith.minimumf %max3A_180, %get3A_186 : vector<16xf32>
      %max3A_188 = arith.maximumf %max3A_179, %min3A_187 : vector<16xf32>
      %max3A_189 = arith.maximumf %max3A_180, %get3A_186 : vector<16xf32>
      %max3A_190 = arith.maximumf %min3A_183, %get3A_186 : vector<16xf32>
      %min3A_191 = arith.minimumf %min3A_182, %max3A_190 : vector<16xf32>
      %min3A_192 = arith.minimumf %min3A_183, %get3A_186 : vector<16xf32>
      %get3A_193 = arith.constant 336 : index
      %get3A_194 = tpu.vector_load %arg4[%get3A_193] {strides = array<i32>} : memref<4096xf32, #tpu.memory_space<vmem>>, vector<16xf32>,
      %get3A_195 = vector.shape_cast %get3A_194 : vector<16xf32> to vector<16xf32>
      %min3A_196 = arith.minimumf %max3A_189, %get3A_195 : vector<16xf32>
      %max3A_197 = arith.maximumf %max3A_188, %min3A_196 : vector<16xf32>
      %max3A_198 = arith.maximumf %max3A_189, %get3A_195 : vector<16xf32>
      %max3A_199 = arith.maximumf %min3A_192, %get3A_195 : vector<16xf32>
      %min3A_200 = arith.minimumf %min3A_191, %max3A_199 : vector<16xf32>
      %min3A_201 = arith.minimumf %min3A_192, %get3A_195 : vector<16xf32>
      %get3A_202 = arith.constant 352 : index
      %get3A_203 = tpu.vector_load %arg4[%get3A_202] {strides = array<i32>} : memref<4096xf32, #tpu.memory_space<vmem>>, vector<16xf32>,
      %get3A_204 = vector.shape_cast %get3A_203 : vector<16xf32> to vector<16xf32>
      %min3A_205 = arith.minimumf %max3A_198, %get3A_204 : vector<16xf32>
      %max3A_206 = arith.maximumf %max3A_197, %min3A_205 : vector<16xf32>
      %max3A_207 = arith.maximumf %max3A_198, %get3A_204 : vector<16xf32>
      %max3A_208 = arith.maximumf %min3A_201, %get3A_204 : vector<16xf32>
      %min3A_209 = arith.minimumf %min3A_200, %max3A_208 : vector<16xf32>
      %min3A_210 = arith.minimumf %min3A_201, %get3A_204 : vector<16xf32>
      %get3A_211 = arith.constant 368 : index
      %get3A_212 = tpu.vector_load %arg4[%get3A_211] {strides = array<i32>} : memref<4096xf32, #tpu.memory_space<vmem>>, vector<16xf32>,
      %get3A_213 = vector.shape_cast %get3A_212 : vector<16xf32> to vector<16xf32>
      %min3A_214 = arith.minimumf %max3A_207, %get3A_213 : vector<16xf32>
      %max3A_215 = arith.maximumf %max3A_206, %min3A_214 : vector<16xf32>
      %max3A_216 = arith.maximumf %max3A_207, %get3A_213 : vector<16xf32>
      %max3A_217 = arith.maximumf %min3A_210, %get3A_213 : vector<16xf32>
      %min3A_218 = arith.minimumf %min3A_209, %max3A_217 : vector<16xf32>
      %min3A_219 = arith.minimumf %min3A_210, %get3A_213 : vector<16xf32>
      %get3A_220 = arith.constant 384 : index
      %get3A_221 = tpu.vector_load %arg4[%get3A_220] {strides = array<i32>} : memref<4096xf32, #tpu.memory_space<vmem>>, vector<16xf32>,
      %get3A_222 = vector.shape_cast %get3A_221 : vector<16xf32> to vector<16xf32>
      %min3A_223 = arith.minimumf %max3A_216, %get3A_222 : vector<16xf32>
      %max3A_224 = arith.maximumf %max3A_215, %min3A_223 : vector<16xf32>
      %max3A_225 = arith.maximumf %max3A_216, %get3A_222 : vector<16xf32>
      %max3A_226 = arith.maximumf %min3A_219, %get3A_222 : vector<16xf32>
      %min3A_227 = arith.minimumf %min3A_218, %max3A_226 : vector<16xf32>
      %min3A_228 = arith.minimumf %min3A_219, %get3A_222 : vector<16xf32>
      %get3A_229 = arith.constant 400 : index
      %get3A_230 = tpu.vector_load %arg4[%get3A_229] {strides = array<i32>} : memref<4096xf32, #tpu.memory_space<vmem>>, vector<16xf32>,
      %get3A_231 = vector.shape_cast %get3A_230 : vector<16xf32> to vector<16xf32>
      %min3A_232 = arith.minimumf %max3A_225, %get3A_231 : vector<16xf32>
      %max3A_233 = arith.maximumf %max3A_224, %min3A_232 : vector<16xf32>
      %max3A_234 = arith.maximumf %max3A_225, %get3A_231 : vector<16xf32>
      %max3A_235 = arith.maximumf %min3A_228, %get3A_231 : vector<16xf32>
      %min3A_236 = arith.minimumf %min3A_227, %max3A_235 : vector<16xf32>
      %min3A_237 = arith.minimumf %min3A_228, %get3A_231 : vector<16xf32>
      %get3A_238 = arith.constant 416 : index
      %get3A_239 = tpu.vector_load %arg4[%get3A_238] {strides = array<i32>} : memref<4096xf32, #tpu.memory_space<vmem>>, vector<16xf32>,
      %get3A_240 = vector.shape_cast %get3A_239 : vector<16xf32> to vector<16xf32>
      %min3A_241 = arith.minimumf %max3A_234, %get3A_240 : vector<16xf32>
      %max3A_242 = arith.maximumf %max3A_233, %min3A_241 : vector<16xf32>
      %max3A_243 = arith.maximumf %max3A_234, %get3A_240 : vector<16xf32>
      %max3A_244 = arith.maximumf %min3A_237, %get3A_240 : vector<16xf32>
      %min3A_245 = arith.minimumf %min3A_236, %max3A_244 : vector<16xf32>
      %min3A_246 = arith.minimumf %min3A_237, %get3A_240 : vector<16xf32>
      %get3A_247 = arith.constant 432 : index
      %get3A_248 = tpu.vector_load %arg4[%get3A_247] {strides = array<i32>} : memref<4096xf32, #tpu.memory_space<vmem>>, vector<16xf32>,
      %get3A_249 = vector.shape_cast %get3A_248 : vector<16xf32> to vector<16xf32>
      %min3A_250 = arith.minimumf %max3A_243, %get3A_249 : vector<16xf32>
      %max3A_251 = arith.maximumf %max3A_242, %min3A_250 : vector<16xf32>
      %max3A_252 = arith.maximumf %max3A_243, %get3A_249 : vector<16xf32>
      %max3A_253 = arith.maximumf %min3A_246, %get3A_249 : vector<16xf32>
      %min3A_254 = arith.minimumf %min3A_245, %max3A_253 : vector<16xf32>
      %min3A_255 = arith.minimumf %min3A_246, %get3A_249 : vector<16xf32>
      %get3A_256 = arith.constant 448 : index
      %get3A_257 = tpu.vector_load %arg4[%get3A_256] {strides = array<i32>} : memref<4096xf32, #tpu.memory_space<vmem>>, vector<16xf32>,
      %get3A_258 = vector.shape_cast %get3A_257 : vector<16xf32> to vector<16xf32>
      %min3A_259 = arith.minimumf %max3A_252, %get3A_258 : vector<16xf32>
      %max3A_260 = arith.maximumf %max3A_251, %min3A_259 : vector<16xf32>
      %max3A_261 = arith.maximumf %max3A_252, %get3A_258 : vector<16xf32>
      %max3A_262 = arith.maximumf %min3A_255, %get3A_258 : vector<16xf32>
      %min3A_263 = arith.minimumf %min3A_254, %max3A_262 : vector<16xf32>
      %min3A_264 = arith.minimumf %min3A_255, %get3A_258 : vector<16xf32>
      %get3A_265 = arith.constant 464 : index
      %get3A_266 = tpu.vector_load %arg4[%get3A_265] {strides = array<i32>} : memref<4096xf32, #tpu.memory_space<vmem>>, vector<16xf32>,
      %get3A_267 = vector.shape_cast %get3A_266 : vector<16xf32> to vector<16xf32>
      %min3A_268 = arith.minimumf %max3A_261, %get3A_267 : vector<16xf32>
      %max3A_269 = arith.maximumf %max3A_260, %min3A_268 : vector<16xf32>
      %max3A_270 = arith.maximumf %max3A_261, %get3A_267 : vector<16xf32>
      %max3A_271 = arith.maximumf %min3A_264, %get3A_267 : vector<16xf32>
      %min3A_272 = arith.minimumf %min3A_263, %max3A_271 : vector<16xf32>
      %min3A_273 = arith.minimumf %min3A_264, %get3A_267 : vector<16xf32>
      %get3A_274 = arith.constant 480 : index
      %get3A_275 = tpu.vector_load %arg4[%get3A_274] {strides = array<i32>} : memref<4096xf32, #tpu.memory_space<vmem>>, vector<16xf32>,
      %get3A_276 = vector.shape_cast %get3A_275 : vector<16xf32> to vector<16xf32>
      %min3A_277 = arith.minimumf %max3A_270, %get3A_276 : vector<16xf32>
      %max3A_278 = arith.maximumf %max3A_269, %min3A_277 : vector<16xf32>
      %max3A_279 = arith.maximumf %max3A_270, %get3A_276 : vector<16xf32>
      %max3A_280 = arith.maximumf %min3A_273, %get3A_276 : vector<16xf32>
      %min3A_281 = arith.minimumf %min3A_272, %max3A_280 : vector<16xf32>
      %min3A_282 = arith.minimumf %min3A_273, %get3A_276 : vector<16xf32>
      %get3A_283 = arith.constant 496 : index
      %get3A_284 = tpu.vector_load %arg4[%get3A_283] {strides = array<i32>} : memref<4096xf32, #tpu.memory_space<vmem>>, vector<16xf32>,
      %get3A_285 = vector.shape_cast %get3A_284 : vector<16xf32> to vector<16xf32>
      %min3A_286 = arith.minimumf %max3A_279, %get3A_285 : vector<16xf32>
      %max3A_287 = arith.maximumf %max3A_278, %min3A_286 : vector<16xf32>
      %max3A_288 = arith.maximumf %max3A_279, %get3A_285 : vector<16xf32>
      %max3A_289 = arith.maximumf %min3A_282, %get3A_285 : vector<16xf32>
      %min3A_290 = arith.minimumf %min3A_281, %max3A_289 : vector<16xf32>
      %min3A_291 = arith.minimumf %min3A_282, %get3A_285 : vector<16xf32>
      %get3A_292 = arith.constant 512 : index
      %get3A_293 = tpu.vector_load %arg4[%get3A_292] {strides = array<i32>} : memref<4096xf32, #tpu.memory_space<vmem>>, vector<16xf32>,
      %get3A_294 = vector.shape_cast %get3A_293 : vector<16xf32> to vector<16xf32>
      %min3A_295 = arith.minimumf %max3A_288, %get3A_294 : vector<16xf32>
      %max3A_296 = arith.maximumf %max3A_287, %min3A_295 : vector<16xf32>
      %max3A_297 = arith.maximumf %max3A_288, %get3A_294 : vector<16xf32>
      %max3A_298 = arith.maximumf %min3A_291, %get3A_294 : vector<16xf32>
      %min3A_299 = arith.minimumf %min3A_290, %max3A_298 : vector<16xf32>
      %min3A_300 = arith.minimumf %min3A_291, %get3A_294 : vector<16xf32>
      %get3A_301 = arith.constant 528 : index
      %get3A_302 = tpu.vector_load %arg4[%get3A_301] {strides = array<i32>} : memref<4096xf32, #tpu.memory_space<vmem>>, vector<16xf32>,
      %get3A_303 = vector.shape_cast %get3A_302 : vector<16xf32> to vector<16xf32>
      %min3A_304 = arith.minimumf %max3A_297, %get3A_303 : vector<16xf32>
      %max3A_305 = arith.maximumf %max3A_296, %min3A_304 : vector<16xf32>
      %max3A_306 = arith.maximumf %max3A_297, %get3A_303 : vector<16xf32>
      %max3A_307 = arith.maximumf %min3A_300, %get3A_303 : vector<16xf32>
      %min3A_308 = arith.minimumf %min3A_299, %max3A_307 : vector<16xf32>
      %min3A_309 = arith.minimumf %min3A_300, %get3A_303 : vector<16xf32>
      %get3A_310 = arith.constant 544 : index
      %get3A_311 = tpu.vector_load %arg4[%get3A_310] {strides = array<i32>} : memref<4096xf32, #tpu.memory_space<vmem>>, vector<16xf32>,
      %get3A_312 = vector.shape_cast %get3A_311 : vector<16xf32> to vector<16xf32>
      %min3A_313 = arith.minimumf %max3A_306, %get3A_312 : vector<16xf32>
      %max3A_314 = arith.maximumf %max3A_305, %min3A_313 : vector<16xf32>
      %max3A_315 = arith.maximumf %max3A_306, %get3A_312 : vector<16xf32>
      %max3A_316 = arith.maximumf %min3A_309, %get3A_312 : vector<16xf32>
      %min3A_317 = arith.minimumf %min3A_308, %max3A_316 : vector<16xf32>
      %min3A_318 = arith.minimumf %min3A_309, %get3A_312 : vector<16xf32>
      %get3A_319 = arith.constant 560 : index
      %get3A_320 = tpu.vector_load %arg4[%get3A_319] {strides = array<i32>} : memref<4096xf32, #tpu.memory_space<vmem>>, vector<16xf32>,
      %get3A_321 = vector.shape_cast %get3A_320 : vector<16xf32> to vector<16xf32>
      %min3A_322 = arith.minimumf %max3A_315, %get3A_321 : vector<16xf32>
      %max3A_323 = arith.maximumf %max3A_314, %min3A_322 : vector<16xf32>
      %max3A_324 = arith.maximumf %max3A_315, %get3A_321 : vector<16xf32>
      %max3A_325 = arith.maximumf %min3A_318, %get3A_321 : vector<16xf32>
      %min3A_326 = arith.minimumf %min3A_317, %max3A_325 : vector<16xf32>
      %min3A_327 = arith.minimumf %min3A_318, %get3A_321 : vector<16xf32>
      %get3A_328 = arith.constant 576 : index
      %get3A_329 = tpu.vector_load %arg4[%get3A_328] {strides = array<i32>} : memref<4096xf32, #tpu.memory_space<vmem>>, vector<16xf32>,
      %get3A_330 = vector.shape_cast %get3A_329 : vector<16xf32> to vector<16xf32>
      %min3A_331 = arith.minimumf %max3A_324, %get3A_330 : vector<16xf32>
      %max3A_332 = arith.maximumf %max3A_323, %min3A_331 : vector<16xf32>
      %max3A_333 = arith.maximumf %max3A_324, %get3A_330 : vector<16xf32>
      %max3A_334 = arith.maximumf %min3A_327, %get3A_330 : vector<16xf32>
      %min3A_335 = arith.minimumf %min3A_326, %max3A_334 : vector<16xf32>
      %min3A_336 = arith.minimumf %min3A_327, %get3A_330 : vector<16xf32>
      %get3A_337 = arith.constant 592 : index
      %get3A_338 = tpu.vector_load %arg4[%get3A_337] {strides = array<i32>} : memref<4096xf32, #tpu.memory_space<vmem>>, vector<16xf32>,
      %get3A_339 = vector.shape_cast %get3A_338 : vector<16xf32> to vector<16xf32>
      %min3A_340 = arith.minimumf %max3A_333, %get3A_339 : vector<16xf32>
      %max3A_341 = arith.maximumf %max3A_332, %min3A_340 : vector<16xf32>
      %max3A_342 = arith.maximumf %max3A_333, %get3A_339 : vector<16xf32>
      %max3A_343 = arith.maximumf %min3A_336, %get3A_339 : vector<16xf32>
      %min3A_344 = arith.minimumf %min3A_335, %max3A_343 : vector<16xf32>
      %min3A_345 = arith.minimumf %min3A_336, %get3A_339 : vector<16xf32>
      %get3A_346 = arith.constant 608 : index
      %get3A_347 = tpu.vector_load %arg4[%get3A_346] {strides = array<i32>} : memref<4096xf32, #tpu.memory_space<vmem>>, vector<16xf32>,
      %get3A_348 = vector.shape_cast %get3A_347 : vector<16xf32> to vector<16xf32>
      %min3A_349 = arith.minimumf %max3A_342, %get3A_348 : vector<16xf32>
      %max3A_350 = arith.maximumf %max3A_341, %min3A_349 : vector<16xf32>
      %max3A_351 = arith.maximumf %max3A_342, %get3A_348 : vector<16xf32>
      %max3A_352 = arith.maximumf %min3A_345, %get3A_348 : vector<16xf32>
      %min3A_353 = arith.minimumf %min3A_344, %max3A_352 : vector<16xf32>
      %min3A_354 = arith.minimumf %min3A_345, %get3A_348 : vector<16xf32>
      %get3A_355 = arith.constant 624 : index
      %get3A_356 = tpu.vector_load %arg4[%get3A_355] {strides = array<i32>} : memref<4096xf32, #tpu.memory_space<vmem>>, vector<16xf32>,
      %get3A_357 = vector.shape_cast %get3A_356 : vector<16xf32> to vector<16xf32>
      %min3A_358 = arith.minimumf %max3A_351, %get3A_357 : vector<16xf32>
      %max3A_359 = arith.maximumf %max3A_350, %min3A_358 : vector<16xf32>
      %max3A_360 = arith.maximumf %max3A_351, %get3A_357 : vector<16xf32>
      %max3A_361 = arith.maximumf %min3A_354, %get3A_357 : vector<16xf32>
      %min3A_362 = arith.minimumf %min3A_353, %max3A_361 : vector<16xf32>
      %min3A_363 = arith.minimumf %min3A_354, %get3A_357 : vector<16xf32>
      %get3A_364 = arith.constant 640 : index
      %get3A_365 = tpu.vector_load %arg4[%get3A_364] {strides = array<i32>} : memref<4096xf32, #tpu.memory_space<vmem>>, vector<16xf32>,
      %get3A_366 = vector.shape_cast %get3A_365 : vector<16xf32> to vector<16xf32>
      %min3A_367 = arith.minimumf %max3A_360, %get3A_366 : vector<16xf32>
      %max3A_368 = arith.maximumf %max3A_359, %min3A_367 : vector<16xf32>
      %max3A_369 = arith.maximumf %max3A_360, %get3A_366 : vector<16xf32>
      %max3A_370 = arith.maximumf %min3A_363, %get3A_366 : vector<16xf32>
      %min3A_371 = arith.minimumf %min3A_362, %max3A_370 : vector<16xf32>
      %min3A_372 = arith.minimumf %min3A_363, %get3A_366 : vector<16xf32>
      %get3A_373 = arith.constant 656 : index
      %get3A_374 = tpu.vector_load %arg4[%get3A_373] {strides = array<i32>} : memref<4096xf32, #tpu.memory_space<vmem>>, vector<16xf32>,
      %get3A_375 = vector.shape_cast %get3A_374 : vector<16xf32> to vector<16xf32>
      %min3A_376 = arith.minimumf %max3A_369, %get3A_375 : vector<16xf32>
      %max3A_377 = arith.maximumf %max3A_368, %min3A_376 : vector<16xf32>
      %max3A_378 = arith.maximumf %max3A_369, %get3A_375 : vector<16xf32>
      %max3A_379 = arith.maximumf %min3A_372, %get3A_375 : vector<16xf32>
      %min3A_380 = arith.minimumf %min3A_371, %max3A_379 : vector<16xf32>
      %min3A_381 = arith.minimumf %min3A_372, %get3A_375 : vector<16xf32>
      %get3A_382 = arith.constant 672 : index
      %get3A_383 = tpu.vector_load %arg4[%get3A_382] {strides = array<i32>} : memref<4096xf32, #tpu.memory_space<vmem>>, vector<16xf32>,
      %get3A_384 = vector.shape_cast %get3A_383 : vector<16xf32> to vector<16xf32>
      %min3A_385 = arith.minimumf %max3A_378, %get3A_384 : vector<16xf32>
      %max3A_386 = arith.maximumf %max3A_377, %min3A_385 : vector<16xf32>
      %max3A_387 = arith.maximumf %max3A_378, %get3A_384 : vector<16xf32>
      %max3A_388 = arith.maximumf %min3A_381, %get3A_384 : vector<16xf32>
      %min3A_389 = arith.minimumf %min3A_380, %max3A_388 : vector<16xf32>
      %min3A_390 = arith.minimumf %min3A_381, %get3A_384 : vector<16xf32>
      %get3A_391 = arith.constant 688 : index
      %get3A_392 = tpu.vector_load %arg4[%get3A_391] {strides = array<i32>} : memref<4096xf32, #tpu.memory_space<vmem>>, vector<16xf32>,
      %get3A_393 = vector.shape_cast %get3A_392 : vector<16xf32> to vector<16xf32>
      %min3A_394 = arith.minimumf %max3A_387, %get3A_393 : vector<16xf32>
      %max3A_395 = arith.maximumf %max3A_386, %min3A_394 : vector<16xf32>
      %max3A_396 = arith.maximumf %max3A_387, %get3A_393 : vector<16xf32>
      %max3A_397 = arith.maximumf %min3A_390, %get3A_393 : vector<16xf32>
      %min3A_398 = arith.minimumf %min3A_389, %max3A_397 : vector<16xf32>
      %min3A_399 = arith.minimumf %min3A_390, %get3A_393 : vector<16xf32>
      %get3A_400 = arith.constant 704 : index
      %get3A_401 = tpu.vector_load %arg4[%get3A_400] {strides = array<i32>} : memref<4096xf32, #tpu.memory_space<vmem>>, vector<16xf32>,
      %get3A_402 = vector.shape_cast %get3A_401 : vector<16xf32> to vector<16xf32>
      %min3A_403 = arith.minimumf %max3A_396, %get3A_402 : vector<16xf32>
      %max3A_404 = arith.maximumf %max3A_395, %min3A_403 : vector<16xf32>
      %max3A_405 = arith.maximumf %max3A_396, %get3A_402 : vector<16xf32>
      %max3A_406 = arith.maximumf %min3A_399, %get3A_402 : vector<16xf32>
      %min3A_407 = arith.minimumf %min3A_398, %max3A_406 : vector<16xf32>
      %min3A_408 = arith.minimumf %min3A_399, %get3A_402 : vector<16xf32>
      %get3A_409 = arith.constant 720 : index
      %get3A_410 = tpu.vector_load %arg4[%get3A_409] {strides = array<i32>} : memref<4096xf32, #tpu.memory_space<vmem>>, vector<16xf32>,
      %get3A_411 = vector.shape_cast %get3A_410 : vector<16xf32> to vector<16xf32>
      %min3A_412 = arith.minimumf %max3A_405, %get3A_411 : vector<16xf32>
      %max3A_413 = arith.maximumf %max3A_404, %min3A_412 : vector<16xf32>
      %max3A_414 = arith.maximumf %max3A_405, %get3A_411 : vector<16xf32>
      %max3A_415 = arith.maximumf %min3A_408, %get3A_411 : vector<16xf32>
      %min3A_416 = arith.minimumf %min3A_407, %max3A_415 : vector<16xf32>
      %min3A_417 = arith.minimumf %min3A_408, %get3A_411 : vector<16xf32>
      %get3A_418 = arith.constant 736 : index
      %get3A_419 = tpu.vector_load %arg4[%get3A_418] {strides = array<i32>} : memref<4096xf32, #tpu.memory_space<vmem>>, vector<16xf32>,
      %get3A_420 = vector.shape_cast %get3A_419 : vector<16xf32> to vector<16xf32>
      %min3A_421 = arith.minimumf %max3A_414, %get3A_420 : vector<16xf32>
      %max3A_422 = arith.maximumf %max3A_413, %min3A_421 : vector<16xf32>
      %max3A_423 = arith.maximumf %max3A_414, %get3A_420 : vector<16xf32>
      %max3A_424 = arith.maximumf %min3A_417, %get3A_420 : vector<16xf32>
      %min3A_425 = arith.minimumf %min3A_416, %max3A_424 : vector<16xf32>
      %min3A_426 = arith.minimumf %min3A_417, %get3A_420 : vector<16xf32>
      %get3A_427 = arith.constant 752 : index
      %get3A_428 = tpu.vector_load %arg4[%get3A_427] {strides = array<i32>} : memref<4096xf32, #tpu.memory_space<vmem>>, vector<16xf32>,
      %get3A_429 = vector.shape_cast %get3A_428 : vector<16xf32> to vector<16xf32>
      %min3A_430 = arith.minimumf %max3A_423, %get3A_429 : vector<16xf32>
      %max3A_431 = arith.maximumf %max3A_422, %min3A_430 : vector<16xf32>
      %max3A_432 = arith.maximumf %max3A_423, %get3A_429 : vector<16xf32>
      %max3A_433 = arith.maximumf %min3A_426, %get3A_429 : vector<16xf32>
      %min3A_434 = arith.minimumf %min3A_425, %max3A_433 : vector<16xf32>
      %min3A_435 = arith.minimumf %min3A_426, %get3A_429 : vector<16xf32>
      %get3A_436 = arith.constant 768 : index
      %get3A_437 = tpu.vector_load %arg4[%get3A_436] {strides = array<i32>} : memref<4096xf32, #tpu.memory_space<vmem>>, vector<16xf32>,
      %get3A_438 = vector.shape_cast %get3A_437 : vector<16xf32> to vector<16xf32>
      %min3A_439 = arith.minimumf %max3A_432, %get3A_438 : vector<16xf32>
      %max3A_440 = arith.maximumf %max3A_431, %min3A_439 : vector<16xf32>
      %max3A_441 = arith.maximumf %max3A_432, %get3A_438 : vector<16xf32>
      %max3A_442 = arith.maximumf %min3A_435, %get3A_438 : vector<16xf32>
      %min3A_443 = arith.minimumf %min3A_434, %max3A_442 : vector<16xf32>
      %min3A_444 = arith.minimumf %min3A_435, %get3A_438 : vector<16xf32>
      %get3A_445 = arith.constant 784 : index
      %get3A_446 = tpu.vector_load %arg4[%get3A_445] {strides = array<i32>} : memref<4096xf32, #tpu.memory_space<vmem>>, vector<16xf32>,
      %get3A_447 = vector.shape_cast %get3A_446 : vector<16xf32> to vector<16xf32>
      %min3A_448 = arith.minimumf %max3A_441, %get3A_447 : vector<16xf32>
      %max3A_449 = arith.maximumf %max3A_440, %min3A_448 : vector<16xf32>
      %max3A_450 = arith.maximumf %max3A_441, %get3A_447 : vector<16xf32>
      %max3A_451 = arith.maximumf %min3A_444, %get3A_447 : vector<16xf32>
      %min3A_452 = arith.minimumf %min3A_443, %max3A_451 : vector<16xf32>
      %min3A_453 = arith.minimumf %min3A_444, %get3A_447 : vector<16xf32>
      %get3A_454 = arith.constant 800 : index
      %get3A_455 = tpu.vector_load %arg4[%get3A_454] {strides = array<i32>} : memref<4096xf32, #tpu.memory_space<vmem>>, vector<16xf32>,
      %get3A_456 = vector.shape_cast %get3A_455 : vector<16xf32> to vector<16xf32>
      %min3A_457 = arith.minimumf %max3A_450, %get3A_456 : vector<16xf32>
      %max3A_458 = arith.maximumf %max3A_449, %min3A_457 : vector<16xf32>
      %max3A_459 = arith.maximumf %max3A_450, %get3A_456 : vector<16xf32>
      %max3A_460 = arith.maximumf %min3A_453, %get3A_456 : vector<16xf32>
      %min3A_461 = arith.minimumf %min3A_452, %max3A_460 : vector<16xf32>
      %min3A_462 = arith.minimumf %min3A_453, %get3A_456 : vector<16xf32>
      %get3A_463 = arith.constant 816 : index
      %get3A_464 = tpu.vector_load %arg4[%get3A_463] {strides = array<i32>} : memref<4096xf32, #tpu.memory_space<vmem>>, vector<16xf32>,
      %get3A_465 = vector.shape_cast %get3A_464 : vector<16xf32> to vector<16xf32>
      %min3A_466 = arith.minimumf %max3A_459, %get3A_465 : vector<16xf32>
      %max3A_467 = arith.maximumf %max3A_458, %min3A_466 : vector<16xf32>
      %max3A_468 = arith.maximumf %max3A_459, %get3A_465 : vector<16xf32>
      %max3A_469 = arith.maximumf %min3A_462, %get3A_465 : vector<16xf32>
      %min3A_470 = arith.minimumf %min3A_461, %max3A_469 : vector<16xf32>
      %min3A_471 = arith.minimumf %min3A_462, %get3A_465 : vector<16xf32>
      %get3A_472 = arith.constant 832 : index
      %get3A_473 = tpu.vector_load %arg4[%get3A_472] {strides = array<i32>} : memref<4096xf32, #tpu.memory_space<vmem>>, vector<16xf32>,
      %get3A_474 = vector.shape_cast %get3A_473 : vector<16xf32> to vector<16xf32>
      %min3A_475 = arith.minimumf %max3A_468, %get3A_474 : vector<16xf32>
      %max3A_476 = arith.maximumf %max3A_467, %min3A_475 : vector<16xf32>
      %max3A_477 = arith.maximumf %max3A_468, %get3A_474 : vector<16xf32>
      %max3A_478 = arith.maximumf %min3A_471, %get3A_474 : vector<16xf32>
      %min3A_479 = arith.minimumf %min3A_470, %max3A_478 : vector<16xf32>
      %min3A_480 = arith.minimumf %min3A_471, %get3A_474 : vector<16xf32>
      %get3A_481 = arith.constant 848 : index
      %get3A_482 = tpu.vector_load %arg4[%get3A_481] {strides = array<i32>} : memref<4096xf32, #tpu.memory_space<vmem>>, vector<16xf32>,
      %get3A_483 = vector.shape_cast %get3A_482 : vector<16xf32> to vector<16xf32>
      %min3A_484 = arith.minimumf %max3A_477, %get3A_483 : vector<16xf32>
      %max3A_485 = arith.maximumf %max3A_476, %min3A_484 : vector<16xf32>
      %max3A_486 = arith.maximumf %max3A_477, %get3A_483 : vector<16xf32>
      %max3A_487 = arith.maximumf %min3A_480, %get3A_483 : vector<16xf32>
      %min3A_488 = arith.minimumf %min3A_479, %max3A_487 : vector<16xf32>
      %min3A_489 = arith.minimumf %min3A_480, %get3A_483 : vector<16xf32>
      %get3A_490 = arith.constant 864 : index
      %get3A_491 = tpu.vector_load %arg4[%get3A_490] {strides = array<i32>} : memref<4096xf32, #tpu.memory_space<vmem>>, vector<16xf32>,
      %get3A_492 = vector.shape_cast %get3A_491 : vector<16xf32> to vector<16xf32>
      %min3A_493 = arith.minimumf %max3A_486, %get3A_492 : vector<16xf32>
      %max3A_494 = arith.maximumf %max3A_485, %min3A_493 : vector<16xf32>
      %max3A_495 = arith.maximumf %max3A_486, %get3A_492 : vector<16xf32>
      %max3A_496 = arith.maximumf %min3A_489, %get3A_492 : vector<16xf32>
      %min3A_497 = arith.minimumf %min3A_488, %max3A_496 : vector<16xf32>
      %min3A_498 = arith.minimumf %min3A_489, %get3A_492 : vector<16xf32>
      %get3A_499 = arith.constant 880 : index
      %get3A_500 = tpu.vector_load %arg4[%get3A_499] {strides = array<i32>} : memref<4096xf32, #tpu.memory_space<vmem>>, vector<16xf32>,
      %get3A_501 = vector.shape_cast %get3A_500 : vector<16xf32> to vector<16xf32>
      %min3A_502 = arith.minimumf %max3A_495, %get3A_501 : vector<16xf32>
      %max3A_503 = arith.maximumf %max3A_494, %min3A_502 : vector<16xf32>
      %max3A_504 = arith.maximumf %max3A_495, %get3A_501 : vector<16xf32>
      %max3A_505 = arith.maximumf %min3A_498, %get3A_501 : vector<16xf32>
      %min3A_506 = arith.minimumf %min3A_497, %max3A_505 : vector<16xf32>
      %min3A_507 = arith.minimumf %min3A_498, %get3A_501 : vector<16xf32>
      %get3A_508 = arith.constant 896 : index
      %get3A_509 = tpu.vector_load %arg4[%get3A_508] {strides = array<i32>} : memref<4096xf32, #tpu.memory_space<vmem>>, vector<16xf32>,
      %get3A_510 = vector.shape_cast %get3A_509 : vector<16xf32> to vector<16xf32>
      %min3A_511 = arith.minimumf %max3A_504, %get3A_510 : vector<16xf32>
      %max3A_512 = arith.maximumf %max3A_503, %min3A_511 : vector<16xf32>
      %max3A_513 = arith.maximumf %max3A_504, %get3A_510 : vector<16xf32>
      %max3A_514 = arith.maximumf %min3A_507, %get3A_510 : vector<16xf32>
      %min3A_515 = arith.minimumf %min3A_506, %max3A_514 : vector<16xf32>
      %min3A_516 = arith.minimumf %min3A_507, %get3A_510 : vector<16xf32>
      %get3A_517 = arith.constant 912 : index
      %get3A_518 = tpu.vector_load %arg4[%get3A_517] {strides = array<i32>} : memref<4096xf32, #tpu.memory_space<vmem>>, vector<16xf32>,
      %get3A_519 = vector.shape_cast %get3A_518 : vector<16xf32> to vector<16xf32>
      %min3A_520 = arith.minimumf %max3A_513, %get3A_519 : vector<16xf32>
      %max3A_521 = arith.maximumf %max3A_512, %min3A_520 : vector<16xf32>
      %max3A_522 = arith.maximumf %max3A_513, %get3A_519 : vector<16xf32>
      %max3A_523 = arith.maximumf %min3A_516, %get3A_519 : vector<16xf32>
      %min3A_524 = arith.minimumf %min3A_515, %max3A_523 : vector<16xf32>
      %min3A_525 = arith.minimumf %min3A_516, %get3A_519 : vector<16xf32>
      %get3A_526 = arith.constant 928 : index
      %get3A_527 = tpu.vector_load %arg4[%get3A_526] {strides = array<i32>} : memref<4096xf32, #tpu.memory_space<vmem>>, vector<16xf32>,
      %get3A_528 = vector.shape_cast %get3A_527 : vector<16xf32> to vector<16xf32>
      %min3A_529 = arith.minimumf %max3A_522, %get3A_528 : vector<16xf32>
      %max3A_530 = arith.maximumf %max3A_521, %min3A_529 : vector<16xf32>
      %max3A_531 = arith.maximumf %max3A_522, %get3A_528 : vector<16xf32>
      %max3A_532 = arith.maximumf %min3A_525, %get3A_528 : vector<16xf32>
      %min3A_533 = arith.minimumf %min3A_524, %max3A_532 : vector<16xf32>
      %min3A_534 = arith.minimumf %min3A_525, %get3A_528 : vector<16xf32>
      %get3A_535 = arith.constant 944 : index
      %get3A_536 = tpu.vector_load %arg4[%get3A_535] {strides = array<i32>} : memref<4096xf32, #tpu.memory_space<vmem>>, vector<16xf32>,
      %get3A_537 = vector.shape_cast %get3A_536 : vector<16xf32> to vector<16xf32>
      %min3A_538 = arith.minimumf %max3A_531, %get3A_537 : vector<16xf32>
      %max3A_539 = arith.maximumf %max3A_530, %min3A_538 : vector<16xf32>
      %max3A_540 = arith.maximumf %max3A_531, %get3A_537 : vector<16xf32>
      %max3A_541 = arith.maximumf %min3A_534, %get3A_537 : vector<16xf32>
      %min3A_542 = arith.minimumf %min3A_533, %max3A_541 : vector<16xf32>
      %min3A_543 = arith.minimumf %min3A_534, %get3A_537 : vector<16xf32>
      %get3A_544 = arith.constant 960 : index
      %get3A_545 = tpu.vector_load %arg4[%get3A_544] {strides = array<i32>} : memref<4096xf32, #tpu.memory_space<vmem>>, vector<16xf32>,
      %get3A_546 = vector.shape_cast %get3A_545 : vector<16xf32> to vector<16xf32>
      %min3A_547 = arith.minimumf %max3A_540, %get3A_546 : vector<16xf32>
      %max3A_548 = arith.maximumf %max3A_539, %min3A_547 : vector<16xf32>
      %max3A_549 = arith.maximumf %max3A_540, %get3A_546 : vector<16xf32>
      %max3A_550 = arith.maximumf %min3A_543, %get3A_546 : vector<16xf32>
      %min3A_551 = arith.minimumf %min3A_542, %max3A_550 : vector<16xf32>
      %min3A_552 = arith.minimumf %min3A_543, %get3A_546 : vector<16xf32>
      %get3A_553 = arith.constant 976 : index
      %get3A_554 = tpu.vector_load %arg4[%get3A_553] {strides = array<i32>} : memref<4096xf32, #tpu.memory_space<vmem>>, vector<16xf32>,
      %get3A_555 = vector.shape_cast %get3A_554 : vector<16xf32> to vector<16xf32>
      %min3A_556 = arith.minimumf %max3A_549, %get3A_555 : vector<16xf32>
      %max3A_557 = arith.maximumf %max3A_548, %min3A_556 : vector<16xf32>
      %max3A_558 = arith.maximumf %max3A_549, %get3A_555 : vector<16xf32>
      %max3A_559 = arith.maximumf %min3A_552, %get3A_555 : vector<16xf32>
      %min3A_560 = arith.minimumf %min3A_551, %max3A_559 : vector<16xf32>
      %min3A_561 = arith.minimumf %min3A_552, %get3A_555 : vector<16xf32>
      %get3A_562 = arith.constant 992 : index
      %get3A_563 = tpu.vector_load %arg4[%get3A_562] {strides = array<i32>} : memref<4096xf32, #tpu.memory_space<vmem>>, vector<16xf32>,
      %get3A_564 = vector.shape_cast %get3A_563 : vector<16xf32> to vector<16xf32>
      %min3A_565 = arith.minimumf %max3A_558, %get3A_564 : vector<16xf32>
      %max3A_566 = arith.maximumf %max3A_557, %min3A_565 : vector<16xf32>
      %max3A_567 = arith.maximumf %max3A_558, %get3A_564 : vector<16xf32>
      %max3A_568 = arith.maximumf %min3A_561, %get3A_564 : vector<16xf32>
      %min3A_569 = arith.minimumf %min3A_560, %max3A_568 : vector<16xf32>
      %min3A_570 = arith.minimumf %min3A_561, %get3A_564 : vector<16xf32>
      %get3A_571 = arith.constant 1008 : index
      %get3A_572 = tpu.vector_load %arg4[%get3A_571] {strides = array<i32>} : memref<4096xf32, #tpu.memory_space<vmem>>, vector<16xf32>,
      %get3A_573 = vector.shape_cast %get3A_572 : vector<16xf32> to vector<16xf32>
      %min3A_574 = arith.minimumf %max3A_567, %get3A_573 : vector<16xf32>
      %max3A_575 = arith.maximumf %max3A_566, %min3A_574 : vector<16xf32>
      %max3A_576 = arith.maximumf %max3A_567, %get3A_573 : vector<16xf32>
      %max3A_577 = arith.maximumf %min3A_570, %get3A_573 : vector<16xf32>
      %min3A_578 = arith.minimumf %min3A_569, %max3A_577 : vector<16xf32>
      %min3A_579 = arith.minimumf %min3A_570, %get3A_573 : vector<16xf32>
      %get3A_580 = arith.constant 1024 : index
      %get3A_581 = tpu.vector_load %arg4[%get3A_580] {strides = array<i32>} : memref<4096xf32, #tpu.memory_space<vmem>>, vector<16xf32>,
      %get3A_582 = vector.shape_cast %get3A_581 : vector<16xf32> to vector<16xf32>
      %min3A_583 = arith.minimumf %max3A_576, %get3A_582 : vector<16xf32>
      %max3A_584 = arith.maximumf %max3A_575, %min3A_583 : vector<16xf32>
      %max3A_585 = arith.maximumf %max3A_576, %get3A_582 : vector<16xf32>
      %max3A_586 = arith.maximumf %min3A_579, %get3A_582 : vector<16xf32>
      %min3A_587 = arith.minimumf %min3A_578, %max3A_586 : vector<16xf32>
      %min3A_588 = arith.minimumf %min3A_579, %get3A_582 : vector<16xf32>
      %get3A_589 = arith.constant 1040 : index
      %get3A_590 = tpu.vector_load %arg4[%get3A_589] {strides = array<i32>} : memref<4096xf32, #tpu.memory_space<vmem>>, vector<16xf32>,
      %get3A_591 = vector.shape_cast %get3A_590 : vector<16xf32> to vector<16xf32>
      %min3A_592 = arith.minimumf %max3A_585, %get3A_591 : vector<16xf32>
      %max3A_593 = arith.maximumf %max3A_584, %min3A_592 : vector<16xf32>
      %max3A_594 = arith.maximumf %max3A_585, %get3A_591 : vector<16xf32>
      %max3A_595 = arith.maximumf %min3A_588, %get3A_591 : vector<16xf32>
      %min3A_596 = arith.minimumf %min3A_587, %max3A_595 : vector<16xf32>
      %min3A_597 = arith.minimumf %min3A_588, %get3A_591 : vector<16xf32>
      %get3A_598 = arith.constant 1056 : index
      %get3A_599 = tpu.vector_load %arg4[%get3A_598] {strides = array<i32>} : memref<4096xf32, #tpu.memory_space<vmem>>, vector<16xf32>,
      %get3A_600 = vector.shape_cast %get3A_599 : vector<16xf32> to vector<16xf32>
      %min3A_601 = arith.minimumf %max3A_594, %get3A_600 : vector<16xf32>
      %max3A_602 = arith.maximumf %max3A_593, %min3A_601 : vector<16xf32>
      %max3A_603 = arith.maximumf %max3A_594, %get3A_600 : vector<16xf32>
      %max3A_604 = arith.maximumf %min3A_597, %get3A_600 : vector<16xf32>
      %min3A_605 = arith.minimumf %min3A_596, %max3A_604 : vector<16xf32>
      %min3A_606 = arith.minimumf %min3A_597, %get3A_600 : vector<16xf32>
      %get3A_607 = arith.constant 1072 : index
      %get3A_608 = tpu.vector_load %arg4[%get3A_607] {strides = array<i32>} : memref<4096xf32, #tpu.memory_space<vmem>>, vector<16xf32>,
      %get3A_609 = vector.shape_cast %get3A_608 : vector<16xf32> to vector<16xf32>
      %min3A_610 = arith.minimumf %max3A_603, %get3A_609 : vector<16xf32>
      %max3A_611 = arith.maximumf %max3A_602, %min3A_610 : vector<16xf32>
      %max3A_612 = arith.maximumf %max3A_603, %get3A_609 : vector<16xf32>
      %max3A_613 = arith.maximumf %min3A_606, %get3A_609 : vector<16xf32>
      %min3A_614 = arith.minimumf %min3A_605, %max3A_613 : vector<16xf32>
      %min3A_615 = arith.minimumf %min3A_606, %get3A_609 : vector<16xf32>
      %get3A_616 = arith.constant 1088 : index
      %get3A_617 = tpu.vector_load %arg4[%get3A_616] {strides = array<i32>} : memref<4096xf32, #tpu.memory_space<vmem>>, vector<16xf32>,
      %get3A_618 = vector.shape_cast %get3A_617 : vector<16xf32> to vector<16xf32>
      %min3A_619 = arith.minimumf %max3A_612, %get3A_618 : vector<16xf32>
      %max3A_620 = arith.maximumf %max3A_611, %min3A_619 : vector<16xf32>
      %max3A_621 = arith.maximumf %max3A_612, %get3A_618 : vector<16xf32>
      %max3A_622 = arith.maximumf %min3A_615, %get3A_618 : vector<16xf32>
      %min3A_623 = arith.minimumf %min3A_614, %max3A_622 : vector<16xf32>
      %min3A_624 = arith.minimumf %min3A_615, %get3A_618 : vector<16xf32>
      %get3A_625 = arith.constant 1104 : index
      %get3A_626 = tpu.vector_load %arg4[%get3A_625] {strides = array<i32>} : memref<4096xf32, #tpu.memory_space<vmem>>, vector<16xf32>,
      %get3A_627 = vector.shape_cast %get3A_626 : vector<16xf32> to vector<16xf32>
      %min3A_628 = arith.minimumf %max3A_621, %get3A_627 : vector<16xf32>
      %max3A_629 = arith.maximumf %max3A_620, %min3A_628 : vector<16xf32>
      %max3A_630 = arith.maximumf %max3A_621, %get3A_627 : vector<16xf32>
      %max3A_631 = arith.maximumf %min3A_624, %get3A_627 : vector<16xf32>
      %min3A_632 = arith.minimumf %min3A_623, %max3A_631 : vector<16xf32>
      %min3A_633 = arith.minimumf %min3A_624, %get3A_627 : vector<16xf32>
      %get3A_634 = arith.constant 1120 : index
      %get3A_635 = tpu.vector_load %arg4[%get3A_634] {strides = array<i32>} : memref<4096xf32, #tpu.memory_space<vmem>>, vector<16xf32>,
      %get3A_636 = vector.shape_cast %get3A_635 : vector<16xf32> to vector<16xf32>
      %min3A_637 = arith.minimumf %max3A_630, %get3A_636 : vector<16xf32>
      %max3A_638 = arith.maximumf %max3A_629, %min3A_637 : vector<16xf32>
      %max3A_639 = arith.maximumf %max3A_630, %get3A_636 : vector<16xf32>
      %max3A_640 = arith.maximumf %min3A_633, %get3A_636 : vector<16xf32>
      %min3A_641 = arith.minimumf %min3A_632, %max3A_640 : vector<16xf32>
      %min3A_642 = arith.minimumf %min3A_633, %get3A_636 : vector<16xf32>
      %get3A_643 = arith.constant 1136 : index
      %get3A_644 = tpu.vector_load %arg4[%get3A_643] {strides = array<i32>} : memref<4096xf32, #tpu.memory_space<vmem>>, vector<16xf32>,
      %get3A_645 = vector.shape_cast %get3A_644 : vector<16xf32> to vector<16xf32>
      %min3A_646 = arith.minimumf %max3A_639, %get3A_645 : vector<16xf32>
      %max3A_647 = arith.maximumf %max3A_638, %min3A_646 : vector<16xf32>
      %max3A_648 = arith.maximumf %max3A_639, %get3A_645 : vector<16xf32>
      %max3A_649 = arith.maximumf %min3A_642, %get3A_645 : vector<16xf32>
      %min3A_650 = arith.minimumf %min3A_641, %max3A_649 : vector<16xf32>
      %min3A_651 = arith.minimumf %min3A_642, %get3A_645 : vector<16xf32>
      %get3A_652 = arith.constant 1152 : index
      %get3A_653 = tpu.vector_load %arg4[%get3A_652] {strides = array<i32>} : memref<4096xf32, #tpu.memory_space<vmem>>, vector<16xf32>,
      %get3A_654 = vector.shape_cast %get3A_653 : vector<16xf32> to vector<16xf32>
      %min3A_655 = arith.minimumf %max3A_648, %get3A_654 : vector<16xf32>
      %max3A_656 = arith.maximumf %max3A_647, %min3A_655 : vector<16xf32>
      %max3A_657 = arith.maximumf %max3A_648, %get3A_654 : vector<16xf32>
      %max3A_658 = arith.maximumf %min3A_651, %get3A_654 : vector<16xf32>
      %min3A_659 = arith.minimumf %min3A_650, %max3A_658 : vector<16xf32>
      %min3A_660 = arith.minimumf %min3A_651, %get3A_654 : vector<16xf32>
      %get3A_661 = arith.constant 1168 : index
      %get3A_662 = tpu.vector_load %arg4[%get3A_661] {strides = array<i32>} : memref<4096xf32, #tpu.memory_space<vmem>>, vector<16xf32>,
      %get3A_663 = vector.shape_cast %get3A_662 : vector<16xf32> to vector<16xf32>
      %min3A_664 = arith.minimumf %max3A_657, %get3A_663 : vector<16xf32>
      %max3A_665 = arith.maximumf %max3A_656, %min3A_664 : vector<16xf32>
      %max3A_666 = arith.maximumf %max3A_657, %get3A_663 : vector<16xf32>
      %max3A_667 = arith.maximumf %min3A_660, %get3A_663 : vector<16xf32>
      %min3A_668 = arith.minimumf %min3A_659, %max3A_667 : vector<16xf32>
      %min3A_669 = arith.minimumf %min3A_660, %get3A_663 : vector<16xf32>
      %get3A_670 = arith.constant 1184 : index
      %get3A_671 = tpu.vector_load %arg4[%get3A_670] {strides = array<i32>} : memref<4096xf32, #tpu.memory_space<vmem>>, vector<16xf32>,
      %get3A_672 = vector.shape_cast %get3A_671 : vector<16xf32> to vector<16xf32>
      %min3A_673 = arith.minimumf %max3A_666, %get3A_672 : vector<16xf32>
      %max3A_674 = arith.maximumf %max3A_665, %min3A_673 : vector<16xf32>
      %max3A_675 = arith.maximumf %max3A_666, %get3A_672 : vector<16xf32>
      %max3A_676 = arith.maximumf %min3A_669, %get3A_672 : vector<16xf32>
      %min3A_677 = arith.minimumf %min3A_668, %max3A_676 : vector<16xf32>
      %min3A_678 = arith.minimumf %min3A_669, %get3A_672 : vector<16xf32>
      %get3A_679 = arith.constant 1200 : index
      %get3A_680 = tpu.vector_load %arg4[%get3A_679] {strides = array<i32>} : memref<4096xf32, #tpu.memory_space<vmem>>, vector<16xf32>,
      %get3A_681 = vector.shape_cast %get3A_680 : vector<16xf32> to vector<16xf32>
      %min3A_682 = arith.minimumf %max3A_675, %get3A_681 : vector<16xf32>
      %max3A_683 = arith.maximumf %max3A_674, %min3A_682 : vector<16xf32>
      %max3A_684 = arith.maximumf %max3A_675, %get3A_681 : vector<16xf32>
      %max3A_685 = arith.maximumf %min3A_678, %get3A_681 : vector<16xf32>
      %min3A_686 = arith.minimumf %min3A_677, %max3A_685 : vector<16xf32>
      %min3A_687 = arith.minimumf %min3A_678, %get3A_681 : vector<16xf32>
      %get3A_688 = arith.constant 1216 : index
      %get3A_689 = tpu.vector_load %arg4[%get3A_688] {strides = array<i32>} : memref<4096xf32, #tpu.memory_space<vmem>>, vector<16xf32>,
      %get3A_690 = vector.shape_cast %get3A_689 : vector<16xf32> to vector<16xf32>
      %min3A_691 = arith.minimumf %max3A_684, %get3A_690 : vector<16xf32>
      %max3A_692 = arith.maximumf %max3A_683, %min3A_691 : vector<16xf32>
      %max3A_693 = arith.maximumf %max3A_684, %get3A_690 : vector<16xf32>
      %max3A_694 = arith.maximumf %min3A_687, %get3A_690 : vector<16xf32>
      %min3A_695 = arith.minimumf %min3A_686, %max3A_694 : vector<16xf32>
      %min3A_696 = arith.minimumf %min3A_687, %get3A_690 : vector<16xf32>
      %get3A_697 = arith.constant 1232 : index
      %get3A_698 = tpu.vector_load %arg4[%get3A_697] {strides = array<i32>} : memref<4096xf32, #tpu.memory_space<vmem>>, vector<16xf32>,
      %get3A_699 = vector.shape_cast %get3A_698 : vector<16xf32> to vector<16xf32>
      %min3A_700 = arith.minimumf %max3A_693, %get3A_699 : vector<16xf32>
      %max3A_701 = arith.maximumf %max3A_692, %min3A_700 : vector<16xf32>
      %max3A_702 = arith.maximumf %max3A_693, %get3A_699 : vector<16xf32>
      %max3A_703 = arith.maximumf %min3A_696, %get3A_699 : vector<16xf32>
      %min3A_704 = arith.minimumf %min3A_695, %max3A_703 : vector<16xf32>
      %min3A_705 = arith.minimumf %min3A_696, %get3A_699 : vector<16xf32>
      %get3A_706 = arith.constant 1248 : index
      %get3A_707 = tpu.vector_load %arg4[%get3A_706] {strides = array<i32>} : memref<4096xf32, #tpu.memory_space<vmem>>, vector<16xf32>,
      %get3A_708 = vector.shape_cast %get3A_707 : vector<16xf32> to vector<16xf32>
      %min3A_709 = arith.minimumf %max3A_702, %get3A_708 : vector<16xf32>
      %max3A_710 = arith.maximumf %max3A_701, %min3A_709 : vector<16xf32>
      %max3A_711 = arith.maximumf %max3A_702, %get3A_708 : vector<16xf32>
      %max3A_712 = arith.maximumf %min3A_705, %get3A_708 : vector<16xf32>
      %min3A_713 = arith.minimumf %min3A_704, %max3A_712 : vector<16xf32>
      %min3A_714 = arith.minimumf %min3A_705, %get3A_708 : vector<16xf32>
      %get3A_715 = arith.constant 1264 : index
      %get3A_716 = tpu.vector_load %arg4[%get3A_715] {strides = array<i32>} : memref<4096xf32, #tpu.memory_space<vmem>>, vector<16xf32>,
      %get3A_717 = vector.shape_cast %get3A_716 : vector<16xf32> to vector<16xf32>
      %min3A_718 = arith.minimumf %max3A_711, %get3A_717 : vector<16xf32>
      %max3A_719 = arith.maximumf %max3A_710, %min3A_718 : vector<16xf32>
      %max3A_720 = arith.maximumf %max3A_711, %get3A_717 : vector<16xf32>
      %max3A_721 = arith.maximumf %min3A_714, %get3A_717 : vector<16xf32>
      %min3A_722 = arith.minimumf %min3A_713, %max3A_721 : vector<16xf32>
      %min3A_723 = arith.minimumf %min3A_714, %get3A_717 : vector<16xf32>
      %get3A_724 = arith.constant 1280 : index
      %get3A_725 = tpu.vector_load %arg4[%get3A_724] {strides = array<i32>} : memref<4096xf32, #tpu.memory_space<vmem>>, vector<16xf32>,
      %get3A_726 = vector.shape_cast %get3A_725 : vector<16xf32> to vector<16xf32>
      %min3A_727 = arith.minimumf %max3A_720, %get3A_726 : vector<16xf32>
      %max3A_728 = arith.maximumf %max3A_719, %min3A_727 : vector<16xf32>
      %max3A_729 = arith.maximumf %max3A_720, %get3A_726 : vector<16xf32>
      %max3A_730 = arith.maximumf %min3A_723, %get3A_726 : vector<16xf32>
      %min3A_731 = arith.minimumf %min3A_722, %max3A_730 : vector<16xf32>
      %min3A_732 = arith.minimumf %min3A_723, %get3A_726 : vector<16xf32>
      %get3A_733 = arith.constant 1296 : index
      %get3A_734 = tpu.vector_load %arg4[%get3A_733] {strides = array<i32>} : memref<4096xf32, #tpu.memory_space<vmem>>, vector<16xf32>,
      %get3A_735 = vector.shape_cast %get3A_734 : vector<16xf32> to vector<16xf32>
      %min3A_736 = arith.minimumf %max3A_729, %get3A_735 : vector<16xf32>
      %max3A_737 = arith.maximumf %max3A_728, %min3A_736 : vector<16xf32>
      %max3A_738 = arith.maximumf %max3A_729, %get3A_735 : vector<16xf32>
      %max3A_739 = arith.maximumf %min3A_732, %get3A_735 : vector<16xf32>
      %min3A_740 = arith.minimumf %min3A_731, %max3A_739 : vector<16xf32>
      %min3A_741 = arith.minimumf %min3A_732, %get3A_735 : vector<16xf32>
      %get3A_742 = arith.constant 1312 : index
      %get3A_743 = tpu.vector_load %arg4[%get3A_742] {strides = array<i32>} : memref<4096xf32, #tpu.memory_space<vmem>>, vector<16xf32>,
      %get3A_744 = vector.shape_cast %get3A_743 : vector<16xf32> to vector<16xf32>
      %min3A_745 = arith.minimumf %max3A_738, %get3A_744 : vector<16xf32>
      %max3A_746 = arith.maximumf %max3A_737, %min3A_745 : vector<16xf32>
      %max3A_747 = arith.maximumf %max3A_738, %get3A_744 : vector<16xf32>
      %max3A_748 = arith.maximumf %min3A_741, %get3A_744 : vector<16xf32>
      %min3A_749 = arith.minimumf %min3A_740, %max3A_748 : vector<16xf32>
      %min3A_750 = arith.minimumf %min3A_741, %get3A_744 : vector<16xf32>
      %get3A_751 = arith.constant 1328 : index
      %get3A_752 = tpu.vector_load %arg4[%get3A_751] {strides = array<i32>} : memref<4096xf32, #tpu.memory_space<vmem>>, vector<16xf32>,
      %get3A_753 = vector.shape_cast %get3A_752 : vector<16xf32> to vector<16xf32>
      %min3A_754 = arith.minimumf %max3A_747, %get3A_753 : vector<16xf32>
      %max3A_755 = arith.maximumf %max3A_746, %min3A_754 : vector<16xf32>
      %max3A_756 = arith.maximumf %max3A_747, %get3A_753 : vector<16xf32>
      %max3A_757 = arith.maximumf %min3A_750, %get3A_753 : vector<16xf32>
      %min3A_758 = arith.minimumf %min3A_749, %max3A_757 : vector<16xf32>
      %min3A_759 = arith.minimumf %min3A_750, %get3A_753 : vector<16xf32>
      %get3A_760 = arith.constant 1344 : index
      %get3A_761 = tpu.vector_load %arg4[%get3A_760] {strides = array<i32>} : memref<4096xf32, #tpu.memory_space<vmem>>, vector<16xf32>,
      %get3A_762 = vector.shape_cast %get3A_761 : vector<16xf32> to vector<16xf32>
      %min3A_763 = arith.minimumf %max3A_756, %get3A_762 : vector<16xf32>
      %max3A_764 = arith.maximumf %max3A_755, %min3A_763 : vector<16xf32>
      %max3A_765 = arith.maximumf %max3A_756, %get3A_762 : vector<16xf32>
      %max3A_766 = arith.maximumf %min3A_759, %get3A_762 : vector<16xf32>
      %min3A_767 = arith.minimumf %min3A_758, %max3A_766 : vector<16xf32>
      %min3A_768 = arith.minimumf %min3A_759, %get3A_762 : vector<16xf32>
      %get3A_769 = arith.constant 1360 : index
      %get3A_770 = tpu.vector_load %arg4[%get3A_769] {strides = array<i32>} : memref<4096xf32, #tpu.memory_space<vmem>>, vector<16xf32>,
      %get3A_771 = vector.shape_cast %get3A_770 : vector<16xf32> to vector<16xf32>
      %min3A_772 = arith.minimumf %max3A_765, %get3A_771 : vector<16xf32>
      %max3A_773 = arith.maximumf %max3A_764, %min3A_772 : vector<16xf32>
      %max3A_774 = arith.maximumf %max3A_765, %get3A_771 : vector<16xf32>
      %max3A_775 = arith.maximumf %min3A_768, %get3A_771 : vector<16xf32>
      %min3A_776 = arith.minimumf %min3A_767, %max3A_775 : vector<16xf32>
      %min3A_777 = arith.minimumf %min3A_768, %get3A_771 : vector<16xf32>
      %get3A_778 = arith.constant 1376 : index
      %get3A_779 = tpu.vector_load %arg4[%get3A_778] {strides = array<i32>} : memref<4096xf32, #tpu.memory_space<vmem>>, vector<16xf32>,
      %get3A_780 = vector.shape_cast %get3A_779 : vector<16xf32> to vector<16xf32>
      %min3A_781 = arith.minimumf %max3A_774, %get3A_780 : vector<16xf32>
      %max3A_782 = arith.maximumf %max3A_773, %min3A_781 : vector<16xf32>
      %max3A_783 = arith.maximumf %max3A_774, %get3A_780 : vector<16xf32>
      %max3A_784 = arith.maximumf %min3A_777, %get3A_780 : vector<16xf32>
      %min3A_785 = arith.minimumf %min3A_776, %max3A_784 : vector<16xf32>
      %min3A_786 = arith.minimumf %min3A_777, %get3A_780 : vector<16xf32>
      %get3A_787 = arith.constant 1392 : index
      %get3A_788 = tpu.vector_load %arg4[%get3A_787] {strides = array<i32>} : memref<4096xf32, #tpu.memory_space<vmem>>, vector<16xf32>,
      %get3A_789 = vector.shape_cast %get3A_788 : vector<16xf32> to vector<16xf32>
      %min3A_790 = arith.minimumf %max3A_783, %get3A_789 : vector<16xf32>
      %max3A_791 = arith.maximumf %max3A_782, %min3A_790 : vector<16xf32>
      %max3A_792 = arith.maximumf %max3A_783, %get3A_789 : vector<16xf32>
      %max3A_793 = arith.maximumf %min3A_786, %get3A_789 : vector<16xf32>
      %min3A_794 = arith.minimumf %min3A_785, %max3A_793 : vector<16xf32>
      %min3A_795 = arith.minimumf %min3A_786, %get3A_789 : vector<16xf32>
      %get3A_796 = arith.constant 1408 : index
      %get3A_797 = tpu.vector_load %arg4[%get3A_796] {strides = array<i32>} : memref<4096xf32, #tpu.memory_space<vmem>>, vector<16xf32>,
      %get3A_798 = vector.shape_cast %get3A_797 : vector<16xf32> to vector<16xf32>
      %min3A_799 = arith.minimumf %max3A_792, %get3A_798 : vector<16xf32>
      %max3A_800 = arith.maximumf %max3A_791, %min3A_799 : vector<16xf32>
      %max3A_801 = arith.maximumf %max3A_792, %get3A_798 : vector<16xf32>
      %max3A_802 = arith.maximumf %min3A_795, %get3A_798 : vector<16xf32>
      %min3A_803 = arith.minimumf %min3A_794, %max3A_802 : vector<16xf32>
      %min3A_804 = arith.minimumf %min3A_795, %get3A_798 : vector<16xf32>
      %get3A_805 = arith.constant 1424 : index
      %get3A_806 = tpu.vector_load %arg4[%get3A_805] {strides = array<i32>} : memref<4096xf32, #tpu.memory_space<vmem>>, vector<16xf32>,
      %get3A_807 = vector.shape_cast %get3A_806 : vector<16xf32> to vector<16xf32>
      %min3A_808 = arith.minimumf %max3A_801, %get3A_807 : vector<16xf32>
      %max3A_809 = arith.maximumf %max3A_800, %min3A_808 : vector<16xf32>
      %max3A_810 = arith.maximumf %max3A_801, %get3A_807 : vector<16xf32>
      %max3A_811 = arith.maximumf %min3A_804, %get3A_807 : vector<16xf32>
      %min3A_812 = arith.minimumf %min3A_803, %max3A_811 : vector<16xf32>
      %min3A_813 = arith.minimumf %min3A_804, %get3A_807 : vector<16xf32>
      %get3A_814 = arith.constant 1440 : index
      %get3A_815 = tpu.vector_load %arg4[%get3A_814] {strides = array<i32>} : memref<4096xf32, #tpu.memory_space<vmem>>, vector<16xf32>,
      %get3A_816 = vector.shape_cast %get3A_815 : vector<16xf32> to vector<16xf32>
      %min3A_817 = arith.minimumf %max3A_810, %get3A_816 : vector<16xf32>
      %max3A_818 = arith.maximumf %max3A_809, %min3A_817 : vector<16xf32>
      %max3A_819 = arith.maximumf %max3A_810, %get3A_816 : vector<16xf32>
      %max3A_820 = arith.maximumf %min3A_813, %get3A_816 : vector<16xf32>
      %min3A_821 = arith.minimumf %min3A_812, %max3A_820 : vector<16xf32>
      %min3A_822 = arith.minimumf %min3A_813, %get3A_816 : vector<16xf32>
      %get3A_823 = arith.constant 1456 : index
      %get3A_824 = tpu.vector_load %arg4[%get3A_823] {strides = array<i32>} : memref<4096xf32, #tpu.memory_space<vmem>>, vector<16xf32>,
      %get3A_825 = vector.shape_cast %get3A_824 : vector<16xf32> to vector<16xf32>
      %min3A_826 = arith.minimumf %max3A_819, %get3A_825 : vector<16xf32>
      %max3A_827 = arith.maximumf %max3A_818, %min3A_826 : vector<16xf32>
      %max3A_828 = arith.maximumf %max3A_819, %get3A_825 : vector<16xf32>
      %max3A_829 = arith.maximumf %min3A_822, %get3A_825 : vector<16xf32>
      %min3A_830 = arith.minimumf %min3A_821, %max3A_829 : vector<16xf32>
      %min3A_831 = arith.minimumf %min3A_822, %get3A_825 : vector<16xf32>
      %get3A_832 = arith.constant 1472 : index
      %get3A_833 = tpu.vector_load %arg4[%get3A_832] {strides = array<i32>} : memref<4096xf32, #tpu.memory_space<vmem>>, vector<16xf32>,
      %get3A_834 = vector.shape_cast %get3A_833 : vector<16xf32> to vector<16xf32>
      %min3A_835 = arith.minimumf %max3A_828, %get3A_834 : vector<16xf32>
      %max3A_836 = arith.maximumf %max3A_827, %min3A_835 : vector<16xf32>
      %max3A_837 = arith.maximumf %max3A_828, %get3A_834 : vector<16xf32>
      %max3A_838 = arith.maximumf %min3A_831, %get3A_834 : vector<16xf32>
      %min3A_839 = arith.minimumf %min3A_830, %max3A_838 : vector<16xf32>
      %min3A_840 = arith.minimumf %min3A_831, %get3A_834 : vector<16xf32>
      %get3A_841 = arith.constant 1488 : index
      %get3A_842 = tpu.vector_load %arg4[%get3A_841] {strides = array<i32>} : memref<4096xf32, #tpu.memory_space<vmem>>, vector<16xf32>,
      %get3A_843 = vector.shape_cast %get3A_842 : vector<16xf32> to vector<16xf32>
      %min3A_844 = arith.minimumf %max3A_837, %get3A_843 : vector<16xf32>
      %max3A_845 = arith.maximumf %max3A_836, %min3A_844 : vector<16xf32>
      %max3A_846 = arith.maximumf %max3A_837, %get3A_843 : vector<16xf32>
      %max3A_847 = arith.maximumf %min3A_840, %get3A_843 : vector<16xf32>
      %min3A_848 = arith.minimumf %min3A_839, %max3A_847 : vector<16xf32>
      %min3A_849 = arith.minimumf %min3A_840, %get3A_843 : vector<16xf32>
      %get3A_850 = arith.constant 1504 : index
      %get3A_851 = tpu.vector_load %arg4[%get3A_850] {strides = array<i32>} : memref<4096xf32, #tpu.memory_space<vmem>>, vector<16xf32>,
      %get3A_852 = vector.shape_cast %get3A_851 : vector<16xf32> to vector<16xf32>
      %min3A_853 = arith.minimumf %max3A_846, %get3A_852 : vector<16xf32>
      %max3A_854 = arith.maximumf %max3A_845, %min3A_853 : vector<16xf32>
      %max3A_855 = arith.maximumf %max3A_846, %get3A_852 : vector<16xf32>
      %max3A_856 = arith.maximumf %min3A_849, %get3A_852 : vector<16xf32>
      %min3A_857 = arith.minimumf %min3A_848, %max3A_856 : vector<16xf32>
      %min3A_858 = arith.minimumf %min3A_849, %get3A_852 : vector<16xf32>
      %get3A_859 = arith.constant 1520 : index
      %get3A_860 = tpu.vector_load %arg4[%get3A_859] {strides = array<i32>} : memref<4096xf32, #tpu.memory_space<vmem>>, vector<16xf32>,
      %get3A_861 = vector.shape_cast %get3A_860 : vector<16xf32> to vector<16xf32>
      %min3A_862 = arith.minimumf %max3A_855, %get3A_861 : vector<16xf32>
      %max3A_863 = arith.maximumf %max3A_854, %min3A_862 : vector<16xf32>
      %max3A_864 = arith.maximumf %max3A_855, %get3A_861 : vector<16xf32>
      %max3A_865 = arith.maximumf %min3A_858, %get3A_861 : vector<16xf32>
      %min3A_866 = arith.minimumf %min3A_857, %max3A_865 : vector<16xf32>
      %min3A_867 = arith.minimumf %min3A_858, %get3A_861 : vector<16xf32>
      %get3A_868 = arith.constant 1536 : index
      %get3A_869 = tpu.vector_load %arg4[%get3A_868] {strides = array<i32>} : memref<4096xf32, #tpu.memory_space<vmem>>, vector<16xf32>,
      %get3A_870 = vector.shape_cast %get3A_869 : vector<16xf32> to vector<16xf32>
      %min3A_871 = arith.minimumf %max3A_864, %get3A_870 : vector<16xf32>
      %max3A_872 = arith.maximumf %max3A_863, %min3A_871 : vector<16xf32>
      %max3A_873 = arith.maximumf %max3A_864, %get3A_870 : vector<16xf32>
      %max3A_874 = arith.maximumf %min3A_867, %get3A_870 : vector<16xf32>
      %min3A_875 = arith.minimumf %min3A_866, %max3A_874 : vector<16xf32>
      %min3A_876 = arith.minimumf %min3A_867, %get3A_870 : vector<16xf32>
      %get3A_877 = arith.constant 1552 : index
      %get3A_878 = tpu.vector_load %arg4[%get3A_877] {strides = array<i32>} : memref<4096xf32, #tpu.memory_space<vmem>>, vector<16xf32>,
      %get3A_879 = vector.shape_cast %get3A_878 : vector<16xf32> to vector<16xf32>
      %min3A_880 = arith.minimumf %max3A_873, %get3A_879 : vector<16xf32>
      %max3A_881 = arith.maximumf %max3A_872, %min3A_880 : vector<16xf32>
      %max3A_882 = arith.maximumf %max3A_873, %get3A_879 : vector<16xf32>
      %max3A_883 = arith.maximumf %min3A_876, %get3A_879 : vector<16xf32>
      %min3A_884 = arith.minimumf %min3A_875, %max3A_883 : vector<16xf32>
      %min3A_885 = arith.minimumf %min3A_876, %get3A_879 : vector<16xf32>
      %get3A_886 = arith.constant 1568 : index
      %get3A_887 = tpu.vector_load %arg4[%get3A_886] {strides = array<i32>} : memref<4096xf32, #tpu.memory_space<vmem>>, vector<16xf32>,
      %get3A_888 = vector.shape_cast %get3A_887 : vector<16xf32> to vector<16xf32>
      %min3A_889 = arith.minimumf %max3A_882, %get3A_888 : vector<16xf32>
      %max3A_890 = arith.maximumf %max3A_881, %min3A_889 : vector<16xf32>
      %max3A_891 = arith.maximumf %max3A_882, %get3A_888 : vector<16xf32>
      %max3A_892 = arith.maximumf %min3A_885, %get3A_888 : vector<16xf32>
      %min3A_893 = arith.minimumf %min3A_884, %max3A_892 : vector<16xf32>
      %min3A_894 = arith.minimumf %min3A_885, %get3A_888 : vector<16xf32>
      %get3A_895 = arith.constant 1584 : index
      %get3A_896 = tpu.vector_load %arg4[%get3A_895] {strides = array<i32>} : memref<4096xf32, #tpu.memory_space<vmem>>, vector<16xf32>,
      %get3A_897 = vector.shape_cast %get3A_896 : vector<16xf32> to vector<16xf32>
      %min3A_898 = arith.minimumf %max3A_891, %get3A_897 : vector<16xf32>
      %max3A_899 = arith.maximumf %max3A_890, %min3A_898 : vector<16xf32>
      %max3A_900 = arith.maximumf %max3A_891, %get3A_897 : vector<16xf32>
      %max3A_901 = arith.maximumf %min3A_894, %get3A_897 : vector<16xf32>
      %min3A_902 = arith.minimumf %min3A_893, %max3A_901 : vector<16xf32>
      %min3A_903 = arith.minimumf %min3A_894, %get3A_897 : vector<16xf32>
      %get3A_904 = arith.constant 1600 : index
      %get3A_905 = tpu.vector_load %arg4[%get3A_904] {strides = array<i32>} : memref<4096xf32, #tpu.memory_space<vmem>>, vector<16xf32>,
      %get3A_906 = vector.shape_cast %get3A_905 : vector<16xf32> to vector<16xf32>
      %min3A_907 = arith.minimumf %max3A_900, %get3A_906 : vector<16xf32>
      %max3A_908 = arith.maximumf %max3A_899, %min3A_907 : vector<16xf32>
      %max3A_909 = arith.maximumf %max3A_900, %get3A_906 : vector<16xf32>
      %max3A_910 = arith.maximumf %min3A_903, %get3A_906 : vector<16xf32>
      %min3A_911 = arith.minimumf %min3A_902, %max3A_910 : vector<16xf32>
      %min3A_912 = arith.minimumf %min3A_903, %get3A_906 : vector<16xf32>
      %get3A_913 = arith.constant 1616 : index
      %get3A_914 = tpu.vector_load %arg4[%get3A_913] {strides = array<i32>} : memref<4096xf32, #tpu.memory_space<vmem>>, vector<16xf32>,
      %get3A_915 = vector.shape_cast %get3A_914 : vector<16xf32> to vector<16xf32>
      %min3A_916 = arith.minimumf %max3A_909, %get3A_915 : vector<16xf32>
      %max3A_917 = arith.maximumf %max3A_908, %min3A_916 : vector<16xf32>
      %max3A_918 = arith.maximumf %max3A_909, %get3A_915 : vector<16xf32>
      %max3A_919 = arith.maximumf %min3A_912, %get3A_915 : vector<16xf32>
      %min3A_920 = arith.minimumf %min3A_911, %max3A_919 : vector<16xf32>
      %min3A_921 = arith.minimumf %min3A_912, %get3A_915 : vector<16xf32>
      %get3A_922 = arith.constant 1632 : index
      %get3A_923 = tpu.vector_load %arg4[%get3A_922] {strides = array<i32>} : memref<4096xf32, #tpu.memory_space<vmem>>, vector<16xf32>,
      %get3A_924 = vector.shape_cast %get3A_923 : vector<16xf32> to vector<16xf32>
      %min3A_925 = arith.minimumf %max3A_918, %get3A_924 : vector<16xf32>
      %max3A_926 = arith.maximumf %max3A_917, %min3A_925 : vector<16xf32>
      %max3A_927 = arith.maximumf %max3A_918, %get3A_924 : vector<16xf32>
      %max3A_928 = arith.maximumf %min3A_921, %get3A_924 : vector<16xf32>
      %min3A_929 = arith.minimumf %min3A_920, %max3A_928 : vector<16xf32>
      %min3A_930 = arith.minimumf %min3A_921, %get3A_924 : vector<16xf32>
      %get3A_931 = arith.constant 1648 : index
      %get3A_932 = tpu.vector_load %arg4[%get3A_931] {strides = array<i32>} : memref<4096xf32, #tpu.memory_space<vmem>>, vector<16xf32>,
      %get3A_933 = vector.shape_cast %get3A_932 : vector<16xf32> to vector<16xf32>
      %min3A_934 = arith.minimumf %max3A_927, %get3A_933 : vector<16xf32>
      %max3A_935 = arith.maximumf %max3A_926, %min3A_934 : vector<16xf32>
      %max3A_936 = arith.maximumf %max3A_927, %get3A_933 : vector<16xf32>
      %max3A_937 = arith.maximumf %min3A_930, %get3A_933 : vector<16xf32>
      %min3A_938 = arith.minimumf %min3A_929, %max3A_937 : vector<16xf32>
      %min3A_939 = arith.minimumf %min3A_930, %get3A_933 : vector<16xf32>
      %get3A_940 = arith.constant 1664 : index
      %get3A_941 = tpu.vector_load %arg4[%get3A_940] {strides = array<i32>} : memref<4096xf32, #tpu.memory_space<vmem>>, vector<16xf32>,
      %get3A_942 = vector.shape_cast %get3A_941 : vector<16xf32> to vector<16xf32>
      %min3A_943 = arith.minimumf %max3A_936, %get3A_942 : vector<16xf32>
      %max3A_944 = arith.maximumf %max3A_935, %min3A_943 : vector<16xf32>
      %max3A_945 = arith.maximumf %max3A_936, %get3A_942 : vector<16xf32>
      %max3A_946 = arith.maximumf %min3A_939, %get3A_942 : vector<16xf32>
      %min3A_947 = arith.minimumf %min3A_938, %max3A_946 : vector<16xf32>
      %min3A_948 = arith.minimumf %min3A_939, %get3A_942 : vector<16xf32>
      %get3A_949 = arith.constant 1680 : index
      %get3A_950 = tpu.vector_load %arg4[%get3A_949] {strides = array<i32>} : memref<4096xf32, #tpu.memory_space<vmem>>, vector<16xf32>,
      %get3A_951 = vector.shape_cast %get3A_950 : vector<16xf32> to vector<16xf32>
      %min3A_952 = arith.minimumf %max3A_945, %get3A_951 : vector<16xf32>
      %max3A_953 = arith.maximumf %max3A_944, %min3A_952 : vector<16xf32>
      %max3A_954 = arith.maximumf %max3A_945, %get3A_951 : vector<16xf32>
      %max3A_955 = arith.maximumf %min3A_948, %get3A_951 : vector<16xf32>
      %min3A_956 = arith.minimumf %min3A_947, %max3A_955 : vector<16xf32>
      %min3A_957 = arith.minimumf %min3A_948, %get3A_951 : vector<16xf32>
      %get3A_958 = arith.constant 1696 : index
      %get3A_959 = tpu.vector_load %arg4[%get3A_958] {strides = array<i32>} : memref<4096xf32, #tpu.memory_space<vmem>>, vector<16xf32>,
      %get3A_960 = vector.shape_cast %get3A_959 : vector<16xf32> to vector<16xf32>
      %min3A_961 = arith.minimumf %max3A_954, %get3A_960 : vector<16xf32>
      %max3A_962 = arith.maximumf %max3A_953, %min3A_961 : vector<16xf32>
      %max3A_963 = arith.maximumf %max3A_954, %get3A_960 : vector<16xf32>
      %max3A_964 = arith.maximumf %min3A_957, %get3A_960 : vector<16xf32>
      %min3A_965 = arith.minimumf %min3A_956, %max3A_964 : vector<16xf32>
      %min3A_966 = arith.minimumf %min3A_957, %get3A_960 : vector<16xf32>
      %get3A_967 = arith.constant 1712 : index
      %get3A_968 = tpu.vector_load %arg4[%get3A_967] {strides = array<i32>} : memref<4096xf32, #tpu.memory_space<vmem>>, vector<16xf32>,
      %get3A_969 = vector.shape_cast %get3A_968 : vector<16xf32> to vector<16xf32>
      %min3A_970 = arith.minimumf %max3A_963, %get3A_969 : vector<16xf32>
      %max3A_971 = arith.maximumf %max3A_962, %min3A_970 : vector<16xf32>
      %max3A_972 = arith.maximumf %max3A_963, %get3A_969 : vector<16xf32>
      %max3A_973 = arith.maximumf %min3A_966, %get3A_969 : vector<16xf32>
      %min3A_974 = arith.minimumf %min3A_965, %max3A_973 : vector<16xf32>
      %min3A_975 = arith.minimumf %min3A_966, %get3A_969 : vector<16xf32>
      %get3A_976 = arith.constant 1728 : index
      %get3A_977 = tpu.vector_load %arg4[%get3A_976] {strides = array<i32>} : memref<4096xf32, #tpu.memory_space<vmem>>, vector<16xf32>,
      %get3A_978 = vector.shape_cast %get3A_977 : vector<16xf32> to vector<16xf32>
      %min3A_979 = arith.minimumf %max3A_972, %get3A_978 : vector<16xf32>
      %max3A_980 = arith.maximumf %max3A_971, %min3A_979 : vector<16xf32>
      %max3A_981 = arith.maximumf %max3A_972, %get3A_978 : vector<16xf32>
      %max3A_982 = arith.maximumf %min3A_975, %get3A_978 : vector<16xf32>
      %min3A_983 = arith.minimumf %min3A_974, %max3A_982 : vector<16xf32>
      %min3A_984 = arith.minimumf %min3A_975, %get3A_978 : vector<16xf32>
      %get3A_985 = arith.constant 1744 : index
      %get3A_986 = tpu.vector_load %arg4[%get3A_985] {strides = array<i32>} : memref<4096xf32, #tpu.memory_space<vmem>>, vector<16xf32>,
      %get3A_987 = vector.shape_cast %get3A_986 : vector<16xf32> to vector<16xf32>
      %min3A_988 = arith.minimumf %max3A_981, %get3A_987 : vector<16xf32>
      %max3A_989 = arith.maximumf %max3A_980, %min3A_988 : vector<16xf32>
      %max3A_990 = arith.maximumf %max3A_981, %get3A_987 : vector<16xf32>
      %max3A_991 = arith.maximumf %min3A_984, %get3A_987 : vector<16xf32>
      %min3A_992 = arith.minimumf %min3A_983, %max3A_991 : vector<16xf32>
      %min3A_993 = arith.minimumf %min3A_984, %get3A_987 : vector<16xf32>
      %get3A_994 = arith.constant 1760 : index
      %get3A_995 = tpu.vector_load %arg4[%get3A_994] {strides = array<i32>} : memref<4096xf32, #tpu.memory_space<vmem>>, vector<16xf32>,
      %get3A_996 = vector.shape_cast %get3A_995 : vector<16xf32> to vector<16xf32>
      %min3A_997 = arith.minimumf %max3A_990, %get3A_996 : vector<16xf32>
      %max3A_998 = arith.maximumf %max3A_989, %min3A_997 : vector<16xf32>
      %max3A_999 = arith.maximumf %max3A_990, %get3A_996 : vector<16xf32>
      %max3A_1000 = arith.maximumf %min3A_993, %get3A_996 : vector<16xf32>
      %min3A_1001 = arith.minimumf %min3A_992, %max3A_1000 : vector<16xf32>
      %min3A_1002 = arith.minimumf %min3A_993, %get3A_996 : vector<16xf32>
      %get3A_1003 = arith.constant 1776 : index
      %get3A_1004 = tpu.vector_load %arg4[%get3A_1003] {strides = array<i32>} : memref<4096xf32, #tpu.memory_space<vmem>>, vector<16xf32>,
      %get3A_1005 = vector.shape_cast %get3A_1004 : vector<16xf32> to vector<16xf32>
      %min3A_1006 = arith.minimumf %max3A_999, %get3A_1005 : vector<16xf32>
      %max3A_1007 = arith.maximumf %max3A_998, %min3A_1006 : vector<16xf32>
      %max3A_1008 = arith.maximumf %max3A_999, %get3A_1005 : vector<16xf32>
      %max3A_1009 = arith.maximumf %min3A_1002, %get3A_1005 : vector<16xf32>
      %min3A_1010 = arith.minimumf %min3A_1001, %max3A_1009 : vector<16xf32>
      %min3A_1011 = arith.minimumf %min3A_1002, %get3A_1005 : vector<16xf32>
      %get3A_1012 = arith.constant 1792 : index
      %get3A_1013 = tpu.vector_load %arg4[%get3A_1012] {strides = array<i32>} : memref<4096xf32, #tpu.memory_space<vmem>>, vector<16xf32>,
      %get3A_1014 = vector.shape_cast %get3A_1013 : vector<16xf32> to vector<16xf32>
      %min3A_1015 = arith.minimumf %max3A_1008, %get3A_1014 : vector<16xf32>
      %max3A_1016 = arith.maximumf %max3A_1007, %min3A_1015 : vector<16xf32>
      %max3A_1017 = arith.maximumf %max3A_1008, %get3A_1014 : vector<16xf32>
      %max3A_1018 = arith.maximumf %min3A_1011, %get3A_1014 : vector<16xf32>
      %min3A_1019 = arith.minimumf %min3A_1010, %max3A_1018 : vector<16xf32>
      %min3A_1020 = arith.minimumf %min3A_1011, %get3A_1014 : vector<16xf32>
      %get3A_1021 = arith.constant 1808 : index
      %get3A_1022 = tpu.vector_load %arg4[%get3A_1021] {strides = array<i32>} : memref<4096xf32, #tpu.memory_space<vmem>>, vector<16xf32>,
      %get3A_1023 = vector.shape_cast %get3A_1022 : vector<16xf32> to vector<16xf32>
      %min3A_1024 = arith.minimumf %max3A_1017, %get3A_1023 : vector<16xf32>
      %max3A_1025 = arith.maximumf %max3A_1016, %min3A_1024 : vector<16xf32>
      %max3A_1026 = arith.maximumf %max3A_1017, %get3A_1023 : vector<16xf32>
      %max3A_1027 = arith.maximumf %min3A_1020, %get3A_1023 : vector<16xf32>
      %min3A_1028 = arith.minimumf %min3A_1019, %max3A_1027 : vector<16xf32>
      %min3A_1029 = arith.minimumf %min3A_1020, %get3A_1023 : vector<16xf32>
      %get3A_1030 = arith.constant 1824 : index
      %get3A_1031 = tpu.vector_load %arg4[%get3A_1030] {strides = array<i32>} : memref<4096xf32, #tpu.memory_space<vmem>>, vector<16xf32>,
      %get3A_1032 = vector.shape_cast %get3A_1031 : vector<16xf32> to vector<16xf32>
      %min3A_1033 = arith.minimumf %max3A_1026, %get3A_1032 : vector<16xf32>
      %max3A_1034 = arith.maximumf %max3A_1025, %min3A_1033 : vector<16xf32>
      %max3A_1035 = arith.maximumf %max3A_1026, %get3A_1032 : vector<16xf32>
      %max3A_1036 = arith.maximumf %min3A_1029, %get3A_1032 : vector<16xf32>
      %min3A_1037 = arith.minimumf %min3A_1028, %max3A_1036 : vector<16xf32>
      %min3A_1038 = arith.minimumf %min3A_1029, %get3A_1032 : vector<16xf32>
      %get3A_1039 = arith.constant 1840 : index
      %get3A_1040 = tpu.vector_load %arg4[%get3A_1039] {strides = array<i32>} : memref<4096xf32, #tpu.memory_space<vmem>>, vector<16xf32>,
      %get3A_1041 = vector.shape_cast %get3A_1040 : vector<16xf32> to vector<16xf32>
      %min3A_1042 = arith.minimumf %max3A_1035, %get3A_1041 : vector<16xf32>
      %max3A_1043 = arith.maximumf %max3A_1034, %min3A_1042 : vector<16xf32>
      %max3A_1044 = arith.maximumf %max3A_1035, %get3A_1041 : vector<16xf32>
      %max3A_1045 = arith.maximumf %min3A_1038, %get3A_1041 : vector<16xf32>
      %min3A_1046 = arith.minimumf %min3A_1037, %max3A_1045 : vector<16xf32>
      %min3A_1047 = arith.minimumf %min3A_1038, %get3A_1041 : vector<16xf32>
      %get3A_1048 = arith.constant 1856 : index
      %get3A_1049 = tpu.vector_load %arg4[%get3A_1048] {strides = array<i32>} : memref<4096xf32, #tpu.memory_space<vmem>>, vector<16xf32>,
      %get3A_1050 = vector.shape_cast %get3A_1049 : vector<16xf32> to vector<16xf32>
      %min3A_1051 = arith.minimumf %max3A_1044, %get3A_1050 : vector<16xf32>
      %max3A_1052 = arith.maximumf %max3A_1043, %min3A_1051 : vector<16xf32>
      %max3A_1053 = arith.maximumf %max3A_1044, %get3A_1050 : vector<16xf32>
      %max3A_1054 = arith.maximumf %min3A_1047, %get3A_1050 : vector<16xf32>
      %min3A_1055 = arith.minimumf %min3A_1046, %max3A_1054 : vector<16xf32>
      %min3A_1056 = arith.minimumf %min3A_1047, %get3A_1050 : vector<16xf32>
      %get3A_1057 = arith.constant 1872 : index
      %get3A_1058 = tpu.vector_load %arg4[%get3A_1057] {strides = array<i32>} : memref<4096xf32, #tpu.memory_space<vmem>>, vector<16xf32>,
      %get3A_1059 = vector.shape_cast %get3A_1058 : vector<16xf32> to vector<16xf32>
      %min3A_1060 = arith.minimumf %max3A_1053, %get3A_1059 : vector<16xf32>
      %max3A_1061 = arith.maximumf %max3A_1052, %min3A_1060 : vector<16xf32>
      %max3A_1062 = arith.maximumf %max3A_1053, %get3A_1059 : vector<16xf32>
      %max3A_1063 = arith.maximumf %min3A_1056, %get3A_1059 : vector<16xf32>
      %min3A_1064 = arith.minimumf %min3A_1055, %max3A_1063 : vector<16xf32>
      %min3A_1065 = arith.minimumf %min3A_1056, %get3A_1059 : vector<16xf32>
      %get3A_1066 = arith.constant 1888 : index
      %get3A_1067 = tpu.vector_load %arg4[%get3A_1066] {strides = array<i32>} : memref<4096xf32, #tpu.memory_space<vmem>>, vector<16xf32>,
      %get3A_1068 = vector.shape_cast %get3A_1067 : vector<16xf32> to vector<16xf32>
      %min3A_1069 = arith.minimumf %max3A_1062, %get3A_1068 : vector<16xf32>
      %max3A_1070 = arith.maximumf %max3A_1061, %min3A_1069 : vector<16xf32>
      %max3A_1071 = arith.maximumf %max3A_1062, %get3A_1068 : vector<16xf32>
      %max3A_1072 = arith.maximumf %min3A_1065, %get3A_1068 : vector<16xf32>
      %min3A_1073 = arith.minimumf %min3A_1064, %max3A_1072 : vector<16xf32>
      %min3A_1074 = arith.minimumf %min3A_1065, %get3A_1068 : vector<16xf32>
      %get3A_1075 = arith.constant 1904 : index
      %get3A_1076 = tpu.vector_load %arg4[%get3A_1075] {strides = array<i32>} : memref<4096xf32, #tpu.memory_space<vmem>>, vector<16xf32>,
      %get3A_1077 = vector.shape_cast %get3A_1076 : vector<16xf32> to vector<16xf32>
      %min3A_1078 = arith.minimumf %max3A_1071, %get3A_1077 : vector<16xf32>
      %max3A_1079 = arith.maximumf %max3A_1070, %min3A_1078 : vector<16xf32>
      %max3A_1080 = arith.maximumf %max3A_1071, %get3A_1077 : vector<16xf32>
      %max3A_1081 = arith.maximumf %min3A_1074, %get3A_1077 : vector<16xf32>
      %min3A_1082 = arith.minimumf %min3A_1073, %max3A_1081 : vector<16xf32>
      %min3A_1083 = arith.minimumf %min3A_1074, %get3A_1077 : vector<16xf32>
      %get3A_1084 = arith.constant 1920 : index
      %get3A_1085 = tpu.vector_load %arg4[%get3A_1084] {strides = array<i32>} : memref<4096xf32, #tpu.memory_space<vmem>>, vector<16xf32>,
      %get3A_1086 = vector.shape_cast %get3A_1085 : vector<16xf32> to vector<16xf32>
      %min3A_1087 = arith.minimumf %max3A_1080, %get3A_1086 : vector<16xf32>
      %max3A_1088 = arith.maximumf %max3A_1079, %min3A_1087 : vector<16xf32>
      %max3A_1089 = arith.maximumf %max3A_1080, %get3A_1086 : vector<16xf32>
      %max3A_1090 = arith.maximumf %min3A_1083, %get3A_1086 : vector<16xf32>
      %min3A_1091 = arith.minimumf %min3A_1082, %max3A_1090 : vector<16xf32>
      %min3A_1092 = arith.minimumf %min3A_1083, %get3A_1086 : vector<16xf32>
      %get3A_1093 = arith.constant 1936 : index
      %get3A_1094 = tpu.vector_load %arg4[%get3A_1093] {strides = array<i32>} : memref<4096xf32, #tpu.memory_space<vmem>>, vector<16xf32>,
      %get3A_1095 = vector.shape_cast %get3A_1094 : vector<16xf32> to vector<16xf32>
      %min3A_1096 = arith.minimumf %max3A_1089, %get3A_1095 : vector<16xf32>
      %max3A_1097 = arith.maximumf %max3A_1088, %min3A_1096 : vector<16xf32>
      %max3A_1098 = arith.maximumf %max3A_1089, %get3A_1095 : vector<16xf32>
      %max3A_1099 = arith.maximumf %min3A_1092, %get3A_1095 : vector<16xf32>
      %min3A_1100 = arith.minimumf %min3A_1091, %max3A_1099 : vector<16xf32>
      %min3A_1101 = arith.minimumf %min3A_1092, %get3A_1095 : vector<16xf32>
      %get3A_1102 = arith.constant 1952 : index
      %get3A_1103 = tpu.vector_load %arg4[%get3A_1102] {strides = array<i32>} : memref<4096xf32, #tpu.memory_space<vmem>>, vector<16xf32>,
      %get3A_1104 = vector.shape_cast %get3A_1103 : vector<16xf32> to vector<16xf32>
      %min3A_1105 = arith.minimumf %max3A_1098, %get3A_1104 : vector<16xf32>
      %max3A_1106 = arith.maximumf %max3A_1097, %min3A_1105 : vector<16xf32>
      %max3A_1107 = arith.maximumf %max3A_1098, %get3A_1104 : vector<16xf32>
      %max3A_1108 = arith.maximumf %min3A_1101, %get3A_1104 : vector<16xf32>
      %min3A_1109 = arith.minimumf %min3A_1100, %max3A_1108 : vector<16xf32>
      %min3A_1110 = arith.minimumf %min3A_1101, %get3A_1104 : vector<16xf32>
      %get3A_1111 = arith.constant 1968 : index
      %get3A_1112 = tpu.vector_load %arg4[%get3A_1111] {strides = array<i32>} : memref<4096xf32, #tpu.memory_space<vmem>>, vector<16xf32>,
      %get3A_1113 = vector.shape_cast %get3A_1112 : vector<16xf32> to vector<16xf32>
      %min3A_1114 = arith.minimumf %max3A_1107, %get3A_1113 : vector<16xf32>
      %max3A_1115 = arith.maximumf %max3A_1106, %min3A_1114 : vector<16xf32>
      %max3A_1116 = arith.maximumf %max3A_1107, %get3A_1113 : vector<16xf32>
      %max3A_1117 = arith.maximumf %min3A_1110, %get3A_1113 : vector<16xf32>
      %min3A_1118 = arith.minimumf %min3A_1109, %max3A_1117 : vector<16xf32>
      %min3A_1119 = arith.minimumf %min3A_1110, %get3A_1113 : vector<16xf32>
      %get3A_1120 = arith.constant 1984 : index
      %get3A_1121 = tpu.vector_load %arg4[%get3A_1120] {strides = array<i32>} : memref<4096xf32, #tpu.memory_space<vmem>>, vector<16xf32>,
      %get3A_1122 = vector.shape_cast %get3A_1121 : vector<16xf32> to vector<16xf32>
      %min3A_1123 = arith.minimumf %max3A_1116, %get3A_1122 : vector<16xf32>
      %max3A_1124 = arith.maximumf %max3A_1115, %min3A_1123 : vector<16xf32>
      %max3A_1125 = arith.maximumf %max3A_1116, %get3A_1122 : vector<16xf32>
      %max3A_1126 = arith.maximumf %min3A_1119, %get3A_1122 : vector<16xf32>
      %min3A_1127 = arith.minimumf %min3A_1118, %max3A_1126 : vector<16xf32>
      %min3A_1128 = arith.minimumf %min3A_1119, %get3A_1122 : vector<16xf32>
      %get3A_1129 = arith.constant 2000 : index
      %get3A_1130 = tpu.vector_load %arg4[%get3A_1129] {strides = array<i32>} : memref<4096xf32, #tpu.memory_space<vmem>>, vector<16xf32>,
      %get3A_1131 = vector.shape_cast %get3A_1130 : vector<16xf32> to vector<16xf32>
      %min3A_1132 = arith.minimumf %max3A_1125, %get3A_1131 : vector<16xf32>
      %max3A_1133 = arith.maximumf %max3A_1124, %min3A_1132 : vector<16xf32>
      %max3A_1134 = arith.maximumf %max3A_1125, %get3A_1131 : vector<16xf32>
      %max3A_1135 = arith.maximumf %min3A_1128, %get3A_1131 : vector<16xf32>
      %min3A_1136 = arith.minimumf %min3A_1127, %max3A_1135 : vector<16xf32>
      %min3A_1137 = arith.minimumf %min3A_1128, %get3A_1131 : vector<16xf32>
      %get3A_1138 = arith.constant 2016 : index
      %get3A_1139 = tpu.vector_load %arg4[%get3A_1138] {strides = array<i32>} : memref<4096xf32, #tpu.memory_space<vmem>>, vector<16xf32>,
      %get3A_1140 = vector.shape_cast %get3A_1139 : vector<16xf32> to vector<16xf32>
      %min3A_1141 = arith.minimumf %max3A_1134, %get3A_1140 : vector<16xf32>
      %max3A_1142 = arith.maximumf %max3A_1133, %min3A_1141 : vector<16xf32>
      %max3A_1143 = arith.maximumf %max3A_1134, %get3A_1140 : vector<16xf32>
      %max3A_1144 = arith.maximumf %min3A_1137, %get3A_1140 : vector<16xf32>
      %min3A_1145 = arith.minimumf %min3A_1136, %max3A_1144 : vector<16xf32>
      %min3A_1146 = arith.minimumf %min3A_1137, %get3A_1140 : vector<16xf32>
      %get3A_1147 = arith.constant 2032 : index
      %get3A_1148 = tpu.vector_load %arg4[%get3A_1147] {strides = array<i32>} : memref<4096xf32, #tpu.memory_space<vmem>>, vector<16xf32>,
      %get3A_1149 = vector.shape_cast %get3A_1148 : vector<16xf32> to vector<16xf32>
      %min3A_1150 = arith.minimumf %max3A_1143, %get3A_1149 : vector<16xf32>
      %max3A_1151 = arith.maximumf %max3A_1142, %min3A_1150 : vector<16xf32>
      %max3A_1152 = arith.maximumf %max3A_1143, %get3A_1149 : vector<16xf32>
      %max3A_1153 = arith.maximumf %min3A_1146, %get3A_1149 : vector<16xf32>
      %min3A_1154 = arith.minimumf %min3A_1145, %max3A_1153 : vector<16xf32>
      %min3A_1155 = arith.minimumf %min3A_1146, %get3A_1149 : vector<16xf32>
      %get3A_1156 = arith.constant 2048 : index
      %get3A_1157 = tpu.vector_load %arg4[%get3A_1156] {strides = array<i32>} : memref<4096xf32, #tpu.memory_space<vmem>>, vector<16xf32>,
      %get3A_1158 = vector.shape_cast %get3A_1157 : vector<16xf32> to vector<16xf32>
      %min3A_1159 = arith.minimumf %max3A_1152, %get3A_1158 : vector<16xf32>
      %max3A_1160 = arith.maximumf %max3A_1151, %min3A_1159 : vector<16xf32>
      %max3A_1161 = arith.maximumf %max3A_1152, %get3A_1158 : vector<16xf32>
      %max3A_1162 = arith.maximumf %min3A_1155, %get3A_1158 : vector<16xf32>
      %min3A_1163 = arith.minimumf %min3A_1154, %max3A_1162 : vector<16xf32>
      %min3A_1164 = arith.minimumf %min3A_1155, %get3A_1158 : vector<16xf32>
      %get3A_1165 = arith.constant 2064 : index
      %get3A_1166 = tpu.vector_load %arg4[%get3A_1165] {strides = array<i32>} : memref<4096xf32, #tpu.memory_space<vmem>>, vector<16xf32>,
      %get3A_1167 = vector.shape_cast %get3A_1166 : vector<16xf32> to vector<16xf32>
      %min3A_1168 = arith.minimumf %max3A_1161, %get3A_1167 : vector<16xf32>
      %max3A_1169 = arith.maximumf %max3A_1160, %min3A_1168 : vector<16xf32>
      %max3A_1170 = arith.maximumf %max3A_1161, %get3A_1167 : vector<16xf32>
      %max3A_1171 = arith.maximumf %min3A_1164, %get3A_1167 : vector<16xf32>
      %min3A_1172 = arith.minimumf %min3A_1163, %max3A_1171 : vector<16xf32>
      %min3A_1173 = arith.minimumf %min3A_1164, %get3A_1167 : vector<16xf32>
      %get3A_1174 = arith.constant 2080 : index
      %get3A_1175 = tpu.vector_load %arg4[%get3A_1174] {strides = array<i32>} : memref<4096xf32, #tpu.memory_space<vmem>>, vector<16xf32>,
      %get3A_1176 = vector.shape_cast %get3A_1175 : vector<16xf32> to vector<16xf32>
      %min3A_1177 = arith.minimumf %max3A_1170, %get3A_1176 : vector<16xf32>
      %max3A_1178 = arith.maximumf %max3A_1169, %min3A_1177 : vector<16xf32>
      %max3A_1179 = arith.maximumf %max3A_1170, %get3A_1176 : vector<16xf32>
      %max3A_1180 = arith.maximumf %min3A_1173, %get3A_1176 : vector<16xf32>
      %min3A_1181 = arith.minimumf %min3A_1172, %max3A_1180 : vector<16xf32>
      %min3A_1182 = arith.minimumf %min3A_1173, %get3A_1176 : vector<16xf32>
      %get3A_1183 = arith.constant 2096 : index
      %get3A_1184 = tpu.vector_load %arg4[%get3A_1183] {strides = array<i32>} : memref<4096xf32, #tpu.memory_space<vmem>>, vector<16xf32>,
      %get3A_1185 = vector.shape_cast %get3A_1184 : vector<16xf32> to vector<16xf32>
      %min3A_1186 = arith.minimumf %max3A_1179, %get3A_1185 : vector<16xf32>
      %max3A_1187 = arith.maximumf %max3A_1178, %min3A_1186 : vector<16xf32>
      %max3A_1188 = arith.maximumf %max3A_1179, %get3A_1185 : vector<16xf32>
      %max3A_1189 = arith.maximumf %min3A_1182, %get3A_1185 : vector<16xf32>
      %min3A_1190 = arith.minimumf %min3A_1181, %max3A_1189 : vector<16xf32>
      %min3A_1191 = arith.minimumf %min3A_1182, %get3A_1185 : vector<16xf32>
      %get3A_1192 = arith.constant 2112 : index
      %get3A_1193 = tpu.vector_load %arg4[%get3A_1192] {strides = array<i32>} : memref<4096xf32, #tpu.memory_space<vmem>>, vector<16xf32>,
      %get3A_1194 = vector.shape_cast %get3A_1193 : vector<16xf32> to vector<16xf32>
      %min3A_1195 = arith.minimumf %max3A_1188, %get3A_1194 : vector<16xf32>
      %max3A_1196 = arith.maximumf %max3A_1187, %min3A_1195 : vector<16xf32>
      %max3A_1197 = arith.maximumf %max3A_1188, %get3A_1194 : vector<16xf32>
      %max3A_1198 = arith.maximumf %min3A_1191, %get3A_1194 : vector<16xf32>
      %min3A_1199 = arith.minimumf %min3A_1190, %max3A_1198 : vector<16xf32>
      %min3A_1200 = arith.minimumf %min3A_1191, %get3A_1194 : vector<16xf32>
      %get3A_1201 = arith.constant 2128 : index
      %get3A_1202 = tpu.vector_load %arg4[%get3A_1201] {strides = array<i32>} : memref<4096xf32, #tpu.memory_space<vmem>>, vector<16xf32>,
      %get3A_1203 = vector.shape_cast %get3A_1202 : vector<16xf32> to vector<16xf32>
      %min3A_1204 = arith.minimumf %max3A_1197, %get3A_1203 : vector<16xf32>
      %max3A_1205 = arith.maximumf %max3A_1196, %min3A_1204 : vector<16xf32>
      %max3A_1206 = arith.maximumf %max3A_1197, %get3A_1203 : vector<16xf32>
      %max3A_1207 = arith.maximumf %min3A_1200, %get3A_1203 : vector<16xf32>
      %min3A_1208 = arith.minimumf %min3A_1199, %max3A_1207 : vector<16xf32>
      %min3A_1209 = arith.minimumf %min3A_1200, %get3A_1203 : vector<16xf32>
      %get3A_1210 = arith.constant 2144 : index
      %get3A_1211 = tpu.vector_load %arg4[%get3A_1210] {strides = array<i32>} : memref<4096xf32, #tpu.memory_space<vmem>>, vector<16xf32>,
      %get3A_1212 = vector.shape_cast %get3A_1211 : vector<16xf32> to vector<16xf32>
      %min3A_1213 = arith.minimumf %max3A_1206, %get3A_1212 : vector<16xf32>
      %max3A_1214 = arith.maximumf %max3A_1205, %min3A_1213 : vector<16xf32>
      %max3A_1215 = arith.maximumf %max3A_1206, %get3A_1212 : vector<16xf32>
      %max3A_1216 = arith.maximumf %min3A_1209, %get3A_1212 : vector<16xf32>
      %min3A_1217 = arith.minimumf %min3A_1208, %max3A_1216 : vector<16xf32>
      %min3A_1218 = arith.minimumf %min3A_1209, %get3A_1212 : vector<16xf32>
      %get3A_1219 = arith.constant 2160 : index
      %get3A_1220 = tpu.vector_load %arg4[%get3A_1219] {strides = array<i32>} : memref<4096xf32, #tpu.memory_space<vmem>>, vector<16xf32>,
      %get3A_1221 = vector.shape_cast %get3A_1220 : vector<16xf32> to vector<16xf32>
      %min3A_1222 = arith.minimumf %max3A_1215, %get3A_1221 : vector<16xf32>
      %max3A_1223 = arith.maximumf %max3A_1214, %min3A_1222 : vector<16xf32>
      %max3A_1224 = arith.maximumf %max3A_1215, %get3A_1221 : vector<16xf32>
      %max3A_1225 = arith.maximumf %min3A_1218, %get3A_1221 : vector<16xf32>
      %min3A_1226 = arith.minimumf %min3A_1217, %max3A_1225 : vector<16xf32>
      %min3A_1227 = arith.minimumf %min3A_1218, %get3A_1221 : vector<16xf32>
      %get3A_1228 = arith.constant 2176 : index
      %get3A_1229 = tpu.vector_load %arg4[%get3A_1228] {strides = array<i32>} : memref<4096xf32, #tpu.memory_space<vmem>>, vector<16xf32>,
      %get3A_1230 = vector.shape_cast %get3A_1229 : vector<16xf32> to vector<16xf32>
      %min3A_1231 = arith.minimumf %max3A_1224, %get3A_1230 : vector<16xf32>
      %max3A_1232 = arith.maximumf %max3A_1223, %min3A_1231 : vector<16xf32>
      %max3A_1233 = arith.maximumf %max3A_1224, %get3A_1230 : vector<16xf32>
      %max3A_1234 = arith.maximumf %min3A_1227, %get3A_1230 : vector<16xf32>
      %min3A_1235 = arith.minimumf %min3A_1226, %max3A_1234 : vector<16xf32>
      %min3A_1236 = arith.minimumf %min3A_1227, %get3A_1230 : vector<16xf32>
      %get3A_1237 = arith.constant 2192 : index
      %get3A_1238 = tpu.vector_load %arg4[%get3A_1237] {strides = array<i32>} : memref<4096xf32, #tpu.memory_space<vmem>>, vector<16xf32>,
      %get3A_1239 = vector.shape_cast %get3A_1238 : vector<16xf32> to vector<16xf32>
      %min3A_1240 = arith.minimumf %max3A_1233, %get3A_1239 : vector<16xf32>
      %max3A_1241 = arith.maximumf %max3A_1232, %min3A_1240 : vector<16xf32>
      %max3A_1242 = arith.maximumf %max3A_1233, %get3A_1239 : vector<16xf32>
      %max3A_1243 = arith.maximumf %min3A_1236, %get3A_1239 : vector<16xf32>
      %min3A_1244 = arith.minimumf %min3A_1235, %max3A_1243 : vector<16xf32>
      %min3A_1245 = arith.minimumf %min3A_1236, %get3A_1239 : vector<16xf32>
      %get3A_1246 = arith.constant 2208 : index
      %get3A_1247 = tpu.vector_load %arg4[%get3A_1246] {strides = array<i32>} : memref<4096xf32, #tpu.memory_space<vmem>>, vector<16xf32>,
      %get3A_1248 = vector.shape_cast %get3A_1247 : vector<16xf32> to vector<16xf32>
      %min3A_1249 = arith.minimumf %max3A_1242, %get3A_1248 : vector<16xf32>
      %max3A_1250 = arith.maximumf %max3A_1241, %min3A_1249 : vector<16xf32>
      %max3A_1251 = arith.maximumf %max3A_1242, %get3A_1248 : vector<16xf32>
      %max3A_1252 = arith.maximumf %min3A_1245, %get3A_1248 : vector<16xf32>
      %min3A_1253 = arith.minimumf %min3A_1244, %max3A_1252 : vector<16xf32>
      %min3A_1254 = arith.minimumf %min3A_1245, %get3A_1248 : vector<16xf32>
      %get3A_1255 = arith.constant 2224 : index
      %get3A_1256 = tpu.vector_load %arg4[%get3A_1255] {strides = array<i32>} : memref<4096xf32, #tpu.memory_space<vmem>>, vector<16xf32>,
      %get3A_1257 = vector.shape_cast %get3A_1256 : vector<16xf32> to vector<16xf32>
      %min3A_1258 = arith.minimumf %max3A_1251, %get3A_1257 : vector<16xf32>
      %max3A_1259 = arith.maximumf %max3A_1250, %min3A_1258 : vector<16xf32>
      %max3A_1260 = arith.maximumf %max3A_1251, %get3A_1257 : vector<16xf32>
      %max3A_1261 = arith.maximumf %min3A_1254, %get3A_1257 : vector<16xf32>
      %min3A_1262 = arith.minimumf %min3A_1253, %max3A_1261 : vector<16xf32>
      %min3A_1263 = arith.minimumf %min3A_1254, %get3A_1257 : vector<16xf32>
      %get3A_1264 = arith.constant 2240 : index
      %get3A_1265 = tpu.vector_load %arg4[%get3A_1264] {strides = array<i32>} : memref<4096xf32, #tpu.memory_space<vmem>>, vector<16xf32>,
      %get3A_1266 = vector.shape_cast %get3A_1265 : vector<16xf32> to vector<16xf32>
      %min3A_1267 = arith.minimumf %max3A_1260, %get3A_1266 : vector<16xf32>
      %max3A_1268 = arith.maximumf %max3A_1259, %min3A_1267 : vector<16xf32>
      %max3A_1269 = arith.maximumf %max3A_1260, %get3A_1266 : vector<16xf32>
      %max3A_1270 = arith.maximumf %min3A_1263, %get3A_1266 : vector<16xf32>
      %min3A_1271 = arith.minimumf %min3A_1262, %max3A_1270 : vector<16xf32>
      %min3A_1272 = arith.minimumf %min3A_1263, %get3A_1266 : vector<16xf32>
      %get3A_1273 = arith.constant 2256 : index
      %get3A_1274 = tpu.vector_load %arg4[%get3A_1273] {strides = array<i32>} : memref<4096xf32, #tpu.memory_space<vmem>>, vector<16xf32>,
      %get3A_1275 = vector.shape_cast %get3A_1274 : vector<16xf32> to vector<16xf32>
      %min3A_1276 = arith.minimumf %max3A_1269, %get3A_1275 : vector<16xf32>
      %max3A_1277 = arith.maximumf %max3A_1268, %min3A_1276 : vector<16xf32>
      %max3A_1278 = arith.maximumf %max3A_1269, %get3A_1275 : vector<16xf32>
      %max3A_1279 = arith.maximumf %min3A_1272, %get3A_1275 : vector<16xf32>
      %min3A_1280 = arith.minimumf %min3A_1271, %max3A_1279 : vector<16xf32>
      %min3A_1281 = arith.minimumf %min3A_1272, %get3A_1275 : vector<16xf32>
      %get3A_1282 = arith.constant 2272 : index
      %get3A_1283 = tpu.vector_load %arg4[%get3A_1282] {strides = array<i32>} : memref<4096xf32, #tpu.memory_space<vmem>>, vector<16xf32>,
      %get3A_1284 = vector.shape_cast %get3A_1283 : vector<16xf32> to vector<16xf32>
      %min3A_1285 = arith.minimumf %max3A_1278, %get3A_1284 : vector<16xf32>
      %max3A_1286 = arith.maximumf %max3A_1277, %min3A_1285 : vector<16xf32>
      %max3A_1287 = arith.maximumf %max3A_1278, %get3A_1284 : vector<16xf32>
      %max3A_1288 = arith.maximumf %min3A_1281, %get3A_1284 : vector<16xf32>
      %min3A_1289 = arith.minimumf %min3A_1280, %max3A_1288 : vector<16xf32>
      %min3A_1290 = arith.minimumf %min3A_1281, %get3A_1284 : vector<16xf32>
      %get3A_1291 = arith.constant 2288 : index
      %get3A_1292 = tpu.vector_load %arg4[%get3A_1291] {strides = array<i32>} : memref<4096xf32, #tpu.memory_space<vmem>>, vector<16xf32>,
      %get3A_1293 = vector.shape_cast %get3A_1292 : vector<16xf32> to vector<16xf32>
      %min3A_1294 = arith.minimumf %max3A_1287, %get3A_1293 : vector<16xf32>
      %max3A_1295 = arith.maximumf %max3A_1286, %min3A_1294 : vector<16xf32>
      %max3A_1296 = arith.maximumf %max3A_1287, %get3A_1293 : vector<16xf32>
      %max3A_1297 = arith.maximumf %min3A_1290, %get3A_1293 : vector<16xf32>
      %min3A_1298 = arith.minimumf %min3A_1289, %max3A_1297 : vector<16xf32>
      %min3A_1299 = arith.minimumf %min3A_1290, %get3A_1293 : vector<16xf32>
      %get3A_1300 = arith.constant 2304 : index
      %get3A_1301 = tpu.vector_load %arg4[%get3A_1300] {strides = array<i32>} : memref<4096xf32, #tpu.memory_space<vmem>>, vector<16xf32>,
      %get3A_1302 = vector.shape_cast %get3A_1301 : vector<16xf32> to vector<16xf32>
      %min3A_1303 = arith.minimumf %max3A_1296, %get3A_1302 : vector<16xf32>
      %max3A_1304 = arith.maximumf %max3A_1295, %min3A_1303 : vector<16xf32>
      %max3A_1305 = arith.maximumf %max3A_1296, %get3A_1302 : vector<16xf32>
      %max3A_1306 = arith.maximumf %min3A_1299, %get3A_1302 : vector<16xf32>
      %min3A_1307 = arith.minimumf %min3A_1298, %max3A_1306 : vector<16xf32>
      %min3A_1308 = arith.minimumf %min3A_1299, %get3A_1302 : vector<16xf32>
      %get3A_1309 = arith.constant 2320 : index
      %get3A_1310 = tpu.vector_load %arg4[%get3A_1309] {strides = array<i32>} : memref<4096xf32, #tpu.memory_space<vmem>>, vector<16xf32>,
      %get3A_1311 = vector.shape_cast %get3A_1310 : vector<16xf32> to vector<16xf32>
      %min3A_1312 = arith.minimumf %max3A_1305, %get3A_1311 : vector<16xf32>
      %max3A_1313 = arith.maximumf %max3A_1304, %min3A_1312 : vector<16xf32>
      %max3A_1314 = arith.maximumf %max3A_1305, %get3A_1311 : vector<16xf32>
      %max3A_1315 = arith.maximumf %min3A_1308, %get3A_1311 : vector<16xf32>
      %min3A_1316 = arith.minimumf %min3A_1307, %max3A_1315 : vector<16xf32>
      %min3A_1317 = arith.minimumf %min3A_1308, %get3A_1311 : vector<16xf32>
      %get3A_1318 = arith.constant 2336 : index
      %get3A_1319 = tpu.vector_load %arg4[%get3A_1318] {strides = array<i32>} : memref<4096xf32, #tpu.memory_space<vmem>>, vector<16xf32>,
      %get3A_1320 = vector.shape_cast %get3A_1319 : vector<16xf32> to vector<16xf32>
      %min3A_1321 = arith.minimumf %max3A_1314, %get3A_1320 : vector<16xf32>
      %max3A_1322 = arith.maximumf %max3A_1313, %min3A_1321 : vector<16xf32>
      %max3A_1323 = arith.maximumf %max3A_1314, %get3A_1320 : vector<16xf32>
      %max3A_1324 = arith.maximumf %min3A_1317, %get3A_1320 : vector<16xf32>
      %min3A_1325 = arith.minimumf %min3A_1316, %max3A_1324 : vector<16xf32>
      %min3A_1326 = arith.minimumf %min3A_1317, %get3A_1320 : vector<16xf32>
      %get3A_1327 = arith.constant 2352 : index
      %get3A_1328 = tpu.vector_load %arg4[%get3A_1327] {strides = array<i32>} : memref<4096xf32, #tpu.memory_space<vmem>>, vector<16xf32>,
      %get3A_1329 = vector.shape_cast %get3A_1328 : vector<16xf32> to vector<16xf32>
      %min3A_1330 = arith.minimumf %max3A_1323, %get3A_1329 : vector<16xf32>
      %max3A_1331 = arith.maximumf %max3A_1322, %min3A_1330 : vector<16xf32>
      %max3A_1332 = arith.maximumf %max3A_1323, %get3A_1329 : vector<16xf32>
      %max3A_1333 = arith.maximumf %min3A_1326, %get3A_1329 : vector<16xf32>
      %min3A_1334 = arith.minimumf %min3A_1325, %max3A_1333 : vector<16xf32>
      %min3A_1335 = arith.minimumf %min3A_1326, %get3A_1329 : vector<16xf32>
      %get3A_1336 = arith.constant 2368 : index
      %get3A_1337 = tpu.vector_load %arg4[%get3A_1336] {strides = array<i32>} : memref<4096xf32, #tpu.memory_space<vmem>>, vector<16xf32>,
      %get3A_1338 = vector.shape_cast %get3A_1337 : vector<16xf32> to vector<16xf32>
      %min3A_1339 = arith.minimumf %max3A_1332, %get3A_1338 : vector<16xf32>
      %max3A_1340 = arith.maximumf %max3A_1331, %min3A_1339 : vector<16xf32>
      %max3A_1341 = arith.maximumf %max3A_1332, %get3A_1338 : vector<16xf32>
      %max3A_1342 = arith.maximumf %min3A_1335, %get3A_1338 : vector<16xf32>
      %min3A_1343 = arith.minimumf %min3A_1334, %max3A_1342 : vector<16xf32>
      %min3A_1344 = arith.minimumf %min3A_1335, %get3A_1338 : vector<16xf32>
      %get3A_1345 = arith.constant 2384 : index
      %get3A_1346 = tpu.vector_load %arg4[%get3A_1345] {strides = array<i32>} : memref<4096xf32, #tpu.memory_space<vmem>>, vector<16xf32>,
      %get3A_1347 = vector.shape_cast %get3A_1346 : vector<16xf32> to vector<16xf32>
      %min3A_1348 = arith.minimumf %max3A_1341, %get3A_1347 : vector<16xf32>
      %max3A_1349 = arith.maximumf %max3A_1340, %min3A_1348 : vector<16xf32>
      %max3A_1350 = arith.maximumf %max3A_1341, %get3A_1347 : vector<16xf32>
      %max3A_1351 = arith.maximumf %min3A_1344, %get3A_1347 : vector<16xf32>
      %min3A_1352 = arith.minimumf %min3A_1343, %max3A_1351 : vector<16xf32>
      %min3A_1353 = arith.minimumf %min3A_1344, %get3A_1347 : vector<16xf32>
      %get3A_1354 = arith.constant 2400 : index
      %get3A_1355 = tpu.vector_load %arg4[%get3A_1354] {strides = array<i32>} : memref<4096xf32, #tpu.memory_space<vmem>>, vector<16xf32>,
      %get3A_1356 = vector.shape_cast %get3A_1355 : vector<16xf32> to vector<16xf32>
      %min3A_1357 = arith.minimumf %max3A_1350, %get3A_1356 : vector<16xf32>
      %max3A_1358 = arith.maximumf %max3A_1349, %min3A_1357 : vector<16xf32>
      %max3A_1359 = arith.maximumf %max3A_1350, %get3A_1356 : vector<16xf32>
      %max3A_1360 = arith.maximumf %min3A_1353, %get3A_1356 : vector<16xf32>
      %min3A_1361 = arith.minimumf %min3A_1352, %max3A_1360 : vector<16xf32>
      %min3A_1362 = arith.minimumf %min3A_1353, %get3A_1356 : vector<16xf32>
      %get3A_1363 = arith.constant 2416 : index
      %get3A_1364 = tpu.vector_load %arg4[%get3A_1363] {strides = array<i32>} : memref<4096xf32, #tpu.memory_space<vmem>>, vector<16xf32>,
      %get3A_1365 = vector.shape_cast %get3A_1364 : vector<16xf32> to vector<16xf32>
      %min3A_1366 = arith.minimumf %max3A_1359, %get3A_1365 : vector<16xf32>
      %max3A_1367 = arith.maximumf %max3A_1358, %min3A_1366 : vector<16xf32>
      %max3A_1368 = arith.maximumf %max3A_1359, %get3A_1365 : vector<16xf32>
      %max3A_1369 = arith.maximumf %min3A_1362, %get3A_1365 : vector<16xf32>
      %min3A_1370 = arith.minimumf %min3A_1361, %max3A_1369 : vector<16xf32>
      %min3A_1371 = arith.minimumf %min3A_1362, %get3A_1365 : vector<16xf32>
      %get3A_1372 = arith.constant 2432 : index
      %get3A_1373 = tpu.vector_load %arg4[%get3A_1372] {strides = array<i32>} : memref<4096xf32, #tpu.memory_space<vmem>>, vector<16xf32>,
      %get3A_1374 = vector.shape_cast %get3A_1373 : vector<16xf32> to vector<16xf32>
      %min3A_1375 = arith.minimumf %max3A_1368, %get3A_1374 : vector<16xf32>
      %max3A_1376 = arith.maximumf %max3A_1367, %min3A_1375 : vector<16xf32>
      %max3A_1377 = arith.maximumf %max3A_1368, %get3A_1374 : vector<16xf32>
      %max3A_1378 = arith.maximumf %min3A_1371, %get3A_1374 : vector<16xf32>
      %min3A_1379 = arith.minimumf %min3A_1370, %max3A_1378 : vector<16xf32>
      %min3A_1380 = arith.minimumf %min3A_1371, %get3A_1374 : vector<16xf32>
      %get3A_1381 = arith.constant 2448 : index
      %get3A_1382 = tpu.vector_load %arg4[%get3A_1381] {strides = array<i32>} : memref<4096xf32, #tpu.memory_space<vmem>>, vector<16xf32>,
      %get3A_1383 = vector.shape_cast %get3A_1382 : vector<16xf32> to vector<16xf32>
      %min3A_1384 = arith.minimumf %max3A_1377, %get3A_1383 : vector<16xf32>
      %max3A_1385 = arith.maximumf %max3A_1376, %min3A_1384 : vector<16xf32>
      %max3A_1386 = arith.maximumf %max3A_1377, %get3A_1383 : vector<16xf32>
      %max3A_1387 = arith.maximumf %min3A_1380, %get3A_1383 : vector<16xf32>
      %min3A_1388 = arith.minimumf %min3A_1379, %max3A_1387 : vector<16xf32>
      %min3A_1389 = arith.minimumf %min3A_1380, %get3A_1383 : vector<16xf32>
      %get3A_1390 = arith.constant 2464 : index
      %get3A_1391 = tpu.vector_load %arg4[%get3A_1390] {strides = array<i32>} : memref<4096xf32, #tpu.memory_space<vmem>>, vector<16xf32>,
      %get3A_1392 = vector.shape_cast %get3A_1391 : vector<16xf32> to vector<16xf32>
      %min3A_1393 = arith.minimumf %max3A_1386, %get3A_1392 : vector<16xf32>
      %max3A_1394 = arith.maximumf %max3A_1385, %min3A_1393 : vector<16xf32>
      %max3A_1395 = arith.maximumf %max3A_1386, %get3A_1392 : vector<16xf32>
      %max3A_1396 = arith.maximumf %min3A_1389, %get3A_1392 : vector<16xf32>
      %min3A_1397 = arith.minimumf %min3A_1388, %max3A_1396 : vector<16xf32>
      %min3A_1398 = arith.minimumf %min3A_1389, %get3A_1392 : vector<16xf32>
      %get3A_1399 = arith.constant 2480 : index
      %get3A_1400 = tpu.vector_load %arg4[%get3A_1399] {strides = array<i32>} : memref<4096xf32, #tpu.memory_space<vmem>>, vector<16xf32>,
      %get3A_1401 = vector.shape_cast %get3A_1400 : vector<16xf32> to vector<16xf32>
      %min3A_1402 = arith.minimumf %max3A_1395, %get3A_1401 : vector<16xf32>
      %max3A_1403 = arith.maximumf %max3A_1394, %min3A_1402 : vector<16xf32>
      %max3A_1404 = arith.maximumf %max3A_1395, %get3A_1401 : vector<16xf32>
      %max3A_1405 = arith.maximumf %min3A_1398, %get3A_1401 : vector<16xf32>
      %min3A_1406 = arith.minimumf %min3A_1397, %max3A_1405 : vector<16xf32>
      %min3A_1407 = arith.minimumf %min3A_1398, %get3A_1401 : vector<16xf32>
      %get3A_1408 = arith.constant 2496 : index
      %get3A_1409 = tpu.vector_load %arg4[%get3A_1408] {strides = array<i32>} : memref<4096xf32, #tpu.memory_space<vmem>>, vector<16xf32>,
      %get3A_1410 = vector.shape_cast %get3A_1409 : vector<16xf32> to vector<16xf32>
      %min3A_1411 = arith.minimumf %max3A_1404, %get3A_1410 : vector<16xf32>
      %max3A_1412 = arith.maximumf %max3A_1403, %min3A_1411 : vector<16xf32>
      %max3A_1413 = arith.maximumf %max3A_1404, %get3A_1410 : vector<16xf32>
      %max3A_1414 = arith.maximumf %min3A_1407, %get3A_1410 : vector<16xf32>
      %min3A_1415 = arith.minimumf %min3A_1406, %max3A_1414 : vector<16xf32>
      %min3A_1416 = arith.minimumf %min3A_1407, %get3A_1410 : vector<16xf32>
      %get3A_1417 = arith.constant 2512 : index
      %get3A_1418 = tpu.vector_load %arg4[%get3A_1417] {strides = array<i32>} : memref<4096xf32, #tpu.memory_space<vmem>>, vector<16xf32>,
      %get3A_1419 = vector.shape_cast %get3A_1418 : vector<16xf32> to vector<16xf32>
      %min3A_1420 = arith.minimumf %max3A_1413, %get3A_1419 : vector<16xf32>
      %max3A_1421 = arith.maximumf %max3A_1412, %min3A_1420 : vector<16xf32>
      %max3A_1422 = arith.maximumf %max3A_1413, %get3A_1419 : vector<16xf32>
      %max3A_1423 = arith.maximumf %min3A_1416, %get3A_1419 : vector<16xf32>
      %min3A_1424 = arith.minimumf %min3A_1415, %max3A_1423 : vector<16xf32>
      %min3A_1425 = arith.minimumf %min3A_1416, %get3A_1419 : vector<16xf32>
      %get3A_1426 = arith.constant 2528 : index
      %get3A_1427 = tpu.vector_load %arg4[%get3A_1426] {strides = array<i32>} : memref<4096xf32, #tpu.memory_space<vmem>>, vector<16xf32>,
      %get3A_1428 = vector.shape_cast %get3A_1427 : vector<16xf32> to vector<16xf32>
      %min3A_1429 = arith.minimumf %max3A_1422, %get3A_1428 : vector<16xf32>
      %max3A_1430 = arith.maximumf %max3A_1421, %min3A_1429 : vector<16xf32>
      %max3A_1431 = arith.maximumf %max3A_1422, %get3A_1428 : vector<16xf32>
      %max3A_1432 = arith.maximumf %min3A_1425, %get3A_1428 : vector<16xf32>
      %min3A_1433 = arith.minimumf %min3A_1424, %max3A_1432 : vector<16xf32>
      %min3A_1434 = arith.minimumf %min3A_1425, %get3A_1428 : vector<16xf32>
      %get3A_1435 = arith.constant 2544 : index
      %get3A_1436 = tpu.vector_load %arg4[%get3A_1435] {strides = array<i32>} : memref<4096xf32, #tpu.memory_space<vmem>>, vector<16xf32>,
      %get3A_1437 = vector.shape_cast %get3A_1436 : vector<16xf32> to vector<16xf32>
      %min3A_1438 = arith.minimumf %max3A_1431, %get3A_1437 : vector<16xf32>
      %max3A_1439 = arith.maximumf %max3A_1430, %min3A_1438 : vector<16xf32>
      %max3A_1440 = arith.maximumf %max3A_1431, %get3A_1437 : vector<16xf32>
      %max3A_1441 = arith.maximumf %min3A_1434, %get3A_1437 : vector<16xf32>
      %min3A_1442 = arith.minimumf %min3A_1433, %max3A_1441 : vector<16xf32>
      %min3A_1443 = arith.minimumf %min3A_1434, %get3A_1437 : vector<16xf32>
      %get3A_1444 = arith.constant 2560 : index
      %get3A_1445 = tpu.vector_load %arg4[%get3A_1444] {strides = array<i32>} : memref<4096xf32, #tpu.memory_space<vmem>>, vector<16xf32>,
      %get3A_1446 = vector.shape_cast %get3A_1445 : vector<16xf32> to vector<16xf32>
      %min3A_1447 = arith.minimumf %max3A_1440, %get3A_1446 : vector<16xf32>
      %max3A_1448 = arith.maximumf %max3A_1439, %min3A_1447 : vector<16xf32>
      %max3A_1449 = arith.maximumf %max3A_1440, %get3A_1446 : vector<16xf32>
      %max3A_1450 = arith.maximumf %min3A_1443, %get3A_1446 : vector<16xf32>
      %min3A_1451 = arith.minimumf %min3A_1442, %max3A_1450 : vector<16xf32>
      %min3A_1452 = arith.minimumf %min3A_1443, %get3A_1446 : vector<16xf32>
      %get3A_1453 = arith.constant 2576 : index
      %get3A_1454 = tpu.vector_load %arg4[%get3A_1453] {strides = array<i32>} : memref<4096xf32, #tpu.memory_space<vmem>>, vector<16xf32>,
      %get3A_1455 = vector.shape_cast %get3A_1454 : vector<16xf32> to vector<16xf32>
      %min3A_1456 = arith.minimumf %max3A_1449, %get3A_1455 : vector<16xf32>
      %max3A_1457 = arith.maximumf %max3A_1448, %min3A_1456 : vector<16xf32>
      %max3A_1458 = arith.maximumf %max3A_1449, %get3A_1455 : vector<16xf32>
      %max3A_1459 = arith.maximumf %min3A_1452, %get3A_1455 : vector<16xf32>
      %min3A_1460 = arith.minimumf %min3A_1451, %max3A_1459 : vector<16xf32>
      %min3A_1461 = arith.minimumf %min3A_1452, %get3A_1455 : vector<16xf32>
      %get3A_1462 = arith.constant 2592 : index
      %get3A_1463 = tpu.vector_load %arg4[%get3A_1462] {strides = array<i32>} : memref<4096xf32, #tpu.memory_space<vmem>>, vector<16xf32>,
      %get3A_1464 = vector.shape_cast %get3A_1463 : vector<16xf32> to vector<16xf32>
      %min3A_1465 = arith.minimumf %max3A_1458, %get3A_1464 : vector<16xf32>
      %max3A_1466 = arith.maximumf %max3A_1457, %min3A_1465 : vector<16xf32>
      %max3A_1467 = arith.maximumf %max3A_1458, %get3A_1464 : vector<16xf32>
      %max3A_1468 = arith.maximumf %min3A_1461, %get3A_1464 : vector<16xf32>
      %min3A_1469 = arith.minimumf %min3A_1460, %max3A_1468 : vector<16xf32>
      %min3A_1470 = arith.minimumf %min3A_1461, %get3A_1464 : vector<16xf32>
      %get3A_1471 = arith.constant 2608 : index
      %get3A_1472 = tpu.vector_load %arg4[%get3A_1471] {strides = array<i32>} : memref<4096xf32, #tpu.memory_space<vmem>>, vector<16xf32>,
      %get3A_1473 = vector.shape_cast %get3A_1472 : vector<16xf32> to vector<16xf32>
      %min3A_1474 = arith.minimumf %max3A_1467, %get3A_1473 : vector<16xf32>
      %max3A_1475 = arith.maximumf %max3A_1466, %min3A_1474 : vector<16xf32>
      %max3A_1476 = arith.maximumf %max3A_1467, %get3A_1473 : vector<16xf32>
      %max3A_1477 = arith.maximumf %min3A_1470, %get3A_1473 : vector<16xf32>
      %min3A_1478 = arith.minimumf %min3A_1469, %max3A_1477 : vector<16xf32>
      %min3A_1479 = arith.minimumf %min3A_1470, %get3A_1473 : vector<16xf32>
      %get3A_1480 = arith.constant 2624 : index
      %get3A_1481 = tpu.vector_load %arg4[%get3A_1480] {strides = array<i32>} : memref<4096xf32, #tpu.memory_space<vmem>>, vector<16xf32>,
      %get3A_1482 = vector.shape_cast %get3A_1481 : vector<16xf32> to vector<16xf32>
      %min3A_1483 = arith.minimumf %max3A_1476, %get3A_1482 : vector<16xf32>
      %max3A_1484 = arith.maximumf %max3A_1475, %min3A_1483 : vector<16xf32>
      %max3A_1485 = arith.maximumf %max3A_1476, %get3A_1482 : vector<16xf32>
      %max3A_1486 = arith.maximumf %min3A_1479, %get3A_1482 : vector<16xf32>
      %min3A_1487 = arith.minimumf %min3A_1478, %max3A_1486 : vector<16xf32>
      %min3A_1488 = arith.minimumf %min3A_1479, %get3A_1482 : vector<16xf32>
      %get3A_1489 = arith.constant 2640 : index
      %get3A_1490 = tpu.vector_load %arg4[%get3A_1489] {strides = array<i32>} : memref<4096xf32, #tpu.memory_space<vmem>>, vector<16xf32>,
      %get3A_1491 = vector.shape_cast %get3A_1490 : vector<16xf32> to vector<16xf32>
      %min3A_1492 = arith.minimumf %max3A_1485, %get3A_1491 : vector<16xf32>
      %max3A_1493 = arith.maximumf %max3A_1484, %min3A_1492 : vector<16xf32>
      %max3A_1494 = arith.maximumf %max3A_1485, %get3A_1491 : vector<16xf32>
      %max3A_1495 = arith.maximumf %min3A_1488, %get3A_1491 : vector<16xf32>
      %min3A_1496 = arith.minimumf %min3A_1487, %max3A_1495 : vector<16xf32>
      %min3A_1497 = arith.minimumf %min3A_1488, %get3A_1491 : vector<16xf32>
      %get3A_1498 = arith.constant 2656 : index
      %get3A_1499 = tpu.vector_load %arg4[%get3A_1498] {strides = array<i32>} : memref<4096xf32, #tpu.memory_space<vmem>>, vector<16xf32>,
      %get3A_1500 = vector.shape_cast %get3A_1499 : vector<16xf32> to vector<16xf32>
      %min3A_1501 = arith.minimumf %max3A_1494, %get3A_1500 : vector<16xf32>
      %max3A_1502 = arith.maximumf %max3A_1493, %min3A_1501 : vector<16xf32>
      %max3A_1503 = arith.maximumf %max3A_1494, %get3A_1500 : vector<16xf32>
      %max3A_1504 = arith.maximumf %min3A_1497, %get3A_1500 : vector<16xf32>
      %min3A_1505 = arith.minimumf %min3A_1496, %max3A_1504 : vector<16xf32>
      %min3A_1506 = arith.minimumf %min3A_1497, %get3A_1500 : vector<16xf32>
      %get3A_1507 = arith.constant 2672 : index
      %get3A_1508 = tpu.vector_load %arg4[%get3A_1507] {strides = array<i32>} : memref<4096xf32, #tpu.memory_space<vmem>>, vector<16xf32>,
      %get3A_1509 = vector.shape_cast %get3A_1508 : vector<16xf32> to vector<16xf32>
      %min3A_1510 = arith.minimumf %max3A_1503, %get3A_1509 : vector<16xf32>
      %max3A_1511 = arith.maximumf %max3A_1502, %min3A_1510 : vector<16xf32>
      %max3A_1512 = arith.maximumf %max3A_1503, %get3A_1509 : vector<16xf32>
      %max3A_1513 = arith.maximumf %min3A_1506, %get3A_1509 : vector<16xf32>
      %min3A_1514 = arith.minimumf %min3A_1505, %max3A_1513 : vector<16xf32>
      %min3A_1515 = arith.minimumf %min3A_1506, %get3A_1509 : vector<16xf32>
      %get3A_1516 = arith.constant 2688 : index
      %get3A_1517 = tpu.vector_load %arg4[%get3A_1516] {strides = array<i32>} : memref<4096xf32, #tpu.memory_space<vmem>>, vector<16xf32>,
      %get3A_1518 = vector.shape_cast %get3A_1517 : vector<16xf32> to vector<16xf32>
      %min3A_1519 = arith.minimumf %max3A_1512, %get3A_1518 : vector<16xf32>
      %max3A_1520 = arith.maximumf %max3A_1511, %min3A_1519 : vector<16xf32>
      %max3A_1521 = arith.maximumf %max3A_1512, %get3A_1518 : vector<16xf32>
      %max3A_1522 = arith.maximumf %min3A_1515, %get3A_1518 : vector<16xf32>
      %min3A_1523 = arith.minimumf %min3A_1514, %max3A_1522 : vector<16xf32>
      %min3A_1524 = arith.minimumf %min3A_1515, %get3A_1518 : vector<16xf32>
      %get3A_1525 = arith.constant 2704 : index
      %get3A_1526 = tpu.vector_load %arg4[%get3A_1525] {strides = array<i32>} : memref<4096xf32, #tpu.memory_space<vmem>>, vector<16xf32>,
      %get3A_1527 = vector.shape_cast %get3A_1526 : vector<16xf32> to vector<16xf32>
      %min3A_1528 = arith.minimumf %max3A_1521, %get3A_1527 : vector<16xf32>
      %max3A_1529 = arith.maximumf %max3A_1520, %min3A_1528 : vector<16xf32>
      %max3A_1530 = arith.maximumf %max3A_1521, %get3A_1527 : vector<16xf32>
      %max3A_1531 = arith.maximumf %min3A_1524, %get3A_1527 : vector<16xf32>
      %min3A_1532 = arith.minimumf %min3A_1523, %max3A_1531 : vector<16xf32>
      %min3A_1533 = arith.minimumf %min3A_1524, %get3A_1527 : vector<16xf32>
      %get3A_1534 = arith.constant 2720 : index
      %get3A_1535 = tpu.vector_load %arg4[%get3A_1534] {strides = array<i32>} : memref<4096xf32, #tpu.memory_space<vmem>>, vector<16xf32>,
      %get3A_1536 = vector.shape_cast %get3A_1535 : vector<16xf32> to vector<16xf32>
      %min3A_1537 = arith.minimumf %max3A_1530, %get3A_1536 : vector<16xf32>
      %max3A_1538 = arith.maximumf %max3A_1529, %min3A_1537 : vector<16xf32>
      %max3A_1539 = arith.maximumf %max3A_1530, %get3A_1536 : vector<16xf32>
      %max3A_1540 = arith.maximumf %min3A_1533, %get3A_1536 : vector<16xf32>
      %min3A_1541 = arith.minimumf %min3A_1532, %max3A_1540 : vector<16xf32>
      %min3A_1542 = arith.minimumf %min3A_1533, %get3A_1536 : vector<16xf32>
      %get3A_1543 = arith.constant 2736 : index
      %get3A_1544 = tpu.vector_load %arg4[%get3A_1543] {strides = array<i32>} : memref<4096xf32, #tpu.memory_space<vmem>>, vector<16xf32>,
      %get3A_1545 = vector.shape_cast %get3A_1544 : vector<16xf32> to vector<16xf32>
      %min3A_1546 = arith.minimumf %max3A_1539, %get3A_1545 : vector<16xf32>
      %max3A_1547 = arith.maximumf %max3A_1538, %min3A_1546 : vector<16xf32>
      %max3A_1548 = arith.maximumf %max3A_1539, %get3A_1545 : vector<16xf32>
      %max3A_1549 = arith.maximumf %min3A_1542, %get3A_1545 : vector<16xf32>
      %min3A_1550 = arith.minimumf %min3A_1541, %max3A_1549 : vector<16xf32>
      %min3A_1551 = arith.minimumf %min3A_1542, %get3A_1545 : vector<16xf32>
      %get3A_1552 = arith.constant 2752 : index
      %get3A_1553 = tpu.vector_load %arg4[%get3A_1552] {strides = array<i32>} : memref<4096xf32, #tpu.memory_space<vmem>>, vector<16xf32>,
      %get3A_1554 = vector.shape_cast %get3A_1553 : vector<16xf32> to vector<16xf32>
      %min3A_1555 = arith.minimumf %max3A_1548, %get3A_1554 : vector<16xf32>
      %max3A_1556 = arith.maximumf %max3A_1547, %min3A_1555 : vector<16xf32>
      %max3A_1557 = arith.maximumf %max3A_1548, %get3A_1554 : vector<16xf32>
      %max3A_1558 = arith.maximumf %min3A_1551, %get3A_1554 : vector<16xf32>
      %min3A_1559 = arith.minimumf %min3A_1550, %max3A_1558 : vector<16xf32>
      %min3A_1560 = arith.minimumf %min3A_1551, %get3A_1554 : vector<16xf32>
      %get3A_1561 = arith.constant 2768 : index
      %get3A_1562 = tpu.vector_load %arg4[%get3A_1561] {strides = array<i32>} : memref<4096xf32, #tpu.memory_space<vmem>>, vector<16xf32>,
      %get3A_1563 = vector.shape_cast %get3A_1562 : vector<16xf32> to vector<16xf32>
      %min3A_1564 = arith.minimumf %max3A_1557, %get3A_1563 : vector<16xf32>
      %max3A_1565 = arith.maximumf %max3A_1556, %min3A_1564 : vector<16xf32>
      %max3A_1566 = arith.maximumf %max3A_1557, %get3A_1563 : vector<16xf32>
      %max3A_1567 = arith.maximumf %min3A_1560, %get3A_1563 : vector<16xf32>
      %min3A_1568 = arith.minimumf %min3A_1559, %max3A_1567 : vector<16xf32>
      %min3A_1569 = arith.minimumf %min3A_1560, %get3A_1563 : vector<16xf32>
      %get3A_1570 = arith.constant 2784 : index
      %get3A_1571 = tpu.vector_load %arg4[%get3A_1570] {strides = array<i32>} : memref<4096xf32, #tpu.memory_space<vmem>>, vector<16xf32>,
      %get3A_1572 = vector.shape_cast %get3A_1571 : vector<16xf32> to vector<16xf32>
      %min3A_1573 = arith.minimumf %max3A_1566, %get3A_1572 : vector<16xf32>
      %max3A_1574 = arith.maximumf %max3A_1565, %min3A_1573 : vector<16xf32>
      %max3A_1575 = arith.maximumf %max3A_1566, %get3A_1572 : vector<16xf32>
      %max3A_1576 = arith.maximumf %min3A_1569, %get3A_1572 : vector<16xf32>
      %min3A_1577 = arith.minimumf %min3A_1568, %max3A_1576 : vector<16xf32>
      %min3A_1578 = arith.minimumf %min3A_1569, %get3A_1572 : vector<16xf32>
      %get3A_1579 = arith.constant 2800 : index
      %get3A_1580 = tpu.vector_load %arg4[%get3A_1579] {strides = array<i32>} : memref<4096xf32, #tpu.memory_space<vmem>>, vector<16xf32>,
      %get3A_1581 = vector.shape_cast %get3A_1580 : vector<16xf32> to vector<16xf32>
      %min3A_1582 = arith.minimumf %max3A_1575, %get3A_1581 : vector<16xf32>
      %max3A_1583 = arith.maximumf %max3A_1574, %min3A_1582 : vector<16xf32>
      %max3A_1584 = arith.maximumf %max3A_1575, %get3A_1581 : vector<16xf32>
      %max3A_1585 = arith.maximumf %min3A_1578, %get3A_1581 : vector<16xf32>
      %min3A_1586 = arith.minimumf %min3A_1577, %max3A_1585 : vector<16xf32>
      %min3A_1587 = arith.minimumf %min3A_1578, %get3A_1581 : vector<16xf32>
      %get3A_1588 = arith.constant 2816 : index
      %get3A_1589 = tpu.vector_load %arg4[%get3A_1588] {strides = array<i32>} : memref<4096xf32, #tpu.memory_space<vmem>>, vector<16xf32>,
      %get3A_1590 = vector.shape_cast %get3A_1589 : vector<16xf32> to vector<16xf32>
      %min3A_1591 = arith.minimumf %max3A_1584, %get3A_1590 : vector<16xf32>
      %max3A_1592 = arith.maximumf %max3A_1583, %min3A_1591 : vector<16xf32>
      %max3A_1593 = arith.maximumf %max3A_1584, %get3A_1590 : vector<16xf32>
      %max3A_1594 = arith.maximumf %min3A_1587, %get3A_1590 : vector<16xf32>
      %min3A_1595 = arith.minimumf %min3A_1586, %max3A_1594 : vector<16xf32>
      %min3A_1596 = arith.minimumf %min3A_1587, %get3A_1590 : vector<16xf32>
      %get3A_1597 = arith.constant 2832 : index
      %get3A_1598 = tpu.vector_load %arg4[%get3A_1597] {strides = array<i32>} : memref<4096xf32, #tpu.memory_space<vmem>>, vector<16xf32>,
      %get3A_1599 = vector.shape_cast %get3A_1598 : vector<16xf32> to vector<16xf32>
      %min3A_1600 = arith.minimumf %max3A_1593, %get3A_1599 : vector<16xf32>
      %max3A_1601 = arith.maximumf %max3A_1592, %min3A_1600 : vector<16xf32>
      %max3A_1602 = arith.maximumf %max3A_1593, %get3A_1599 : vector<16xf32>
      %max3A_1603 = arith.maximumf %min3A_1596, %get3A_1599 : vector<16xf32>
      %min3A_1604 = arith.minimumf %min3A_1595, %max3A_1603 : vector<16xf32>
      %min3A_1605 = arith.minimumf %min3A_1596, %get3A_1599 : vector<16xf32>
      %get3A_1606 = arith.constant 2848 : index
      %get3A_1607 = tpu.vector_load %arg4[%get3A_1606] {strides = array<i32>} : memref<4096xf32, #tpu.memory_space<vmem>>, vector<16xf32>,
      %get3A_1608 = vector.shape_cast %get3A_1607 : vector<16xf32> to vector<16xf32>
      %min3A_1609 = arith.minimumf %max3A_1602, %get3A_1608 : vector<16xf32>
      %max3A_1610 = arith.maximumf %max3A_1601, %min3A_1609 : vector<16xf32>
      %max3A_1611 = arith.maximumf %max3A_1602, %get3A_1608 : vector<16xf32>
      %max3A_1612 = arith.maximumf %min3A_1605, %get3A_1608 : vector<16xf32>
      %min3A_1613 = arith.minimumf %min3A_1604, %max3A_1612 : vector<16xf32>
      %min3A_1614 = arith.minimumf %min3A_1605, %get3A_1608 : vector<16xf32>
      %get3A_1615 = arith.constant 2864 : index
      %get3A_1616 = tpu.vector_load %arg4[%get3A_1615] {strides = array<i32>} : memref<4096xf32, #tpu.memory_space<vmem>>, vector<16xf32>,
      %get3A_1617 = vector.shape_cast %get3A_1616 : vector<16xf32> to vector<16xf32>
      %min3A_1618 = arith.minimumf %max3A_1611, %get3A_1617 : vector<16xf32>
      %max3A_1619 = arith.maximumf %max3A_1610, %min3A_1618 : vector<16xf32>
      %max3A_1620 = arith.maximumf %max3A_1611, %get3A_1617 : vector<16xf32>
      %max3A_1621 = arith.maximumf %min3A_1614, %get3A_1617 : vector<16xf32>
      %min3A_1622 = arith.minimumf %min3A_1613, %max3A_1621 : vector<16xf32>
      %min3A_1623 = arith.minimumf %min3A_1614, %get3A_1617 : vector<16xf32>
      %get3A_1624 = arith.constant 2880 : index
      %get3A_1625 = tpu.vector_load %arg4[%get3A_1624] {strides = array<i32>} : memref<4096xf32, #tpu.memory_space<vmem>>, vector<16xf32>,
      %get3A_1626 = vector.shape_cast %get3A_1625 : vector<16xf32> to vector<16xf32>
      %min3A_1627 = arith.minimumf %max3A_1620, %get3A_1626 : vector<16xf32>
      %max3A_1628 = arith.maximumf %max3A_1619, %min3A_1627 : vector<16xf32>
      %max3A_1629 = arith.maximumf %max3A_1620, %get3A_1626 : vector<16xf32>
      %max3A_1630 = arith.maximumf %min3A_1623, %get3A_1626 : vector<16xf32>
      %min3A_1631 = arith.minimumf %min3A_1622, %max3A_1630 : vector<16xf32>
      %min3A_1632 = arith.minimumf %min3A_1623, %get3A_1626 : vector<16xf32>
      %get3A_1633 = arith.constant 2896 : index
      %get3A_1634 = tpu.vector_load %arg4[%get3A_1633] {strides = array<i32>} : memref<4096xf32, #tpu.memory_space<vmem>>, vector<16xf32>,
      %get3A_1635 = vector.shape_cast %get3A_1634 : vector<16xf32> to vector<16xf32>
      %min3A_1636 = arith.minimumf %max3A_1629, %get3A_1635 : vector<16xf32>
      %max3A_1637 = arith.maximumf %max3A_1628, %min3A_1636 : vector<16xf32>
      %max3A_1638 = arith.maximumf %max3A_1629, %get3A_1635 : vector<16xf32>
      %max3A_1639 = arith.maximumf %min3A_1632, %get3A_1635 : vector<16xf32>
      %min3A_1640 = arith.minimumf %min3A_1631, %max3A_1639 : vector<16xf32>
      %min3A_1641 = arith.minimumf %min3A_1632, %get3A_1635 : vector<16xf32>
      %get3A_1642 = arith.constant 2912 : index
      %get3A_1643 = tpu.vector_load %arg4[%get3A_1642] {strides = array<i32>} : memref<4096xf32, #tpu.memory_space<vmem>>, vector<16xf32>,
      %get3A_1644 = vector.shape_cast %get3A_1643 : vector<16xf32> to vector<16xf32>
      %min3A_1645 = arith.minimumf %max3A_1638, %get3A_1644 : vector<16xf32>
      %max3A_1646 = arith.maximumf %max3A_1637, %min3A_1645 : vector<16xf32>
      %max3A_1647 = arith.maximumf %max3A_1638, %get3A_1644 : vector<16xf32>
      %max3A_1648 = arith.maximumf %min3A_1641, %get3A_1644 : vector<16xf32>
      %min3A_1649 = arith.minimumf %min3A_1640, %max3A_1648 : vector<16xf32>
      %min3A_1650 = arith.minimumf %min3A_1641, %get3A_1644 : vector<16xf32>
      %get3A_1651 = arith.constant 2928 : index
      %get3A_1652 = tpu.vector_load %arg4[%get3A_1651] {strides = array<i32>} : memref<4096xf32, #tpu.memory_space<vmem>>, vector<16xf32>,
      %get3A_1653 = vector.shape_cast %get3A_1652 : vector<16xf32> to vector<16xf32>
      %min3A_1654 = arith.minimumf %max3A_1647, %get3A_1653 : vector<16xf32>
      %max3A_1655 = arith.maximumf %max3A_1646, %min3A_1654 : vector<16xf32>
      %max3A_1656 = arith.maximumf %max3A_1647, %get3A_1653 : vector<16xf32>
      %max3A_1657 = arith.maximumf %min3A_1650, %get3A_1653 : vector<16xf32>
      %min3A_1658 = arith.minimumf %min3A_1649, %max3A_1657 : vector<16xf32>
      %min3A_1659 = arith.minimumf %min3A_1650, %get3A_1653 : vector<16xf32>
      %get3A_1660 = arith.constant 2944 : index
      %get3A_1661 = tpu.vector_load %arg4[%get3A_1660] {strides = array<i32>} : memref<4096xf32, #tpu.memory_space<vmem>>, vector<16xf32>,
      %get3A_1662 = vector.shape_cast %get3A_1661 : vector<16xf32> to vector<16xf32>
      %min3A_1663 = arith.minimumf %max3A_1656, %get3A_1662 : vector<16xf32>
      %max3A_1664 = arith.maximumf %max3A_1655, %min3A_1663 : vector<16xf32>
      %max3A_1665 = arith.maximumf %max3A_1656, %get3A_1662 : vector<16xf32>
      %max3A_1666 = arith.maximumf %min3A_1659, %get3A_1662 : vector<16xf32>
      %min3A_1667 = arith.minimumf %min3A_1658, %max3A_1666 : vector<16xf32>
      %min3A_1668 = arith.minimumf %min3A_1659, %get3A_1662 : vector<16xf32>
      %get3A_1669 = arith.constant 2960 : index
      %get3A_1670 = tpu.vector_load %arg4[%get3A_1669] {strides = array<i32>} : memref<4096xf32, #tpu.memory_space<vmem>>, vector<16xf32>,
      %get3A_1671 = vector.shape_cast %get3A_1670 : vector<16xf32> to vector<16xf32>
      %min3A_1672 = arith.minimumf %max3A_1665, %get3A_1671 : vector<16xf32>
      %max3A_1673 = arith.maximumf %max3A_1664, %min3A_1672 : vector<16xf32>
      %max3A_1674 = arith.maximumf %max3A_1665, %get3A_1671 : vector<16xf32>
      %max3A_1675 = arith.maximumf %min3A_1668, %get3A_1671 : vector<16xf32>
      %min3A_1676 = arith.minimumf %min3A_1667, %max3A_1675 : vector<16xf32>
      %min3A_1677 = arith.minimumf %min3A_1668, %get3A_1671 : vector<16xf32>
      %get3A_1678 = arith.constant 2976 : index
      %get3A_1679 = tpu.vector_load %arg4[%get3A_1678] {strides = array<i32>} : memref<4096xf32, #tpu.memory_space<vmem>>, vector<16xf32>,
      %get3A_1680 = vector.shape_cast %get3A_1679 : vector<16xf32> to vector<16xf32>
      %min3A_1681 = arith.minimumf %max3A_1674, %get3A_1680 : vector<16xf32>
      %max3A_1682 = arith.maximumf %max3A_1673, %min3A_1681 : vector<16xf32>
      %max3A_1683 = arith.maximumf %max3A_1674, %get3A_1680 : vector<16xf32>
      %max3A_1684 = arith.maximumf %min3A_1677, %get3A_1680 : vector<16xf32>
      %min3A_1685 = arith.minimumf %min3A_1676, %max3A_1684 : vector<16xf32>
      %min3A_1686 = arith.minimumf %min3A_1677, %get3A_1680 : vector<16xf32>
      %get3A_1687 = arith.constant 2992 : index
      %get3A_1688 = tpu.vector_load %arg4[%get3A_1687] {strides = array<i32>} : memref<4096xf32, #tpu.memory_space<vmem>>, vector<16xf32>,
      %get3A_1689 = vector.shape_cast %get3A_1688 : vector<16xf32> to vector<16xf32>
      %min3A_1690 = arith.minimumf %max3A_1683, %get3A_1689 : vector<16xf32>
      %max3A_1691 = arith.maximumf %max3A_1682, %min3A_1690 : vector<16xf32>
      %max3A_1692 = arith.maximumf %max3A_1683, %get3A_1689 : vector<16xf32>
      %max3A_1693 = arith.maximumf %min3A_1686, %get3A_1689 : vector<16xf32>
      %min3A_1694 = arith.minimumf %min3A_1685, %max3A_1693 : vector<16xf32>
      %min3A_1695 = arith.minimumf %min3A_1686, %get3A_1689 : vector<16xf32>
      %get3A_1696 = arith.constant 3008 : index
      %get3A_1697 = tpu.vector_load %arg4[%get3A_1696] {strides = array<i32>} : memref<4096xf32, #tpu.memory_space<vmem>>, vector<16xf32>,
      %get3A_1698 = vector.shape_cast %get3A_1697 : vector<16xf32> to vector<16xf32>
      %min3A_1699 = arith.minimumf %max3A_1692, %get3A_1698 : vector<16xf32>
      %max3A_1700 = arith.maximumf %max3A_1691, %min3A_1699 : vector<16xf32>
      %max3A_1701 = arith.maximumf %max3A_1692, %get3A_1698 : vector<16xf32>
      %max3A_1702 = arith.maximumf %min3A_1695, %get3A_1698 : vector<16xf32>
      %min3A_1703 = arith.minimumf %min3A_1694, %max3A_1702 : vector<16xf32>
      %min3A_1704 = arith.minimumf %min3A_1695, %get3A_1698 : vector<16xf32>
      %get3A_1705 = arith.constant 3024 : index
      %get3A_1706 = tpu.vector_load %arg4[%get3A_1705] {strides = array<i32>} : memref<4096xf32, #tpu.memory_space<vmem>>, vector<16xf32>,
      %get3A_1707 = vector.shape_cast %get3A_1706 : vector<16xf32> to vector<16xf32>
      %min3A_1708 = arith.minimumf %max3A_1701, %get3A_1707 : vector<16xf32>
      %max3A_1709 = arith.maximumf %max3A_1700, %min3A_1708 : vector<16xf32>
      %max3A_1710 = arith.maximumf %max3A_1701, %get3A_1707 : vector<16xf32>
      %max3A_1711 = arith.maximumf %min3A_1704, %get3A_1707 : vector<16xf32>
      %min3A_1712 = arith.minimumf %min3A_1703, %max3A_1711 : vector<16xf32>
      %min3A_1713 = arith.minimumf %min3A_1704, %get3A_1707 : vector<16xf32>
      %get3A_1714 = arith.constant 3040 : index
      %get3A_1715 = tpu.vector_load %arg4[%get3A_1714] {strides = array<i32>} : memref<4096xf32, #tpu.memory_space<vmem>>, vector<16xf32>,
      %get3A_1716 = vector.shape_cast %get3A_1715 : vector<16xf32> to vector<16xf32>
      %min3A_1717 = arith.minimumf %max3A_1710, %get3A_1716 : vector<16xf32>
      %max3A_1718 = arith.maximumf %max3A_1709, %min3A_1717 : vector<16xf32>
      %max3A_1719 = arith.maximumf %max3A_1710, %get3A_1716 : vector<16xf32>
      %max3A_1720 = arith.maximumf %min3A_1713, %get3A_1716 : vector<16xf32>
      %min3A_1721 = arith.minimumf %min3A_1712, %max3A_1720 : vector<16xf32>
      %min3A_1722 = arith.minimumf %min3A_1713, %get3A_1716 : vector<16xf32>
      %get3A_1723 = arith.constant 3056 : index
      %get3A_1724 = tpu.vector_load %arg4[%get3A_1723] {strides = array<i32>} : memref<4096xf32, #tpu.memory_space<vmem>>, vector<16xf32>,
      %get3A_1725 = vector.shape_cast %get3A_1724 : vector<16xf32> to vector<16xf32>
      %min3A_1726 = arith.minimumf %max3A_1719, %get3A_1725 : vector<16xf32>
      %max3A_1727 = arith.maximumf %max3A_1718, %min3A_1726 : vector<16xf32>
      %max3A_1728 = arith.maximumf %max3A_1719, %get3A_1725 : vector<16xf32>
      %max3A_1729 = arith.maximumf %min3A_1722, %get3A_1725 : vector<16xf32>
      %min3A_1730 = arith.minimumf %min3A_1721, %max3A_1729 : vector<16xf32>
      %min3A_1731 = arith.minimumf %min3A_1722, %get3A_1725 : vector<16xf32>
      %get3A_1732 = arith.constant 3072 : index
      %get3A_1733 = tpu.vector_load %arg4[%get3A_1732] {strides = array<i32>} : memref<4096xf32, #tpu.memory_space<vmem>>, vector<16xf32>,
      %get3A_1734 = vector.shape_cast %get3A_1733 : vector<16xf32> to vector<16xf32>
      %min3A_1735 = arith.minimumf %max3A_1728, %get3A_1734 : vector<16xf32>
      %max3A_1736 = arith.maximumf %max3A_1727, %min3A_1735 : vector<16xf32>
      %max3A_1737 = arith.maximumf %max3A_1728, %get3A_1734 : vector<16xf32>
      %max3A_1738 = arith.maximumf %min3A_1731, %get3A_1734 : vector<16xf32>
      %min3A_1739 = arith.minimumf %min3A_1730, %max3A_1738 : vector<16xf32>
      %min3A_1740 = arith.minimumf %min3A_1731, %get3A_1734 : vector<16xf32>
      %get3A_1741 = arith.constant 3088 : index
      %get3A_1742 = tpu.vector_load %arg4[%get3A_1741] {strides = array<i32>} : memref<4096xf32, #tpu.memory_space<vmem>>, vector<16xf32>,
      %get3A_1743 = vector.shape_cast %get3A_1742 : vector<16xf32> to vector<16xf32>
      %min3A_1744 = arith.minimumf %max3A_1737, %get3A_1743 : vector<16xf32>
      %max3A_1745 = arith.maximumf %max3A_1736, %min3A_1744 : vector<16xf32>
      %max3A_1746 = arith.maximumf %max3A_1737, %get3A_1743 : vector<16xf32>
      %max3A_1747 = arith.maximumf %min3A_1740, %get3A_1743 : vector<16xf32>
      %min3A_1748 = arith.minimumf %min3A_1739, %max3A_1747 : vector<16xf32>
      %min3A_1749 = arith.minimumf %min3A_1740, %get3A_1743 : vector<16xf32>
      %get3A_1750 = arith.constant 3104 : index
      %get3A_1751 = tpu.vector_load %arg4[%get3A_1750] {strides = array<i32>} : memref<4096xf32, #tpu.memory_space<vmem>>, vector<16xf32>,
      %get3A_1752 = vector.shape_cast %get3A_1751 : vector<16xf32> to vector<16xf32>
      %min3A_1753 = arith.minimumf %max3A_1746, %get3A_1752 : vector<16xf32>
      %max3A_1754 = arith.maximumf %max3A_1745, %min3A_1753 : vector<16xf32>
      %max3A_1755 = arith.maximumf %max3A_1746, %get3A_1752 : vector<16xf32>
      %max3A_1756 = arith.maximumf %min3A_1749, %get3A_1752 : vector<16xf32>
      %min3A_1757 = arith.minimumf %min3A_1748, %max3A_1756 : vector<16xf32>
      %min3A_1758 = arith.minimumf %min3A_1749, %get3A_1752 : vector<16xf32>
      %get3A_1759 = arith.constant 3120 : index
      %get3A_1760 = tpu.vector_load %arg4[%get3A_1759] {strides = array<i32>} : memref<4096xf32, #tpu.memory_space<vmem>>, vector<16xf32>,
      %get3A_1761 = vector.shape_cast %get3A_1760 : vector<16xf32> to vector<16xf32>
      %min3A_1762 = arith.minimumf %max3A_1755, %get3A_1761 : vector<16xf32>
      %max3A_1763 = arith.maximumf %max3A_1754, %min3A_1762 : vector<16xf32>
      %max3A_1764 = arith.maximumf %max3A_1755, %get3A_1761 : vector<16xf32>
      %max3A_1765 = arith.maximumf %min3A_1758, %get3A_1761 : vector<16xf32>
      %min3A_1766 = arith.minimumf %min3A_1757, %max3A_1765 : vector<16xf32>
      %min3A_1767 = arith.minimumf %min3A_1758, %get3A_1761 : vector<16xf32>
      %get3A_1768 = arith.constant 3136 : index
      %get3A_1769 = tpu.vector_load %arg4[%get3A_1768] {strides = array<i32>} : memref<4096xf32, #tpu.memory_space<vmem>>, vector<16xf32>,
      %get3A_1770 = vector.shape_cast %get3A_1769 : vector<16xf32> to vector<16xf32>
      %min3A_1771 = arith.minimumf %max3A_1764, %get3A_1770 : vector<16xf32>
      %max3A_1772 = arith.maximumf %max3A_1763, %min3A_1771 : vector<16xf32>
      %max3A_1773 = arith.maximumf %max3A_1764, %get3A_1770 : vector<16xf32>
      %max3A_1774 = arith.maximumf %min3A_1767, %get3A_1770 : vector<16xf32>
      %min3A_1775 = arith.minimumf %min3A_1766, %max3A_1774 : vector<16xf32>
      %min3A_1776 = arith.minimumf %min3A_1767, %get3A_1770 : vector<16xf32>
      %get3A_1777 = arith.constant 3152 : index
      %get3A_1778 = tpu.vector_load %arg4[%get3A_1777] {strides = array<i32>} : memref<4096xf32, #tpu.memory_space<vmem>>, vector<16xf32>,
      %get3A_1779 = vector.shape_cast %get3A_1778 : vector<16xf32> to vector<16xf32>
      %min3A_1780 = arith.minimumf %max3A_1773, %get3A_1779 : vector<16xf32>
      %max3A_1781 = arith.maximumf %max3A_1772, %min3A_1780 : vector<16xf32>
      %max3A_1782 = arith.maximumf %max3A_1773, %get3A_1779 : vector<16xf32>
      %max3A_1783 = arith.maximumf %min3A_1776, %get3A_1779 : vector<16xf32>
      %min3A_1784 = arith.minimumf %min3A_1775, %max3A_1783 : vector<16xf32>
      %min3A_1785 = arith.minimumf %min3A_1776, %get3A_1779 : vector<16xf32>
      %get3A_1786 = arith.constant 3168 : index
      %get3A_1787 = tpu.vector_load %arg4[%get3A_1786] {strides = array<i32>} : memref<4096xf32, #tpu.memory_space<vmem>>, vector<16xf32>,
      %get3A_1788 = vector.shape_cast %get3A_1787 : vector<16xf32> to vector<16xf32>
      %min3A_1789 = arith.minimumf %max3A_1782, %get3A_1788 : vector<16xf32>
      %max3A_1790 = arith.maximumf %max3A_1781, %min3A_1789 : vector<16xf32>
      %max3A_1791 = arith.maximumf %max3A_1782, %get3A_1788 : vector<16xf32>
      %max3A_1792 = arith.maximumf %min3A_1785, %get3A_1788 : vector<16xf32>
      %min3A_1793 = arith.minimumf %min3A_1784, %max3A_1792 : vector<16xf32>
      %min3A_1794 = arith.minimumf %min3A_1785, %get3A_1788 : vector<16xf32>
      %get3A_1795 = arith.constant 3184 : index
      %get3A_1796 = tpu.vector_load %arg4[%get3A_1795] {strides = array<i32>} : memref<4096xf32, #tpu.memory_space<vmem>>, vector<16xf32>,
      %get3A_1797 = vector.shape_cast %get3A_1796 : vector<16xf32> to vector<16xf32>
      %min3A_1798 = arith.minimumf %max3A_1791, %get3A_1797 : vector<16xf32>
      %max3A_1799 = arith.maximumf %max3A_1790, %min3A_1798 : vector<16xf32>
      %max3A_1800 = arith.maximumf %max3A_1791, %get3A_1797 : vector<16xf32>
      %max3A_1801 = arith.maximumf %min3A_1794, %get3A_1797 : vector<16xf32>
      %min3A_1802 = arith.minimumf %min3A_1793, %max3A_1801 : vector<16xf32>
      %min3A_1803 = arith.minimumf %min3A_1794, %get3A_1797 : vector<16xf32>
      %get3A_1804 = arith.constant 3200 : index
      %get3A_1805 = tpu.vector_load %arg4[%get3A_1804] {strides = array<i32>} : memref<4096xf32, #tpu.memory_space<vmem>>, vector<16xf32>,
      %get3A_1806 = vector.shape_cast %get3A_1805 : vector<16xf32> to vector<16xf32>
      %min3A_1807 = arith.minimumf %max3A_1800, %get3A_1806 : vector<16xf32>
      %max3A_1808 = arith.maximumf %max3A_1799, %min3A_1807 : vector<16xf32>
      %max3A_1809 = arith.maximumf %max3A_1800, %get3A_1806 : vector<16xf32>
      %max3A_1810 = arith.maximumf %min3A_1803, %get3A_1806 : vector<16xf32>
      %min3A_1811 = arith.minimumf %min3A_1802, %max3A_1810 : vector<16xf32>
      %min3A_1812 = arith.minimumf %min3A_1803, %get3A_1806 : vector<16xf32>
      %get3A_1813 = arith.constant 3216 : index
      %get3A_1814 = tpu.vector_load %arg4[%get3A_1813] {strides = array<i32>} : memref<4096xf32, #tpu.memory_space<vmem>>, vector<16xf32>,
      %get3A_1815 = vector.shape_cast %get3A_1814 : vector<16xf32> to vector<16xf32>
      %min3A_1816 = arith.minimumf %max3A_1809, %get3A_1815 : vector<16xf32>
      %max3A_1817 = arith.maximumf %max3A_1808, %min3A_1816 : vector<16xf32>
      %max3A_1818 = arith.maximumf %max3A_1809, %get3A_1815 : vector<16xf32>
      %max3A_1819 = arith.maximumf %min3A_1812, %get3A_1815 : vector<16xf32>
      %min3A_1820 = arith.minimumf %min3A_1811, %max3A_1819 : vector<16xf32>
      %min3A_1821 = arith.minimumf %min3A_1812, %get3A_1815 : vector<16xf32>
      %get3A_1822 = arith.constant 3232 : index
      %get3A_1823 = tpu.vector_load %arg4[%get3A_1822] {strides = array<i32>} : memref<4096xf32, #tpu.memory_space<vmem>>, vector<16xf32>,
      %get3A_1824 = vector.shape_cast %get3A_1823 : vector<16xf32> to vector<16xf32>
      %min3A_1825 = arith.minimumf %max3A_1818, %get3A_1824 : vector<16xf32>
      %max3A_1826 = arith.maximumf %max3A_1817, %min3A_1825 : vector<16xf32>
      %max3A_1827 = arith.maximumf %max3A_1818, %get3A_1824 : vector<16xf32>
      %max3A_1828 = arith.maximumf %min3A_1821, %get3A_1824 : vector<16xf32>
      %min3A_1829 = arith.minimumf %min3A_1820, %max3A_1828 : vector<16xf32>
      %min3A_1830 = arith.minimumf %min3A_1821, %get3A_1824 : vector<16xf32>
      %get3A_1831 = arith.constant 3248 : index
      %get3A_1832 = tpu.vector_load %arg4[%get3A_1831] {strides = array<i32>} : memref<4096xf32, #tpu.memory_space<vmem>>, vector<16xf32>,
      %get3A_1833 = vector.shape_cast %get3A_1832 : vector<16xf32> to vector<16xf32>
      %min3A_1834 = arith.minimumf %max3A_1827, %get3A_1833 : vector<16xf32>
      %max3A_1835 = arith.maximumf %max3A_1826, %min3A_1834 : vector<16xf32>
      %max3A_1836 = arith.maximumf %max3A_1827, %get3A_1833 : vector<16xf32>
      %max3A_1837 = arith.maximumf %min3A_1830, %get3A_1833 : vector<16xf32>
      %min3A_1838 = arith.minimumf %min3A_1829, %max3A_1837 : vector<16xf32>
      %min3A_1839 = arith.minimumf %min3A_1830, %get3A_1833 : vector<16xf32>
      %get3A_1840 = arith.constant 3264 : index
      %get3A_1841 = tpu.vector_load %arg4[%get3A_1840] {strides = array<i32>} : memref<4096xf32, #tpu.memory_space<vmem>>, vector<16xf32>,
      %get3A_1842 = vector.shape_cast %get3A_1841 : vector<16xf32> to vector<16xf32>
      %min3A_1843 = arith.minimumf %max3A_1836, %get3A_1842 : vector<16xf32>
      %max3A_1844 = arith.maximumf %max3A_1835, %min3A_1843 : vector<16xf32>
      %max3A_1845 = arith.maximumf %max3A_1836, %get3A_1842 : vector<16xf32>
      %max3A_1846 = arith.maximumf %min3A_1839, %get3A_1842 : vector<16xf32>
      %min3A_1847 = arith.minimumf %min3A_1838, %max3A_1846 : vector<16xf32>
      %min3A_1848 = arith.minimumf %min3A_1839, %get3A_1842 : vector<16xf32>
      %get3A_1849 = arith.constant 3280 : index
      %get3A_1850 = tpu.vector_load %arg4[%get3A_1849] {strides = array<i32>} : memref<4096xf32, #tpu.memory_space<vmem>>, vector<16xf32>,
      %get3A_1851 = vector.shape_cast %get3A_1850 : vector<16xf32> to vector<16xf32>
      %min3A_1852 = arith.minimumf %max3A_1845, %get3A_1851 : vector<16xf32>
      %max3A_1853 = arith.maximumf %max3A_1844, %min3A_1852 : vector<16xf32>
      %max3A_1854 = arith.maximumf %max3A_1845, %get3A_1851 : vector<16xf32>
      %max3A_1855 = arith.maximumf %min3A_1848, %get3A_1851 : vector<16xf32>
      %min3A_1856 = arith.minimumf %min3A_1847, %max3A_1855 : vector<16xf32>
      %min3A_1857 = arith.minimumf %min3A_1848, %get3A_1851 : vector<16xf32>
      %get3A_1858 = arith.constant 3296 : index
      %get3A_1859 = tpu.vector_load %arg4[%get3A_1858] {strides = array<i32>} : memref<4096xf32, #tpu.memory_space<vmem>>, vector<16xf32>,
      %get3A_1860 = vector.shape_cast %get3A_1859 : vector<16xf32> to vector<16xf32>
      %min3A_1861 = arith.minimumf %max3A_1854, %get3A_1860 : vector<16xf32>
      %max3A_1862 = arith.maximumf %max3A_1853, %min3A_1861 : vector<16xf32>
      %max3A_1863 = arith.maximumf %max3A_1854, %get3A_1860 : vector<16xf32>
      %max3A_1864 = arith.maximumf %min3A_1857, %get3A_1860 : vector<16xf32>
      %min3A_1865 = arith.minimumf %min3A_1856, %max3A_1864 : vector<16xf32>
      %min3A_1866 = arith.minimumf %min3A_1857, %get3A_1860 : vector<16xf32>
      %get3A_1867 = arith.constant 3312 : index
      %get3A_1868 = tpu.vector_load %arg4[%get3A_1867] {strides = array<i32>} : memref<4096xf32, #tpu.memory_space<vmem>>, vector<16xf32>,
      %get3A_1869 = vector.shape_cast %get3A_1868 : vector<16xf32> to vector<16xf32>
      %min3A_1870 = arith.minimumf %max3A_1863, %get3A_1869 : vector<16xf32>
      %max3A_1871 = arith.maximumf %max3A_1862, %min3A_1870 : vector<16xf32>
      %max3A_1872 = arith.maximumf %max3A_1863, %get3A_1869 : vector<16xf32>
      %max3A_1873 = arith.maximumf %min3A_1866, %get3A_1869 : vector<16xf32>
      %min3A_1874 = arith.minimumf %min3A_1865, %max3A_1873 : vector<16xf32>
      %min3A_1875 = arith.minimumf %min3A_1866, %get3A_1869 : vector<16xf32>
      %get3A_1876 = arith.constant 3328 : index
      %get3A_1877 = tpu.vector_load %arg4[%get3A_1876] {strides = array<i32>} : memref<4096xf32, #tpu.memory_space<vmem>>, vector<16xf32>,
      %get3A_1878 = vector.shape_cast %get3A_1877 : vector<16xf32> to vector<16xf32>
      %min3A_1879 = arith.minimumf %max3A_1872, %get3A_1878 : vector<16xf32>
      %max3A_1880 = arith.maximumf %max3A_1871, %min3A_1879 : vector<16xf32>
      %max3A_1881 = arith.maximumf %max3A_1872, %get3A_1878 : vector<16xf32>
      %max3A_1882 = arith.maximumf %min3A_1875, %get3A_1878 : vector<16xf32>
      %min3A_1883 = arith.minimumf %min3A_1874, %max3A_1882 : vector<16xf32>
      %min3A_1884 = arith.minimumf %min3A_1875, %get3A_1878 : vector<16xf32>
      %get3A_1885 = arith.constant 3344 : index
      %get3A_1886 = tpu.vector_load %arg4[%get3A_1885] {strides = array<i32>} : memref<4096xf32, #tpu.memory_space<vmem>>, vector<16xf32>,
      %get3A_1887 = vector.shape_cast %get3A_1886 : vector<16xf32> to vector<16xf32>
      %min3A_1888 = arith.minimumf %max3A_1881, %get3A_1887 : vector<16xf32>
      %max3A_1889 = arith.maximumf %max3A_1880, %min3A_1888 : vector<16xf32>
      %max3A_1890 = arith.maximumf %max3A_1881, %get3A_1887 : vector<16xf32>
      %max3A_1891 = arith.maximumf %min3A_1884, %get3A_1887 : vector<16xf32>
      %min3A_1892 = arith.minimumf %min3A_1883, %max3A_1891 : vector<16xf32>
      %min3A_1893 = arith.minimumf %min3A_1884, %get3A_1887 : vector<16xf32>
      %get3A_1894 = arith.constant 3360 : index
      %get3A_1895 = tpu.vector_load %arg4[%get3A_1894] {strides = array<i32>} : memref<4096xf32, #tpu.memory_space<vmem>>, vector<16xf32>,
      %get3A_1896 = vector.shape_cast %get3A_1895 : vector<16xf32> to vector<16xf32>
      %min3A_1897 = arith.minimumf %max3A_1890, %get3A_1896 : vector<16xf32>
      %max3A_1898 = arith.maximumf %max3A_1889, %min3A_1897 : vector<16xf32>
      %max3A_1899 = arith.maximumf %max3A_1890, %get3A_1896 : vector<16xf32>
      %max3A_1900 = arith.maximumf %min3A_1893, %get3A_1896 : vector<16xf32>
      %min3A_1901 = arith.minimumf %min3A_1892, %max3A_1900 : vector<16xf32>
      %min3A_1902 = arith.minimumf %min3A_1893, %get3A_1896 : vector<16xf32>
      %get3A_1903 = arith.constant 3376 : index
      %get3A_1904 = tpu.vector_load %arg4[%get3A_1903] {strides = array<i32>} : memref<4096xf32, #tpu.memory_space<vmem>>, vector<16xf32>,
      %get3A_1905 = vector.shape_cast %get3A_1904 : vector<16xf32> to vector<16xf32>
      %min3A_1906 = arith.minimumf %max3A_1899, %get3A_1905 : vector<16xf32>
      %max3A_1907 = arith.maximumf %max3A_1898, %min3A_1906 : vector<16xf32>
      %max3A_1908 = arith.maximumf %max3A_1899, %get3A_1905 : vector<16xf32>
      %max3A_1909 = arith.maximumf %min3A_1902, %get3A_1905 : vector<16xf32>
      %min3A_1910 = arith.minimumf %min3A_1901, %max3A_1909 : vector<16xf32>
      %min3A_1911 = arith.minimumf %min3A_1902, %get3A_1905 : vector<16xf32>
      %get3A_1912 = arith.constant 3392 : index
      %get3A_1913 = tpu.vector_load %arg4[%get3A_1912] {strides = array<i32>} : memref<4096xf32, #tpu.memory_space<vmem>>, vector<16xf32>,
      %get3A_1914 = vector.shape_cast %get3A_1913 : vector<16xf32> to vector<16xf32>
      %min3A_1915 = arith.minimumf %max3A_1908, %get3A_1914 : vector<16xf32>
      %max3A_1916 = arith.maximumf %max3A_1907, %min3A_1915 : vector<16xf32>
      %max3A_1917 = arith.maximumf %max3A_1908, %get3A_1914 : vector<16xf32>
      %max3A_1918 = arith.maximumf %min3A_1911, %get3A_1914 : vector<16xf32>
      %min3A_1919 = arith.minimumf %min3A_1910, %max3A_1918 : vector<16xf32>
      %min3A_1920 = arith.minimumf %min3A_1911, %get3A_1914 : vector<16xf32>
      %get3A_1921 = arith.constant 3408 : index
      %get3A_1922 = tpu.vector_load %arg4[%get3A_1921] {strides = array<i32>} : memref<4096xf32, #tpu.memory_space<vmem>>, vector<16xf32>,
      %get3A_1923 = vector.shape_cast %get3A_1922 : vector<16xf32> to vector<16xf32>
      %min3A_1924 = arith.minimumf %max3A_1917, %get3A_1923 : vector<16xf32>
      %max3A_1925 = arith.maximumf %max3A_1916, %min3A_1924 : vector<16xf32>
      %max3A_1926 = arith.maximumf %max3A_1917, %get3A_1923 : vector<16xf32>
      %max3A_1927 = arith.maximumf %min3A_1920, %get3A_1923 : vector<16xf32>
      %min3A_1928 = arith.minimumf %min3A_1919, %max3A_1927 : vector<16xf32>
      %min3A_1929 = arith.minimumf %min3A_1920, %get3A_1923 : vector<16xf32>
      %get3A_1930 = arith.constant 3424 : index
      %get3A_1931 = tpu.vector_load %arg4[%get3A_1930] {strides = array<i32>} : memref<4096xf32, #tpu.memory_space<vmem>>, vector<16xf32>,
      %get3A_1932 = vector.shape_cast %get3A_1931 : vector<16xf32> to vector<16xf32>
      %min3A_1933 = arith.minimumf %max3A_1926, %get3A_1932 : vector<16xf32>
      %max3A_1934 = arith.maximumf %max3A_1925, %min3A_1933 : vector<16xf32>
      %max3A_1935 = arith.maximumf %max3A_1926, %get3A_1932 : vector<16xf32>
      %max3A_1936 = arith.maximumf %min3A_1929, %get3A_1932 : vector<16xf32>
      %min3A_1937 = arith.minimumf %min3A_1928, %max3A_1936 : vector<16xf32>
      %min3A_1938 = arith.minimumf %min3A_1929, %get3A_1932 : vector<16xf32>
      %get3A_1939 = arith.constant 3440 : index
      %get3A_1940 = tpu.vector_load %arg4[%get3A_1939] {strides = array<i32>} : memref<4096xf32, #tpu.memory_space<vmem>>, vector<16xf32>,
      %get3A_1941 = vector.shape_cast %get3A_1940 : vector<16xf32> to vector<16xf32>
      %min3A_1942 = arith.minimumf %max3A_1935, %get3A_1941 : vector<16xf32>
      %max3A_1943 = arith.maximumf %max3A_1934, %min3A_1942 : vector<16xf32>
      %max3A_1944 = arith.maximumf %max3A_1935, %get3A_1941 : vector<16xf32>
      %max3A_1945 = arith.maximumf %min3A_1938, %get3A_1941 : vector<16xf32>
      %min3A_1946 = arith.minimumf %min3A_1937, %max3A_1945 : vector<16xf32>
      %min3A_1947 = arith.minimumf %min3A_1938, %get3A_1941 : vector<16xf32>
      %get3A_1948 = arith.constant 3456 : index
      %get3A_1949 = tpu.vector_load %arg4[%get3A_1948] {strides = array<i32>} : memref<4096xf32, #tpu.memory_space<vmem>>, vector<16xf32>,
      %get3A_1950 = vector.shape_cast %get3A_1949 : vector<16xf32> to vector<16xf32>
      %min3A_1951 = arith.minimumf %max3A_1944, %get3A_1950 : vector<16xf32>
      %max3A_1952 = arith.maximumf %max3A_1943, %min3A_1951 : vector<16xf32>
      %max3A_1953 = arith.maximumf %max3A_1944, %get3A_1950 : vector<16xf32>
      %max3A_1954 = arith.maximumf %min3A_1947, %get3A_1950 : vector<16xf32>
      %min3A_1955 = arith.minimumf %min3A_1946, %max3A_1954 : vector<16xf32>
      %min3A_1956 = arith.minimumf %min3A_1947, %get3A_1950 : vector<16xf32>
      %get3A_1957 = arith.constant 3472 : index
      %get3A_1958 = tpu.vector_load %arg4[%get3A_1957] {strides = array<i32>} : memref<4096xf32, #tpu.memory_space<vmem>>, vector<16xf32>,
      %get3A_1959 = vector.shape_cast %get3A_1958 : vector<16xf32> to vector<16xf32>
      %min3A_1960 = arith.minimumf %max3A_1953, %get3A_1959 : vector<16xf32>
      %max3A_1961 = arith.maximumf %max3A_1952, %min3A_1960 : vector<16xf32>
      %max3A_1962 = arith.maximumf %max3A_1953, %get3A_1959 : vector<16xf32>
      %max3A_1963 = arith.maximumf %min3A_1956, %get3A_1959 : vector<16xf32>
      %min3A_1964 = arith.minimumf %min3A_1955, %max3A_1963 : vector<16xf32>
      %min3A_1965 = arith.minimumf %min3A_1956, %get3A_1959 : vector<16xf32>
      %get3A_1966 = arith.constant 3488 : index
      %get3A_1967 = tpu.vector_load %arg4[%get3A_1966] {strides = array<i32>} : memref<4096xf32, #tpu.memory_space<vmem>>, vector<16xf32>,
      %get3A_1968 = vector.shape_cast %get3A_1967 : vector<16xf32> to vector<16xf32>
      %min3A_1969 = arith.minimumf %max3A_1962, %get3A_1968 : vector<16xf32>
      %max3A_1970 = arith.maximumf %max3A_1961, %min3A_1969 : vector<16xf32>
      %max3A_1971 = arith.maximumf %max3A_1962, %get3A_1968 : vector<16xf32>
      %max3A_1972 = arith.maximumf %min3A_1965, %get3A_1968 : vector<16xf32>
      %min3A_1973 = arith.minimumf %min3A_1964, %max3A_1972 : vector<16xf32>
      %min3A_1974 = arith.minimumf %min3A_1965, %get3A_1968 : vector<16xf32>
      %get3A_1975 = arith.constant 3504 : index
      %get3A_1976 = tpu.vector_load %arg4[%get3A_1975] {strides = array<i32>} : memref<4096xf32, #tpu.memory_space<vmem>>, vector<16xf32>,
      %get3A_1977 = vector.shape_cast %get3A_1976 : vector<16xf32> to vector<16xf32>
      %min3A_1978 = arith.minimumf %max3A_1971, %get3A_1977 : vector<16xf32>
      %max3A_1979 = arith.maximumf %max3A_1970, %min3A_1978 : vector<16xf32>
      %max3A_1980 = arith.maximumf %max3A_1971, %get3A_1977 : vector<16xf32>
      %max3A_1981 = arith.maximumf %min3A_1974, %get3A_1977 : vector<16xf32>
      %min3A_1982 = arith.minimumf %min3A_1973, %max3A_1981 : vector<16xf32>
      %min3A_1983 = arith.minimumf %min3A_1974, %get3A_1977 : vector<16xf32>
      %get3A_1984 = arith.constant 3520 : index
      %get3A_1985 = tpu.vector_load %arg4[%get3A_1984] {strides = array<i32>} : memref<4096xf32, #tpu.memory_space<vmem>>, vector<16xf32>,
      %get3A_1986 = vector.shape_cast %get3A_1985 : vector<16xf32> to vector<16xf32>
      %min3A_1987 = arith.minimumf %max3A_1980, %get3A_1986 : vector<16xf32>
      %max3A_1988 = arith.maximumf %max3A_1979, %min3A_1987 : vector<16xf32>
      %max3A_1989 = arith.maximumf %max3A_1980, %get3A_1986 : vector<16xf32>
      %max3A_1990 = arith.maximumf %min3A_1983, %get3A_1986 : vector<16xf32>
      %min3A_1991 = arith.minimumf %min3A_1982, %max3A_1990 : vector<16xf32>
      %min3A_1992 = arith.minimumf %min3A_1983, %get3A_1986 : vector<16xf32>
      %get3A_1993 = arith.constant 3536 : index
      %get3A_1994 = tpu.vector_load %arg4[%get3A_1993] {strides = array<i32>} : memref<4096xf32, #tpu.memory_space<vmem>>, vector<16xf32>,
      %get3A_1995 = vector.shape_cast %get3A_1994 : vector<16xf32> to vector<16xf32>
      %min3A_1996 = arith.minimumf %max3A_1989, %get3A_1995 : vector<16xf32>
      %max3A_1997 = arith.maximumf %max3A_1988, %min3A_1996 : vector<16xf32>
      %max3A_1998 = arith.maximumf %max3A_1989, %get3A_1995 : vector<16xf32>
      %max3A_1999 = arith.maximumf %min3A_1992, %get3A_1995 : vector<16xf32>
      %min3A_2000 = arith.minimumf %min3A_1991, %max3A_1999 : vector<16xf32>
      %min3A_2001 = arith.minimumf %min3A_1992, %get3A_1995 : vector<16xf32>
      %get3A_2002 = arith.constant 3552 : index
      %get3A_2003 = tpu.vector_load %arg4[%get3A_2002] {strides = array<i32>} : memref<4096xf32, #tpu.memory_space<vmem>>, vector<16xf32>,
      %get3A_2004 = vector.shape_cast %get3A_2003 : vector<16xf32> to vector<16xf32>
      %min3A_2005 = arith.minimumf %max3A_1998, %get3A_2004 : vector<16xf32>
      %max3A_2006 = arith.maximumf %max3A_1997, %min3A_2005 : vector<16xf32>
      %max3A_2007 = arith.maximumf %max3A_1998, %get3A_2004 : vector<16xf32>
      %max3A_2008 = arith.maximumf %min3A_2001, %get3A_2004 : vector<16xf32>
      %min3A_2009 = arith.minimumf %min3A_2000, %max3A_2008 : vector<16xf32>
      %min3A_2010 = arith.minimumf %min3A_2001, %get3A_2004 : vector<16xf32>
      %get3A_2011 = arith.constant 3568 : index
      %get3A_2012 = tpu.vector_load %arg4[%get3A_2011] {strides = array<i32>} : memref<4096xf32, #tpu.memory_space<vmem>>, vector<16xf32>,
      %get3A_2013 = vector.shape_cast %get3A_2012 : vector<16xf32> to vector<16xf32>
      %min3A_2014 = arith.minimumf %max3A_2007, %get3A_2013 : vector<16xf32>
      %max3A_2015 = arith.maximumf %max3A_2006, %min3A_2014 : vector<16xf32>
      %max3A_2016 = arith.maximumf %max3A_2007, %get3A_2013 : vector<16xf32>
      %max3A_2017 = arith.maximumf %min3A_2010, %get3A_2013 : vector<16xf32>
      %min3A_2018 = arith.minimumf %min3A_2009, %max3A_2017 : vector<16xf32>
      %min3A_2019 = arith.minimumf %min3A_2010, %get3A_2013 : vector<16xf32>
      %get3A_2020 = arith.constant 3584 : index
      %get3A_2021 = tpu.vector_load %arg4[%get3A_2020] {strides = array<i32>} : memref<4096xf32, #tpu.memory_space<vmem>>, vector<16xf32>,
      %get3A_2022 = vector.shape_cast %get3A_2021 : vector<16xf32> to vector<16xf32>
      %min3A_2023 = arith.minimumf %max3A_2016, %get3A_2022 : vector<16xf32>
      %max3A_2024 = arith.maximumf %max3A_2015, %min3A_2023 : vector<16xf32>
      %max3A_2025 = arith.maximumf %max3A_2016, %get3A_2022 : vector<16xf32>
      %max3A_2026 = arith.maximumf %min3A_2019, %get3A_2022 : vector<16xf32>
      %min3A_2027 = arith.minimumf %min3A_2018, %max3A_2026 : vector<16xf32>
      %min3A_2028 = arith.minimumf %min3A_2019, %get3A_2022 : vector<16xf32>
      %get3A_2029 = arith.constant 3600 : index
      %get3A_2030 = tpu.vector_load %arg4[%get3A_2029] {strides = array<i32>} : memref<4096xf32, #tpu.memory_space<vmem>>, vector<16xf32>,
      %get3A_2031 = vector.shape_cast %get3A_2030 : vector<16xf32> to vector<16xf32>
      %min3A_2032 = arith.minimumf %max3A_2025, %get3A_2031 : vector<16xf32>
      %max3A_2033 = arith.maximumf %max3A_2024, %min3A_2032 : vector<16xf32>
      %max3A_2034 = arith.maximumf %max3A_2025, %get3A_2031 : vector<16xf32>
      %max3A_2035 = arith.maximumf %min3A_2028, %get3A_2031 : vector<16xf32>
      %min3A_2036 = arith.minimumf %min3A_2027, %max3A_2035 : vector<16xf32>
      %min3A_2037 = arith.minimumf %min3A_2028, %get3A_2031 : vector<16xf32>
      %get3A_2038 = arith.constant 3616 : index
      %get3A_2039 = tpu.vector_load %arg4[%get3A_2038] {strides = array<i32>} : memref<4096xf32, #tpu.memory_space<vmem>>, vector<16xf32>,
      %get3A_2040 = vector.shape_cast %get3A_2039 : vector<16xf32> to vector<16xf32>
      %min3A_2041 = arith.minimumf %max3A_2034, %get3A_2040 : vector<16xf32>
      %max3A_2042 = arith.maximumf %max3A_2033, %min3A_2041 : vector<16xf32>
      %max3A_2043 = arith.maximumf %max3A_2034, %get3A_2040 : vector<16xf32>
      %max3A_2044 = arith.maximumf %min3A_2037, %get3A_2040 : vector<16xf32>
      %min3A_2045 = arith.minimumf %min3A_2036, %max3A_2044 : vector<16xf32>
      %min3A_2046 = arith.minimumf %min3A_2037, %get3A_2040 : vector<16xf32>
      %get3A_2047 = arith.constant 3632 : index
      %get3A_2048 = tpu.vector_load %arg4[%get3A_2047] {strides = array<i32>} : memref<4096xf32, #tpu.memory_space<vmem>>, vector<16xf32>,
      %get3A_2049 = vector.shape_cast %get3A_2048 : vector<16xf32> to vector<16xf32>
      %min3A_2050 = arith.minimumf %max3A_2043, %get3A_2049 : vector<16xf32>
      %max3A_2051 = arith.maximumf %max3A_2042, %min3A_2050 : vector<16xf32>
      %max3A_2052 = arith.maximumf %max3A_2043, %get3A_2049 : vector<16xf32>
      %max3A_2053 = arith.maximumf %min3A_2046, %get3A_2049 : vector<16xf32>
      %min3A_2054 = arith.minimumf %min3A_2045, %max3A_2053 : vector<16xf32>
      %min3A_2055 = arith.minimumf %min3A_2046, %get3A_2049 : vector<16xf32>
      %get3A_2056 = arith.constant 3648 : index
      %get3A_2057 = tpu.vector_load %arg4[%get3A_2056] {strides = array<i32>} : memref<4096xf32, #tpu.memory_space<vmem>>, vector<16xf32>,
      %get3A_2058 = vector.shape_cast %get3A_2057 : vector<16xf32> to vector<16xf32>
      %min3A_2059 = arith.minimumf %max3A_2052, %get3A_2058 : vector<16xf32>
      %max3A_2060 = arith.maximumf %max3A_2051, %min3A_2059 : vector<16xf32>
      %max3A_2061 = arith.maximumf %max3A_2052, %get3A_2058 : vector<16xf32>
      %max3A_2062 = arith.maximumf %min3A_2055, %get3A_2058 : vector<16xf32>
      %min3A_2063 = arith.minimumf %min3A_2054, %max3A_2062 : vector<16xf32>
      %min3A_2064 = arith.minimumf %min3A_2055, %get3A_2058 : vector<16xf32>
      %get3A_2065 = arith.constant 3664 : index
      %get3A_2066 = tpu.vector_load %arg4[%get3A_2065] {strides = array<i32>} : memref<4096xf32, #tpu.memory_space<vmem>>, vector<16xf32>,
      %get3A_2067 = vector.shape_cast %get3A_2066 : vector<16xf32> to vector<16xf32>
      %min3A_2068 = arith.minimumf %max3A_2061, %get3A_2067 : vector<16xf32>
      %max3A_2069 = arith.maximumf %max3A_2060, %min3A_2068 : vector<16xf32>
      %max3A_2070 = arith.maximumf %max3A_2061, %get3A_2067 : vector<16xf32>
      %max3A_2071 = arith.maximumf %min3A_2064, %get3A_2067 : vector<16xf32>
      %min3A_2072 = arith.minimumf %min3A_2063, %max3A_2071 : vector<16xf32>
      %min3A_2073 = arith.minimumf %min3A_2064, %get3A_2067 : vector<16xf32>
      %get3A_2074 = arith.constant 3680 : index
      %get3A_2075 = tpu.vector_load %arg4[%get3A_2074] {strides = array<i32>} : memref<4096xf32, #tpu.memory_space<vmem>>, vector<16xf32>,
      %get3A_2076 = vector.shape_cast %get3A_2075 : vector<16xf32> to vector<16xf32>
      %min3A_2077 = arith.minimumf %max3A_2070, %get3A_2076 : vector<16xf32>
      %max3A_2078 = arith.maximumf %max3A_2069, %min3A_2077 : vector<16xf32>
      %max3A_2079 = arith.maximumf %max3A_2070, %get3A_2076 : vector<16xf32>
      %max3A_2080 = arith.maximumf %min3A_2073, %get3A_2076 : vector<16xf32>
      %min3A_2081 = arith.minimumf %min3A_2072, %max3A_2080 : vector<16xf32>
      %min3A_2082 = arith.minimumf %min3A_2073, %get3A_2076 : vector<16xf32>
      %get3A_2083 = arith.constant 3696 : index
      %get3A_2084 = tpu.vector_load %arg4[%get3A_2083] {strides = array<i32>} : memref<4096xf32, #tpu.memory_space<vmem>>, vector<16xf32>,
      %get3A_2085 = vector.shape_cast %get3A_2084 : vector<16xf32> to vector<16xf32>
      %min3A_2086 = arith.minimumf %max3A_2079, %get3A_2085 : vector<16xf32>
      %max3A_2087 = arith.maximumf %max3A_2078, %min3A_2086 : vector<16xf32>
      %max3A_2088 = arith.maximumf %max3A_2079, %get3A_2085 : vector<16xf32>
      %max3A_2089 = arith.maximumf %min3A_2082, %get3A_2085 : vector<16xf32>
      %min3A_2090 = arith.minimumf %min3A_2081, %max3A_2089 : vector<16xf32>
      %min3A_2091 = arith.minimumf %min3A_2082, %get3A_2085 : vector<16xf32>
      %get3A_2092 = arith.constant 3712 : index
      %get3A_2093 = tpu.vector_load %arg4[%get3A_2092] {strides = array<i32>} : memref<4096xf32, #tpu.memory_space<vmem>>, vector<16xf32>,
      %get3A_2094 = vector.shape_cast %get3A_2093 : vector<16xf32> to vector<16xf32>
      %min3A_2095 = arith.minimumf %max3A_2088, %get3A_2094 : vector<16xf32>
      %max3A_2096 = arith.maximumf %max3A_2087, %min3A_2095 : vector<16xf32>
      %max3A_2097 = arith.maximumf %max3A_2088, %get3A_2094 : vector<16xf32>
      %max3A_2098 = arith.maximumf %min3A_2091, %get3A_2094 : vector<16xf32>
      %min3A_2099 = arith.minimumf %min3A_2090, %max3A_2098 : vector<16xf32>
      %min3A_2100 = arith.minimumf %min3A_2091, %get3A_2094 : vector<16xf32>
      %get3A_2101 = arith.constant 3728 : index
      %get3A_2102 = tpu.vector_load %arg4[%get3A_2101] {strides = array<i32>} : memref<4096xf32, #tpu.memory_space<vmem>>, vector<16xf32>,
      %get3A_2103 = vector.shape_cast %get3A_2102 : vector<16xf32> to vector<16xf32>
      %min3A_2104 = arith.minimumf %max3A_2097, %get3A_2103 : vector<16xf32>
      %max3A_2105 = arith.maximumf %max3A_2096, %min3A_2104 : vector<16xf32>
      %max3A_2106 = arith.maximumf %max3A_2097, %get3A_2103 : vector<16xf32>
      %max3A_2107 = arith.maximumf %min3A_2100, %get3A_2103 : vector<16xf32>
      %min3A_2108 = arith.minimumf %min3A_2099, %max3A_2107 : vector<16xf32>
      %min3A_2109 = arith.minimumf %min3A_2100, %get3A_2103 : vector<16xf32>
      %get3A_2110 = arith.constant 3744 : index
      %get3A_2111 = tpu.vector_load %arg4[%get3A_2110] {strides = array<i32>} : memref<4096xf32, #tpu.memory_space<vmem>>, vector<16xf32>,
      %get3A_2112 = vector.shape_cast %get3A_2111 : vector<16xf32> to vector<16xf32>
      %min3A_2113 = arith.minimumf %max3A_2106, %get3A_2112 : vector<16xf32>
      %max3A_2114 = arith.maximumf %max3A_2105, %min3A_2113 : vector<16xf32>
      %max3A_2115 = arith.maximumf %max3A_2106, %get3A_2112 : vector<16xf32>
      %max3A_2116 = arith.maximumf %min3A_2109, %get3A_2112 : vector<16xf32>
      %min3A_2117 = arith.minimumf %min3A_2108, %max3A_2116 : vector<16xf32>
      %min3A_2118 = arith.minimumf %min3A_2109, %get3A_2112 : vector<16xf32>
      %get3A_2119 = arith.constant 3760 : index
      %get3A_2120 = tpu.vector_load %arg4[%get3A_2119] {strides = array<i32>} : memref<4096xf32, #tpu.memory_space<vmem>>, vector<16xf32>,
      %get3A_2121 = vector.shape_cast %get3A_2120 : vector<16xf32> to vector<16xf32>
      %min3A_2122 = arith.minimumf %max3A_2115, %get3A_2121 : vector<16xf32>
      %max3A_2123 = arith.maximumf %max3A_2114, %min3A_2122 : vector<16xf32>
      %max3A_2124 = arith.maximumf %max3A_2115, %get3A_2121 : vector<16xf32>
      %max3A_2125 = arith.maximumf %min3A_2118, %get3A_2121 : vector<16xf32>
      %min3A_2126 = arith.minimumf %min3A_2117, %max3A_2125 : vector<16xf32>
      %min3A_2127 = arith.minimumf %min3A_2118, %get3A_2121 : vector<16xf32>
      %get3A_2128 = arith.constant 3776 : index
      %get3A_2129 = tpu.vector_load %arg4[%get3A_2128] {strides = array<i32>} : memref<4096xf32, #tpu.memory_space<vmem>>, vector<16xf32>,
      %get3A_2130 = vector.shape_cast %get3A_2129 : vector<16xf32> to vector<16xf32>
      %min3A_2131 = arith.minimumf %max3A_2124, %get3A_2130 : vector<16xf32>
      %max3A_2132 = arith.maximumf %max3A_2123, %min3A_2131 : vector<16xf32>
      %max3A_2133 = arith.maximumf %max3A_2124, %get3A_2130 : vector<16xf32>
      %max3A_2134 = arith.maximumf %min3A_2127, %get3A_2130 : vector<16xf32>
      %min3A_2135 = arith.minimumf %min3A_2126, %max3A_2134 : vector<16xf32>
      %min3A_2136 = arith.minimumf %min3A_2127, %get3A_2130 : vector<16xf32>
      %get3A_2137 = arith.constant 3792 : index
      %get3A_2138 = tpu.vector_load %arg4[%get3A_2137] {strides = array<i32>} : memref<4096xf32, #tpu.memory_space<vmem>>, vector<16xf32>,
      %get3A_2139 = vector.shape_cast %get3A_2138 : vector<16xf32> to vector<16xf32>
      %min3A_2140 = arith.minimumf %max3A_2133, %get3A_2139 : vector<16xf32>
      %max3A_2141 = arith.maximumf %max3A_2132, %min3A_2140 : vector<16xf32>
      %max3A_2142 = arith.maximumf %max3A_2133, %get3A_2139 : vector<16xf32>
      %max3A_2143 = arith.maximumf %min3A_2136, %get3A_2139 : vector<16xf32>
      %min3A_2144 = arith.minimumf %min3A_2135, %max3A_2143 : vector<16xf32>
      %min3A_2145 = arith.minimumf %min3A_2136, %get3A_2139 : vector<16xf32>
      %get3A_2146 = arith.constant 3808 : index
      %get3A_2147 = tpu.vector_load %arg4[%get3A_2146] {strides = array<i32>} : memref<4096xf32, #tpu.memory_space<vmem>>, vector<16xf32>,
      %get3A_2148 = vector.shape_cast %get3A_2147 : vector<16xf32> to vector<16xf32>
      %min3A_2149 = arith.minimumf %max3A_2142, %get3A_2148 : vector<16xf32>
      %max3A_2150 = arith.maximumf %max3A_2141, %min3A_2149 : vector<16xf32>
      %max3A_2151 = arith.maximumf %max3A_2142, %get3A_2148 : vector<16xf32>
      %max3A_2152 = arith.maximumf %min3A_2145, %get3A_2148 : vector<16xf32>
      %min3A_2153 = arith.minimumf %min3A_2144, %max3A_2152 : vector<16xf32>
      %min3A_2154 = arith.minimumf %min3A_2145, %get3A_2148 : vector<16xf32>
      %get3A_2155 = arith.constant 3824 : index
      %get3A_2156 = tpu.vector_load %arg4[%get3A_2155] {strides = array<i32>} : memref<4096xf32, #tpu.memory_space<vmem>>, vector<16xf32>,
      %get3A_2157 = vector.shape_cast %get3A_2156 : vector<16xf32> to vector<16xf32>
      %min3A_2158 = arith.minimumf %max3A_2151, %get3A_2157 : vector<16xf32>
      %max3A_2159 = arith.maximumf %max3A_2150, %min3A_2158 : vector<16xf32>
      %max3A_2160 = arith.maximumf %max3A_2151, %get3A_2157 : vector<16xf32>
      %max3A_2161 = arith.maximumf %min3A_2154, %get3A_2157 : vector<16xf32>
      %min3A_2162 = arith.minimumf %min3A_2153, %max3A_2161 : vector<16xf32>
      %min3A_2163 = arith.minimumf %min3A_2154, %get3A_2157 : vector<16xf32>
      %get3A_2164 = arith.constant 3840 : index
      %get3A_2165 = tpu.vector_load %arg4[%get3A_2164] {strides = array<i32>} : memref<4096xf32, #tpu.memory_space<vmem>>, vector<16xf32>,
      %get3A_2166 = vector.shape_cast %get3A_2165 : vector<16xf32> to vector<16xf32>
      %min3A_2167 = arith.minimumf %max3A_2160, %get3A_2166 : vector<16xf32>
      %max3A_2168 = arith.maximumf %max3A_2159, %min3A_2167 : vector<16xf32>
      %max3A_2169 = arith.maximumf %max3A_2160, %get3A_2166 : vector<16xf32>
      %max3A_2170 = arith.maximumf %min3A_2163, %get3A_2166 : vector<16xf32>
      %min3A_2171 = arith.minimumf %min3A_2162, %max3A_2170 : vector<16xf32>
      %min3A_2172 = arith.minimumf %min3A_2163, %get3A_2166 : vector<16xf32>
      %get3A_2173 = arith.constant 3856 : index
      %get3A_2174 = tpu.vector_load %arg4[%get3A_2173] {strides = array<i32>} : memref<4096xf32, #tpu.memory_space<vmem>>, vector<16xf32>,
      %get3A_2175 = vector.shape_cast %get3A_2174 : vector<16xf32> to vector<16xf32>
      %min3A_2176 = arith.minimumf %max3A_2169, %get3A_2175 : vector<16xf32>
      %max3A_2177 = arith.maximumf %max3A_2168, %min3A_2176 : vector<16xf32>
      %max3A_2178 = arith.maximumf %max3A_2169, %get3A_2175 : vector<16xf32>
      %max3A_2179 = arith.maximumf %min3A_2172, %get3A_2175 : vector<16xf32>
      %min3A_2180 = arith.minimumf %min3A_2171, %max3A_2179 : vector<16xf32>
      %min3A_2181 = arith.minimumf %min3A_2172, %get3A_2175 : vector<16xf32>
      %get3A_2182 = arith.constant 3872 : index
      %get3A_2183 = tpu.vector_load %arg4[%get3A_2182] {strides = array<i32>} : memref<4096xf32, #tpu.memory_space<vmem>>, vector<16xf32>,
      %get3A_2184 = vector.shape_cast %get3A_2183 : vector<16xf32> to vector<16xf32>
      %min3A_2185 = arith.minimumf %max3A_2178, %get3A_2184 : vector<16xf32>
      %max3A_2186 = arith.maximumf %max3A_2177, %min3A_2185 : vector<16xf32>
      %max3A_2187 = arith.maximumf %max3A_2178, %get3A_2184 : vector<16xf32>
      %max3A_2188 = arith.maximumf %min3A_2181, %get3A_2184 : vector<16xf32>
      %min3A_2189 = arith.minimumf %min3A_2180, %max3A_2188 : vector<16xf32>
      %min3A_2190 = arith.minimumf %min3A_2181, %get3A_2184 : vector<16xf32>
      %get3A_2191 = arith.constant 3888 : index
      %get3A_2192 = tpu.vector_load %arg4[%get3A_2191] {strides = array<i32>} : memref<4096xf32, #tpu.memory_space<vmem>>, vector<16xf32>,
      %get3A_2193 = vector.shape_cast %get3A_2192 : vector<16xf32> to vector<16xf32>
      %min3A_2194 = arith.minimumf %max3A_2187, %get3A_2193 : vector<16xf32>
      %max3A_2195 = arith.maximumf %max3A_2186, %min3A_2194 : vector<16xf32>
      %max3A_2196 = arith.maximumf %max3A_2187, %get3A_2193 : vector<16xf32>
      %max3A_2197 = arith.maximumf %min3A_2190, %get3A_2193 : vector<16xf32>
      %min3A_2198 = arith.minimumf %min3A_2189, %max3A_2197 : vector<16xf32>
      %min3A_2199 = arith.minimumf %min3A_2190, %get3A_2193 : vector<16xf32>
      %get3A_2200 = arith.constant 3904 : index
      %get3A_2201 = tpu.vector_load %arg4[%get3A_2200] {strides = array<i32>} : memref<4096xf32, #tpu.memory_space<vmem>>, vector<16xf32>,
      %get3A_2202 = vector.shape_cast %get3A_2201 : vector<16xf32> to vector<16xf32>
      %min3A_2203 = arith.minimumf %max3A_2196, %get3A_2202 : vector<16xf32>
      %max3A_2204 = arith.maximumf %max3A_2195, %min3A_2203 : vector<16xf32>
      %max3A_2205 = arith.maximumf %max3A_2196, %get3A_2202 : vector<16xf32>
      %max3A_2206 = arith.maximumf %min3A_2199, %get3A_2202 : vector<16xf32>
      %min3A_2207 = arith.minimumf %min3A_2198, %max3A_2206 : vector<16xf32>
      %min3A_2208 = arith.minimumf %min3A_2199, %get3A_2202 : vector<16xf32>
      %get3A_2209 = arith.constant 3920 : index
      %get3A_2210 = tpu.vector_load %arg4[%get3A_2209] {strides = array<i32>} : memref<4096xf32, #tpu.memory_space<vmem>>, vector<16xf32>,
      %get3A_2211 = vector.shape_cast %get3A_2210 : vector<16xf32> to vector<16xf32>
      %min3A_2212 = arith.minimumf %max3A_2205, %get3A_2211 : vector<16xf32>
      %max3A_2213 = arith.maximumf %max3A_2204, %min3A_2212 : vector<16xf32>
      %max3A_2214 = arith.maximumf %max3A_2205, %get3A_2211 : vector<16xf32>
      %max3A_2215 = arith.maximumf %min3A_2208, %get3A_2211 : vector<16xf32>
      %min3A_2216 = arith.minimumf %min3A_2207, %max3A_2215 : vector<16xf32>
      %min3A_2217 = arith.minimumf %min3A_2208, %get3A_2211 : vector<16xf32>
      %get3A_2218 = arith.constant 3936 : index
      %get3A_2219 = tpu.vector_load %arg4[%get3A_2218] {strides = array<i32>} : memref<4096xf32, #tpu.memory_space<vmem>>, vector<16xf32>,
      %get3A_2220 = vector.shape_cast %get3A_2219 : vector<16xf32> to vector<16xf32>
      %min3A_2221 = arith.minimumf %max3A_2214, %get3A_2220 : vector<16xf32>
      %max3A_2222 = arith.maximumf %max3A_2213, %min3A_2221 : vector<16xf32>
      %max3A_2223 = arith.maximumf %max3A_2214, %get3A_2220 : vector<16xf32>
      %max3A_2224 = arith.maximumf %min3A_2217, %get3A_2220 : vector<16xf32>
      %min3A_2225 = arith.minimumf %min3A_2216, %max3A_2224 : vector<16xf32>
      %min3A_2226 = arith.minimumf %min3A_2217, %get3A_2220 : vector<16xf32>
      %get3A_2227 = arith.constant 3952 : index
      %get3A_2228 = tpu.vector_load %arg4[%get3A_2227] {strides = array<i32>} : memref<4096xf32, #tpu.memory_space<vmem>>, vector<16xf32>,
      %get3A_2229 = vector.shape_cast %get3A_2228 : vector<16xf32> to vector<16xf32>
      %min3A_2230 = arith.minimumf %max3A_2223, %get3A_2229 : vector<16xf32>
      %max3A_2231 = arith.maximumf %max3A_2222, %min3A_2230 : vector<16xf32>
      %max3A_2232 = arith.maximumf %max3A_2223, %get3A_2229 : vector<16xf32>
      %max3A_2233 = arith.maximumf %min3A_2226, %get3A_2229 : vector<16xf32>
      %min3A_2234 = arith.minimumf %min3A_2225, %max3A_2233 : vector<16xf32>
      %min3A_2235 = arith.minimumf %min3A_2226, %get3A_2229 : vector<16xf32>
      %get3A_2236 = arith.constant 3968 : index
      %get3A_2237 = tpu.vector_load %arg4[%get3A_2236] {strides = array<i32>} : memref<4096xf32, #tpu.memory_space<vmem>>, vector<16xf32>,
      %get3A_2238 = vector.shape_cast %get3A_2237 : vector<16xf32> to vector<16xf32>
      %min3A_2239 = arith.minimumf %max3A_2232, %get3A_2238 : vector<16xf32>
      %max3A_2240 = arith.maximumf %max3A_2231, %min3A_2239 : vector<16xf32>
      %max3A_2241 = arith.maximumf %max3A_2232, %get3A_2238 : vector<16xf32>
      %max3A_2242 = arith.maximumf %min3A_2235, %get3A_2238 : vector<16xf32>
      %min3A_2243 = arith.minimumf %min3A_2234, %max3A_2242 : vector<16xf32>
      %min3A_2244 = arith.minimumf %min3A_2235, %get3A_2238 : vector<16xf32>
      %get3A_2245 = arith.constant 3984 : index
      %get3A_2246 = tpu.vector_load %arg4[%get3A_2245] {strides = array<i32>} : memref<4096xf32, #tpu.memory_space<vmem>>, vector<16xf32>,
      %get3A_2247 = vector.shape_cast %get3A_2246 : vector<16xf32> to vector<16xf32>
      %min3A_2248 = arith.minimumf %max3A_2241, %get3A_2247 : vector<16xf32>
      %max3A_2249 = arith.maximumf %max3A_2240, %min3A_2248 : vector<16xf32>
      %max3A_2250 = arith.maximumf %max3A_2241, %get3A_2247 : vector<16xf32>
      %max3A_2251 = arith.maximumf %min3A_2244, %get3A_2247 : vector<16xf32>
      %min3A_2252 = arith.minimumf %min3A_2243, %max3A_2251 : vector<16xf32>
      %min3A_2253 = arith.minimumf %min3A_2244, %get3A_2247 : vector<16xf32>
      %get3A_2254 = arith.constant 4000 : index
      %get3A_2255 = tpu.vector_load %arg4[%get3A_2254] {strides = array<i32>} : memref<4096xf32, #tpu.memory_space<vmem>>, vector<16xf32>,
      %get3A_2256 = vector.shape_cast %get3A_2255 : vector<16xf32> to vector<16xf32>
      %min3A_2257 = arith.minimumf %max3A_2250, %get3A_2256 : vector<16xf32>
      %max3A_2258 = arith.maximumf %max3A_2249, %min3A_2257 : vector<16xf32>
      %max3A_2259 = arith.maximumf %max3A_2250, %get3A_2256 : vector<16xf32>
      %max3A_2260 = arith.maximumf %min3A_2253, %get3A_2256 : vector<16xf32>
      %min3A_2261 = arith.minimumf %min3A_2252, %max3A_2260 : vector<16xf32>
      %min3A_2262 = arith.minimumf %min3A_2253, %get3A_2256 : vector<16xf32>
      %get3A_2263 = arith.constant 4016 : index
      %get3A_2264 = tpu.vector_load %arg4[%get3A_2263] {strides = array<i32>} : memref<4096xf32, #tpu.memory_space<vmem>>, vector<16xf32>,
      %get3A_2265 = vector.shape_cast %get3A_2264 : vector<16xf32> to vector<16xf32>
      %min3A_2266 = arith.minimumf %max3A_2259, %get3A_2265 : vector<16xf32>
      %max3A_2267 = arith.maximumf %max3A_2258, %min3A_2266 : vector<16xf32>
      %max3A_2268 = arith.maximumf %max3A_2259, %get3A_2265 : vector<16xf32>
      %max3A_2269 = arith.maximumf %min3A_2262, %get3A_2265 : vector<16xf32>
      %min3A_2270 = arith.minimumf %min3A_2261, %max3A_2269 : vector<16xf32>
      %min3A_2271 = arith.minimumf %min3A_2262, %get3A_2265 : vector<16xf32>
      %get3A_2272 = arith.constant 4032 : index
      %get3A_2273 = tpu.vector_load %arg4[%get3A_2272] {strides = array<i32>} : memref<4096xf32, #tpu.memory_space<vmem>>, vector<16xf32>,
      %get3A_2274 = vector.shape_cast %get3A_2273 : vector<16xf32> to vector<16xf32>
      %min3A_2275 = arith.minimumf %max3A_2268, %get3A_2274 : vector<16xf32>
      %max3A_2276 = arith.maximumf %max3A_2267, %min3A_2275 : vector<16xf32>
      %max3A_2277 = arith.maximumf %max3A_2268, %get3A_2274 : vector<16xf32>
      %max3A_2278 = arith.maximumf %min3A_2271, %get3A_2274 : vector<16xf32>
      %min3A_2279 = arith.minimumf %min3A_2270, %max3A_2278 : vector<16xf32>
      %min3A_2280 = arith.minimumf %min3A_2271, %get3A_2274 : vector<16xf32>
      %get3A_2281 = arith.constant 4048 : index
      %get3A_2282 = tpu.vector_load %arg4[%get3A_2281] {strides = array<i32>} : memref<4096xf32, #tpu.memory_space<vmem>>, vector<16xf32>,
      %get3A_2283 = vector.shape_cast %get3A_2282 : vector<16xf32> to vector<16xf32>
      %min3A_2284 = arith.minimumf %max3A_2277, %get3A_2283 : vector<16xf32>
      %max3A_2285 = arith.maximumf %max3A_2276, %min3A_2284 : vector<16xf32>
      %max3A_2286 = arith.maximumf %max3A_2277, %get3A_2283 : vector<16xf32>
      %max3A_2287 = arith.maximumf %min3A_2280, %get3A_2283 : vector<16xf32>
      %min3A_2288 = arith.minimumf %min3A_2279, %max3A_2287 : vector<16xf32>
      %min3A_2289 = arith.minimumf %min3A_2280, %get3A_2283 : vector<16xf32>
      %get3A_2290 = arith.constant 4064 : index
      %get3A_2291 = tpu.vector_load %arg4[%get3A_2290] {strides = array<i32>} : memref<4096xf32, #tpu.memory_space<vmem>>, vector<16xf32>,
      %get3A_2292 = vector.shape_cast %get3A_2291 : vector<16xf32> to vector<16xf32>
      %min3A_2293 = arith.minimumf %max3A_2286, %get3A_2292 : vector<16xf32>
      %max3A_2294 = arith.maximumf %max3A_2285, %min3A_2293 : vector<16xf32>
      %max3A_2295 = arith.maximumf %max3A_2286, %get3A_2292 : vector<16xf32>
      %max3A_2296 = arith.maximumf %min3A_2289, %get3A_2292 : vector<16xf32>
      %min3A_2297 = arith.minimumf %min3A_2288, %max3A_2296 : vector<16xf32>
      %min3A_2298 = arith.minimumf %min3A_2289, %get3A_2292 : vector<16xf32>
      %get3A_2299 = arith.constant 4080 : index
      %get3A_2300 = tpu.vector_load %arg4[%get3A_2299] {strides = array<i32>} : memref<4096xf32, #tpu.memory_space<vmem>>, vector<16xf32>,
      %get3A_2301 = vector.shape_cast %get3A_2300 : vector<16xf32> to vector<16xf32>
      %min3A_2302 = arith.minimumf %max3A_2295, %get3A_2301 : vector<16xf32>
      %max3A_2303 = arith.maximumf %max3A_2294, %min3A_2302 : vector<16xf32>
      %max3A_2304 = arith.maximumf %max3A_2295, %get3A_2301 : vector<16xf32>
      %max3A_2305 = arith.maximumf %min3A_2298, %get3A_2301 : vector<16xf32>
      %min3A_2306 = arith.minimumf %min3A_2297, %max3A_2305 : vector<16xf32>
      %min3A_2307 = arith.minimumf %min3A_2298, %get3A_2301 : vector<16xf32>
      %swap3A = arith.constant 0 : index
      %swap3A_2308 = tpu.vector_load %arg5[%swap3A] {strides = array<i32>} : memref<64xf32, #tpu.memory_space<vmem>>, vector<16xf32>,
      %swap3A_2309 = vector.shape_cast %swap3A_2308 : vector<16xf32> to vector<16xf32>
      %swap3A_2310 = vector.shape_cast %max3A_2304 : vector<16xf32> to vector<16xf32>
      tpu.vector_store %arg5[%swap3A], %swap3A_2310 {strides = array<i32>} : memref<64xf32, #tpu.memory_space<vmem>>, vector<16xf32>,
      %swap3A_2311 = arith.constant 16 : index
      %swap3A_2312 = tpu.vector_load %arg5[%swap3A_2311] {strides = array<i32>} : memref<64xf32, #tpu.memory_space<vmem>>, vector<16xf32>,
      %swap3A_2313 = vector.shape_cast %swap3A_2312 : vector<16xf32> to vector<16xf32>
      %swap3A_2314 = vector.shape_cast %max3A_2303 : vector<16xf32> to vector<16xf32>
      tpu.vector_store %arg5[%swap3A_2311], %swap3A_2314 {strides = array<i32>} : memref<64xf32, #tpu.memory_space<vmem>>, vector<16xf32>,
      %swap3A_2315 = arith.constant 32 : index
      %swap3A_2316 = tpu.vector_load %arg5[%swap3A_2315] {strides = array<i32>} : memref<64xf32, #tpu.memory_space<vmem>>, vector<16xf32>,
      %swap3A_2317 = vector.shape_cast %swap3A_2316 : vector<16xf32> to vector<16xf32>
      %swap3A_2318 = vector.shape_cast %min3A_2307 : vector<16xf32> to vector<16xf32>
      tpu.vector_store %arg5[%swap3A_2315], %swap3A_2318 {strides = array<i32>} : memref<64xf32, #tpu.memory_space<vmem>>, vector<16xf32>,
      %swap3A_2319 = arith.constant 48 : index
      %swap3A_2320 = tpu.vector_load %arg5[%swap3A_2319] {strides = array<i32>} : memref<64xf32, #tpu.memory_space<vmem>>, vector<16xf32>,
      %swap3A_2321 = vector.shape_cast %swap3A_2320 : vector<16xf32> to vector<16xf32>
      %swap3A_2322 = vector.shape_cast %min3A_2306 : vector<16xf32> to vector<16xf32>
      tpu.vector_store %arg5[%swap3A_2319], %swap3A_2322 {strides = array<i32>} : memref<64xf32, #tpu.memory_space<vmem>>, vector<16xf32>,
      "tpu.region"() ({
        %run_scoped3A = tpu.sem_alloc : memref<!tpu.dma_semaphore, #tpu.memory_space<semaphore_mem>>
        tpu.enqueue_dma source(%arg5 : memref<64xf32, #tpu.memory_space<vmem>>) target(%arg3 : memref<64xf32, #tpu.memory_space<hbm>>) target_semaphore(%run_scoped3A : memref<!tpu.dma_semaphore, #tpu.memory_space<semaphore_mem>>)
        tpu.wait_dma2 semaphore(%run_scoped3A : memref<!tpu.dma_semaphore, #tpu.memory_space<semaphore_mem>>) src(%arg5 : memref<64xf32, #tpu.memory_space<vmem>>) dst(%arg3 : memref<64xf32, #tpu.memory_space<hbm>>)
        tpu.yield
      }) : () -> ()
    } else {
    }
    return
  }
}

module attributes {stable_mosaic.version = 14 : i64} {
  func.func @_pair_kernel(%arg0: i32, %arg1: memref<10xi32, #tpu.memory_space<smem>>, %arg2: memref<10xi32, #tpu.memory_space<smem>>, %arg3: memref<64xf32, #tpu.memory_space<smem>>, %arg4: memref<4096x1xf32, #tpu.memory_space<vmem>>, %arg5: memref<1x4096xf32, #tpu.memory_space<vmem>>, %arg6: memref<4096x8xf32, #tpu.memory_space<vmem>>, %arg7: memref<8x4096xf32, #tpu.memory_space<vmem>>, %arg8: memref<4096x8xf32, #tpu.memory_space<vmem>>, %arg9: memref<8x4096xf32, #tpu.memory_space<vmem>>, %arg10: memref<1x1xf32, #tpu.memory_space<vmem>>, %arg11: memref<2xf32, #tpu.memory_space<smem>>, %arg12: memref<2x4096xf32, #tpu.memory_space<vmem>>, %arg13: memref<4096x2xf32, #tpu.memory_space<vmem>>, %arg14: memref<16x1024xf32, #tpu.memory_space<vmem>>) attributes {dimension_semantics = [#tpu.dimension_semantics<arbitrary>], iteration_bounds = array<i64: 10>, scalar_prefetch = 3 : i64, scratch_operands = 4 : i64, tpu.core_type = #tpu.core_type<tc>, window_params = [{pipeline_mode = #tpu.pipeline_mode<synchronous>, transform_indices = @transform_0, window_bounds = array<i64: 4096, 1>}, {pipeline_mode = #tpu.pipeline_mode<synchronous>, transform_indices = @transform_1, window_bounds = array<i64: 1, 4096>}, {pipeline_mode = #tpu.pipeline_mode<synchronous>, transform_indices = @transform_2, window_bounds = array<i64: 4096, 8>}, {pipeline_mode = #tpu.pipeline_mode<synchronous>, transform_indices = @transform_3, window_bounds = array<i64: 8, 4096>}, {pipeline_mode = #tpu.pipeline_mode<synchronous>, transform_indices = @transform_4, window_bounds = array<i64: 4096, 8>}, {pipeline_mode = #tpu.pipeline_mode<synchronous>, transform_indices = @transform_5, window_bounds = array<i64: 8, 4096>}, {pipeline_mode = #tpu.pipeline_mode<synchronous>, transform_indices = @transform_6, window_bounds = array<i64: 1, 1>}]} {
    %get3A = arith.index_cast %arg0 : i32 to index
    %get3A_0 = memref.load %arg1[%get3A] : memref<10xi32, #tpu.memory_space<smem>>
    %get3A_1 = arith.index_cast %arg0 : i32 to index
    %get3A_2 = memref.load %arg2[%get3A_1] : memref<10xi32, #tpu.memory_space<smem>>
    %eq3A = arith.constant 0 : i32
    %eq3A_3 = arith.cmpi eq, %arg0, %eq3A : i32
    %convert_element_type3A = arith.extui %eq3A_3 : i1 to i32
    %cond3A = arith.constant 0 : i32
    %cond3A_4 = arith.cmpi ne, %convert_element_type3A, %cond3A : i32
    scf.if %cond3A_4 {
      %get3A_122 = arith.constant 0 : index
      %get3A_123 = memref.load %arg3[%get3A_122] : memref<64xf32, #tpu.memory_space<smem>>
      %min3A = arith.constant 0xFF800000 : f32
      %min3A_124 = arith.minimumf %min3A, %get3A_123 : f32
      %max3A_125 = arith.constant 0xFF800000 : f32
      %max3A_126 = arith.maximumf %max3A_125, %min3A_124 : f32
      %max3A_127 = arith.constant 0xFF800000 : f32
      %max3A_128 = arith.maximumf %max3A_127, %get3A_123 : f32
      %get3A_129 = arith.constant 1 : index
      %get3A_130 = memref.load %arg3[%get3A_129] : memref<64xf32, #tpu.memory_space<smem>>
      %min3A_131 = arith.minimumf %max3A_128, %get3A_130 : f32
      %max3A_132 = arith.maximumf %max3A_126, %min3A_131 : f32
      %max3A_133 = arith.maximumf %max3A_128, %get3A_130 : f32
      %get3A_134 = arith.constant 2 : index
      %get3A_135 = memref.load %arg3[%get3A_134] : memref<64xf32, #tpu.memory_space<smem>>
      %min3A_136 = arith.minimumf %max3A_133, %get3A_135 : f32
      %max3A_137 = arith.maximumf %max3A_132, %min3A_136 : f32
      %max3A_138 = arith.maximumf %max3A_133, %get3A_135 : f32
      %get3A_139 = arith.constant 3 : index
      %get3A_140 = memref.load %arg3[%get3A_139] : memref<64xf32, #tpu.memory_space<smem>>
      %min3A_141 = arith.minimumf %max3A_138, %get3A_140 : f32
      %max3A_142 = arith.maximumf %max3A_137, %min3A_141 : f32
      %max3A_143 = arith.maximumf %max3A_138, %get3A_140 : f32
      %get3A_144 = arith.constant 4 : index
      %get3A_145 = memref.load %arg3[%get3A_144] : memref<64xf32, #tpu.memory_space<smem>>
      %min3A_146 = arith.minimumf %max3A_143, %get3A_145 : f32
      %max3A_147 = arith.maximumf %max3A_142, %min3A_146 : f32
      %max3A_148 = arith.maximumf %max3A_143, %get3A_145 : f32
      %get3A_149 = arith.constant 5 : index
      %get3A_150 = memref.load %arg3[%get3A_149] : memref<64xf32, #tpu.memory_space<smem>>
      %min3A_151 = arith.minimumf %max3A_148, %get3A_150 : f32
      %max3A_152 = arith.maximumf %max3A_147, %min3A_151 : f32
      %max3A_153 = arith.maximumf %max3A_148, %get3A_150 : f32
      %get3A_154 = arith.constant 6 : index
      %get3A_155 = memref.load %arg3[%get3A_154] : memref<64xf32, #tpu.memory_space<smem>>
      %min3A_156 = arith.minimumf %max3A_153, %get3A_155 : f32
      %max3A_157 = arith.maximumf %max3A_152, %min3A_156 : f32
      %max3A_158 = arith.maximumf %max3A_153, %get3A_155 : f32
      %get3A_159 = arith.constant 7 : index
      %get3A_160 = memref.load %arg3[%get3A_159] : memref<64xf32, #tpu.memory_space<smem>>
      %min3A_161 = arith.minimumf %max3A_158, %get3A_160 : f32
      %max3A_162 = arith.maximumf %max3A_157, %min3A_161 : f32
      %max3A_163 = arith.maximumf %max3A_158, %get3A_160 : f32
      %get3A_164 = arith.constant 8 : index
      %get3A_165 = memref.load %arg3[%get3A_164] : memref<64xf32, #tpu.memory_space<smem>>
      %min3A_166 = arith.minimumf %max3A_163, %get3A_165 : f32
      %max3A_167 = arith.maximumf %max3A_162, %min3A_166 : f32
      %max3A_168 = arith.maximumf %max3A_163, %get3A_165 : f32
      %get3A_169 = arith.constant 9 : index
      %get3A_170 = memref.load %arg3[%get3A_169] : memref<64xf32, #tpu.memory_space<smem>>
      %min3A_171 = arith.minimumf %max3A_168, %get3A_170 : f32
      %max3A_172 = arith.maximumf %max3A_167, %min3A_171 : f32
      %max3A_173 = arith.maximumf %max3A_168, %get3A_170 : f32
      %get3A_174 = arith.constant 10 : index
      %get3A_175 = memref.load %arg3[%get3A_174] : memref<64xf32, #tpu.memory_space<smem>>
      %min3A_176 = arith.minimumf %max3A_173, %get3A_175 : f32
      %max3A_177 = arith.maximumf %max3A_172, %min3A_176 : f32
      %max3A_178 = arith.maximumf %max3A_173, %get3A_175 : f32
      %get3A_179 = arith.constant 11 : index
      %get3A_180 = memref.load %arg3[%get3A_179] : memref<64xf32, #tpu.memory_space<smem>>
      %min3A_181 = arith.minimumf %max3A_178, %get3A_180 : f32
      %max3A_182 = arith.maximumf %max3A_177, %min3A_181 : f32
      %max3A_183 = arith.maximumf %max3A_178, %get3A_180 : f32
      %get3A_184 = arith.constant 12 : index
      %get3A_185 = memref.load %arg3[%get3A_184] : memref<64xf32, #tpu.memory_space<smem>>
      %min3A_186 = arith.minimumf %max3A_183, %get3A_185 : f32
      %max3A_187 = arith.maximumf %max3A_182, %min3A_186 : f32
      %max3A_188 = arith.maximumf %max3A_183, %get3A_185 : f32
      %get3A_189 = arith.constant 13 : index
      %get3A_190 = memref.load %arg3[%get3A_189] : memref<64xf32, #tpu.memory_space<smem>>
      %min3A_191 = arith.minimumf %max3A_188, %get3A_190 : f32
      %max3A_192 = arith.maximumf %max3A_187, %min3A_191 : f32
      %max3A_193 = arith.maximumf %max3A_188, %get3A_190 : f32
      %get3A_194 = arith.constant 14 : index
      %get3A_195 = memref.load %arg3[%get3A_194] : memref<64xf32, #tpu.memory_space<smem>>
      %min3A_196 = arith.minimumf %max3A_193, %get3A_195 : f32
      %max3A_197 = arith.maximumf %max3A_192, %min3A_196 : f32
      %max3A_198 = arith.maximumf %max3A_193, %get3A_195 : f32
      %get3A_199 = arith.constant 15 : index
      %get3A_200 = memref.load %arg3[%get3A_199] : memref<64xf32, #tpu.memory_space<smem>>
      %min3A_201 = arith.minimumf %max3A_198, %get3A_200 : f32
      %max3A_202 = arith.maximumf %max3A_197, %min3A_201 : f32
      %max3A_203 = arith.maximumf %max3A_198, %get3A_200 : f32
      %get3A_204 = arith.constant 16 : index
      %get3A_205 = memref.load %arg3[%get3A_204] : memref<64xf32, #tpu.memory_space<smem>>
      %min3A_206 = arith.minimumf %max3A_203, %get3A_205 : f32
      %max3A_207 = arith.maximumf %max3A_202, %min3A_206 : f32
      %max3A_208 = arith.maximumf %max3A_203, %get3A_205 : f32
      %get3A_209 = arith.constant 17 : index
      %get3A_210 = memref.load %arg3[%get3A_209] : memref<64xf32, #tpu.memory_space<smem>>
      %min3A_211 = arith.minimumf %max3A_208, %get3A_210 : f32
      %max3A_212 = arith.maximumf %max3A_207, %min3A_211 : f32
      %max3A_213 = arith.maximumf %max3A_208, %get3A_210 : f32
      %get3A_214 = arith.constant 18 : index
      %get3A_215 = memref.load %arg3[%get3A_214] : memref<64xf32, #tpu.memory_space<smem>>
      %min3A_216 = arith.minimumf %max3A_213, %get3A_215 : f32
      %max3A_217 = arith.maximumf %max3A_212, %min3A_216 : f32
      %max3A_218 = arith.maximumf %max3A_213, %get3A_215 : f32
      %get3A_219 = arith.constant 19 : index
      %get3A_220 = memref.load %arg3[%get3A_219] : memref<64xf32, #tpu.memory_space<smem>>
      %min3A_221 = arith.minimumf %max3A_218, %get3A_220 : f32
      %max3A_222 = arith.maximumf %max3A_217, %min3A_221 : f32
      %max3A_223 = arith.maximumf %max3A_218, %get3A_220 : f32
      %get3A_224 = arith.constant 20 : index
      %get3A_225 = memref.load %arg3[%get3A_224] : memref<64xf32, #tpu.memory_space<smem>>
      %min3A_226 = arith.minimumf %max3A_223, %get3A_225 : f32
      %max3A_227 = arith.maximumf %max3A_222, %min3A_226 : f32
      %max3A_228 = arith.maximumf %max3A_223, %get3A_225 : f32
      %get3A_229 = arith.constant 21 : index
      %get3A_230 = memref.load %arg3[%get3A_229] : memref<64xf32, #tpu.memory_space<smem>>
      %min3A_231 = arith.minimumf %max3A_228, %get3A_230 : f32
      %max3A_232 = arith.maximumf %max3A_227, %min3A_231 : f32
      %max3A_233 = arith.maximumf %max3A_228, %get3A_230 : f32
      %get3A_234 = arith.constant 22 : index
      %get3A_235 = memref.load %arg3[%get3A_234] : memref<64xf32, #tpu.memory_space<smem>>
      %min3A_236 = arith.minimumf %max3A_233, %get3A_235 : f32
      %max3A_237 = arith.maximumf %max3A_232, %min3A_236 : f32
      %max3A_238 = arith.maximumf %max3A_233, %get3A_235 : f32
      %get3A_239 = arith.constant 23 : index
      %get3A_240 = memref.load %arg3[%get3A_239] : memref<64xf32, #tpu.memory_space<smem>>
      %min3A_241 = arith.minimumf %max3A_238, %get3A_240 : f32
      %max3A_242 = arith.maximumf %max3A_237, %min3A_241 : f32
      %max3A_243 = arith.maximumf %max3A_238, %get3A_240 : f32
      %get3A_244 = arith.constant 24 : index
      %get3A_245 = memref.load %arg3[%get3A_244] : memref<64xf32, #tpu.memory_space<smem>>
      %min3A_246 = arith.minimumf %max3A_243, %get3A_245 : f32
      %max3A_247 = arith.maximumf %max3A_242, %min3A_246 : f32
      %max3A_248 = arith.maximumf %max3A_243, %get3A_245 : f32
      %get3A_249 = arith.constant 25 : index
      %get3A_250 = memref.load %arg3[%get3A_249] : memref<64xf32, #tpu.memory_space<smem>>
      %min3A_251 = arith.minimumf %max3A_248, %get3A_250 : f32
      %max3A_252 = arith.maximumf %max3A_247, %min3A_251 : f32
      %max3A_253 = arith.maximumf %max3A_248, %get3A_250 : f32
      %get3A_254 = arith.constant 26 : index
      %get3A_255 = memref.load %arg3[%get3A_254] : memref<64xf32, #tpu.memory_space<smem>>
      %min3A_256 = arith.minimumf %max3A_253, %get3A_255 : f32
      %max3A_257 = arith.maximumf %max3A_252, %min3A_256 : f32
      %max3A_258 = arith.maximumf %max3A_253, %get3A_255 : f32
      %get3A_259 = arith.constant 27 : index
      %get3A_260 = memref.load %arg3[%get3A_259] : memref<64xf32, #tpu.memory_space<smem>>
      %min3A_261 = arith.minimumf %max3A_258, %get3A_260 : f32
      %max3A_262 = arith.maximumf %max3A_257, %min3A_261 : f32
      %max3A_263 = arith.maximumf %max3A_258, %get3A_260 : f32
      %get3A_264 = arith.constant 28 : index
      %get3A_265 = memref.load %arg3[%get3A_264] : memref<64xf32, #tpu.memory_space<smem>>
      %min3A_266 = arith.minimumf %max3A_263, %get3A_265 : f32
      %max3A_267 = arith.maximumf %max3A_262, %min3A_266 : f32
      %max3A_268 = arith.maximumf %max3A_263, %get3A_265 : f32
      %get3A_269 = arith.constant 29 : index
      %get3A_270 = memref.load %arg3[%get3A_269] : memref<64xf32, #tpu.memory_space<smem>>
      %min3A_271 = arith.minimumf %max3A_268, %get3A_270 : f32
      %max3A_272 = arith.maximumf %max3A_267, %min3A_271 : f32
      %max3A_273 = arith.maximumf %max3A_268, %get3A_270 : f32
      %get3A_274 = arith.constant 30 : index
      %get3A_275 = memref.load %arg3[%get3A_274] : memref<64xf32, #tpu.memory_space<smem>>
      %min3A_276 = arith.minimumf %max3A_273, %get3A_275 : f32
      %max3A_277 = arith.maximumf %max3A_272, %min3A_276 : f32
      %max3A_278 = arith.maximumf %max3A_273, %get3A_275 : f32
      %get3A_279 = arith.constant 31 : index
      %get3A_280 = memref.load %arg3[%get3A_279] : memref<64xf32, #tpu.memory_space<smem>>
      %min3A_281 = arith.minimumf %max3A_278, %get3A_280 : f32
      %max3A_282 = arith.maximumf %max3A_277, %min3A_281 : f32
      %max3A_283 = arith.maximumf %max3A_278, %get3A_280 : f32
      %get3A_284 = arith.constant 32 : index
      %get3A_285 = memref.load %arg3[%get3A_284] : memref<64xf32, #tpu.memory_space<smem>>
      %max3A_286 = arith.constant 0x7F800000 : f32
      %max3A_287 = arith.maximumf %max3A_286, %get3A_285 : f32
      %min3A_288 = arith.constant 0x7F800000 : f32
      %min3A_289 = arith.minimumf %min3A_288, %max3A_287 : f32
      %min3A_290 = arith.constant 0x7F800000 : f32
      %min3A_291 = arith.minimumf %min3A_290, %get3A_285 : f32
      %get3A_292 = arith.constant 33 : index
      %get3A_293 = memref.load %arg3[%get3A_292] : memref<64xf32, #tpu.memory_space<smem>>
      %max3A_294 = arith.maximumf %min3A_291, %get3A_293 : f32
      %min3A_295 = arith.minimumf %min3A_289, %max3A_294 : f32
      %min3A_296 = arith.minimumf %min3A_291, %get3A_293 : f32
      %get3A_297 = arith.constant 34 : index
      %get3A_298 = memref.load %arg3[%get3A_297] : memref<64xf32, #tpu.memory_space<smem>>
      %max3A_299 = arith.maximumf %min3A_296, %get3A_298 : f32
      %min3A_300 = arith.minimumf %min3A_295, %max3A_299 : f32
      %min3A_301 = arith.minimumf %min3A_296, %get3A_298 : f32
      %get3A_302 = arith.constant 35 : index
      %get3A_303 = memref.load %arg3[%get3A_302] : memref<64xf32, #tpu.memory_space<smem>>
      %max3A_304 = arith.maximumf %min3A_301, %get3A_303 : f32
      %min3A_305 = arith.minimumf %min3A_300, %max3A_304 : f32
      %min3A_306 = arith.minimumf %min3A_301, %get3A_303 : f32
      %get3A_307 = arith.constant 36 : index
      %get3A_308 = memref.load %arg3[%get3A_307] : memref<64xf32, #tpu.memory_space<smem>>
      %max3A_309 = arith.maximumf %min3A_306, %get3A_308 : f32
      %min3A_310 = arith.minimumf %min3A_305, %max3A_309 : f32
      %min3A_311 = arith.minimumf %min3A_306, %get3A_308 : f32
      %get3A_312 = arith.constant 37 : index
      %get3A_313 = memref.load %arg3[%get3A_312] : memref<64xf32, #tpu.memory_space<smem>>
      %max3A_314 = arith.maximumf %min3A_311, %get3A_313 : f32
      %min3A_315 = arith.minimumf %min3A_310, %max3A_314 : f32
      %min3A_316 = arith.minimumf %min3A_311, %get3A_313 : f32
      %get3A_317 = arith.constant 38 : index
      %get3A_318 = memref.load %arg3[%get3A_317] : memref<64xf32, #tpu.memory_space<smem>>
      %max3A_319 = arith.maximumf %min3A_316, %get3A_318 : f32
      %min3A_320 = arith.minimumf %min3A_315, %max3A_319 : f32
      %min3A_321 = arith.minimumf %min3A_316, %get3A_318 : f32
      %get3A_322 = arith.constant 39 : index
      %get3A_323 = memref.load %arg3[%get3A_322] : memref<64xf32, #tpu.memory_space<smem>>
      %max3A_324 = arith.maximumf %min3A_321, %get3A_323 : f32
      %min3A_325 = arith.minimumf %min3A_320, %max3A_324 : f32
      %min3A_326 = arith.minimumf %min3A_321, %get3A_323 : f32
      %get3A_327 = arith.constant 40 : index
      %get3A_328 = memref.load %arg3[%get3A_327] : memref<64xf32, #tpu.memory_space<smem>>
      %max3A_329 = arith.maximumf %min3A_326, %get3A_328 : f32
      %min3A_330 = arith.minimumf %min3A_325, %max3A_329 : f32
      %min3A_331 = arith.minimumf %min3A_326, %get3A_328 : f32
      %get3A_332 = arith.constant 41 : index
      %get3A_333 = memref.load %arg3[%get3A_332] : memref<64xf32, #tpu.memory_space<smem>>
      %max3A_334 = arith.maximumf %min3A_331, %get3A_333 : f32
      %min3A_335 = arith.minimumf %min3A_330, %max3A_334 : f32
      %min3A_336 = arith.minimumf %min3A_331, %get3A_333 : f32
      %get3A_337 = arith.constant 42 : index
      %get3A_338 = memref.load %arg3[%get3A_337] : memref<64xf32, #tpu.memory_space<smem>>
      %max3A_339 = arith.maximumf %min3A_336, %get3A_338 : f32
      %min3A_340 = arith.minimumf %min3A_335, %max3A_339 : f32
      %min3A_341 = arith.minimumf %min3A_336, %get3A_338 : f32
      %get3A_342 = arith.constant 43 : index
      %get3A_343 = memref.load %arg3[%get3A_342] : memref<64xf32, #tpu.memory_space<smem>>
      %max3A_344 = arith.maximumf %min3A_341, %get3A_343 : f32
      %min3A_345 = arith.minimumf %min3A_340, %max3A_344 : f32
      %min3A_346 = arith.minimumf %min3A_341, %get3A_343 : f32
      %get3A_347 = arith.constant 44 : index
      %get3A_348 = memref.load %arg3[%get3A_347] : memref<64xf32, #tpu.memory_space<smem>>
      %max3A_349 = arith.maximumf %min3A_346, %get3A_348 : f32
      %min3A_350 = arith.minimumf %min3A_345, %max3A_349 : f32
      %min3A_351 = arith.minimumf %min3A_346, %get3A_348 : f32
      %get3A_352 = arith.constant 45 : index
      %get3A_353 = memref.load %arg3[%get3A_352] : memref<64xf32, #tpu.memory_space<smem>>
      %max3A_354 = arith.maximumf %min3A_351, %get3A_353 : f32
      %min3A_355 = arith.minimumf %min3A_350, %max3A_354 : f32
      %min3A_356 = arith.minimumf %min3A_351, %get3A_353 : f32
      %get3A_357 = arith.constant 46 : index
      %get3A_358 = memref.load %arg3[%get3A_357] : memref<64xf32, #tpu.memory_space<smem>>
      %max3A_359 = arith.maximumf %min3A_356, %get3A_358 : f32
      %min3A_360 = arith.minimumf %min3A_355, %max3A_359 : f32
      %min3A_361 = arith.minimumf %min3A_356, %get3A_358 : f32
      %get3A_362 = arith.constant 47 : index
      %get3A_363 = memref.load %arg3[%get3A_362] : memref<64xf32, #tpu.memory_space<smem>>
      %max3A_364 = arith.maximumf %min3A_361, %get3A_363 : f32
      %min3A_365 = arith.minimumf %min3A_360, %max3A_364 : f32
      %min3A_366 = arith.minimumf %min3A_361, %get3A_363 : f32
      %get3A_367 = arith.constant 48 : index
      %get3A_368 = memref.load %arg3[%get3A_367] : memref<64xf32, #tpu.memory_space<smem>>
      %max3A_369 = arith.maximumf %min3A_366, %get3A_368 : f32
      %min3A_370 = arith.minimumf %min3A_365, %max3A_369 : f32
      %min3A_371 = arith.minimumf %min3A_366, %get3A_368 : f32
      %get3A_372 = arith.constant 49 : index
      %get3A_373 = memref.load %arg3[%get3A_372] : memref<64xf32, #tpu.memory_space<smem>>
      %max3A_374 = arith.maximumf %min3A_371, %get3A_373 : f32
      %min3A_375 = arith.minimumf %min3A_370, %max3A_374 : f32
      %min3A_376 = arith.minimumf %min3A_371, %get3A_373 : f32
      %get3A_377 = arith.constant 50 : index
      %get3A_378 = memref.load %arg3[%get3A_377] : memref<64xf32, #tpu.memory_space<smem>>
      %max3A_379 = arith.maximumf %min3A_376, %get3A_378 : f32
      %min3A_380 = arith.minimumf %min3A_375, %max3A_379 : f32
      %min3A_381 = arith.minimumf %min3A_376, %get3A_378 : f32
      %get3A_382 = arith.constant 51 : index
      %get3A_383 = memref.load %arg3[%get3A_382] : memref<64xf32, #tpu.memory_space<smem>>
      %max3A_384 = arith.maximumf %min3A_381, %get3A_383 : f32
      %min3A_385 = arith.minimumf %min3A_380, %max3A_384 : f32
      %min3A_386 = arith.minimumf %min3A_381, %get3A_383 : f32
      %get3A_387 = arith.constant 52 : index
      %get3A_388 = memref.load %arg3[%get3A_387] : memref<64xf32, #tpu.memory_space<smem>>
      %max3A_389 = arith.maximumf %min3A_386, %get3A_388 : f32
      %min3A_390 = arith.minimumf %min3A_385, %max3A_389 : f32
      %min3A_391 = arith.minimumf %min3A_386, %get3A_388 : f32
      %get3A_392 = arith.constant 53 : index
      %get3A_393 = memref.load %arg3[%get3A_392] : memref<64xf32, #tpu.memory_space<smem>>
      %max3A_394 = arith.maximumf %min3A_391, %get3A_393 : f32
      %min3A_395 = arith.minimumf %min3A_390, %max3A_394 : f32
      %min3A_396 = arith.minimumf %min3A_391, %get3A_393 : f32
      %get3A_397 = arith.constant 54 : index
      %get3A_398 = memref.load %arg3[%get3A_397] : memref<64xf32, #tpu.memory_space<smem>>
      %max3A_399 = arith.maximumf %min3A_396, %get3A_398 : f32
      %min3A_400 = arith.minimumf %min3A_395, %max3A_399 : f32
      %min3A_401 = arith.minimumf %min3A_396, %get3A_398 : f32
      %get3A_402 = arith.constant 55 : index
      %get3A_403 = memref.load %arg3[%get3A_402] : memref<64xf32, #tpu.memory_space<smem>>
      %max3A_404 = arith.maximumf %min3A_401, %get3A_403 : f32
      %min3A_405 = arith.minimumf %min3A_400, %max3A_404 : f32
      %min3A_406 = arith.minimumf %min3A_401, %get3A_403 : f32
      %get3A_407 = arith.constant 56 : index
      %get3A_408 = memref.load %arg3[%get3A_407] : memref<64xf32, #tpu.memory_space<smem>>
      %max3A_409 = arith.maximumf %min3A_406, %get3A_408 : f32
      %min3A_410 = arith.minimumf %min3A_405, %max3A_409 : f32
      %min3A_411 = arith.minimumf %min3A_406, %get3A_408 : f32
      %get3A_412 = arith.constant 57 : index
      %get3A_413 = memref.load %arg3[%get3A_412] : memref<64xf32, #tpu.memory_space<smem>>
      %max3A_414 = arith.maximumf %min3A_411, %get3A_413 : f32
      %min3A_415 = arith.minimumf %min3A_410, %max3A_414 : f32
      %min3A_416 = arith.minimumf %min3A_411, %get3A_413 : f32
      %get3A_417 = arith.constant 58 : index
      %get3A_418 = memref.load %arg3[%get3A_417] : memref<64xf32, #tpu.memory_space<smem>>
      %max3A_419 = arith.maximumf %min3A_416, %get3A_418 : f32
      %min3A_420 = arith.minimumf %min3A_415, %max3A_419 : f32
      %min3A_421 = arith.minimumf %min3A_416, %get3A_418 : f32
      %get3A_422 = arith.constant 59 : index
      %get3A_423 = memref.load %arg3[%get3A_422] : memref<64xf32, #tpu.memory_space<smem>>
      %max3A_424 = arith.maximumf %min3A_421, %get3A_423 : f32
      %min3A_425 = arith.minimumf %min3A_420, %max3A_424 : f32
      %min3A_426 = arith.minimumf %min3A_421, %get3A_423 : f32
      %get3A_427 = arith.constant 60 : index
      %get3A_428 = memref.load %arg3[%get3A_427] : memref<64xf32, #tpu.memory_space<smem>>
      %max3A_429 = arith.maximumf %min3A_426, %get3A_428 : f32
      %min3A_430 = arith.minimumf %min3A_425, %max3A_429 : f32
      %min3A_431 = arith.minimumf %min3A_426, %get3A_428 : f32
      %get3A_432 = arith.constant 61 : index
      %get3A_433 = memref.load %arg3[%get3A_432] : memref<64xf32, #tpu.memory_space<smem>>
      %max3A_434 = arith.maximumf %min3A_431, %get3A_433 : f32
      %min3A_435 = arith.minimumf %min3A_430, %max3A_434 : f32
      %min3A_436 = arith.minimumf %min3A_431, %get3A_433 : f32
      %get3A_437 = arith.constant 62 : index
      %get3A_438 = memref.load %arg3[%get3A_437] : memref<64xf32, #tpu.memory_space<smem>>
      %max3A_439 = arith.maximumf %min3A_436, %get3A_438 : f32
      %min3A_440 = arith.minimumf %min3A_435, %max3A_439 : f32
      %min3A_441 = arith.minimumf %min3A_436, %get3A_438 : f32
      %get3A_442 = arith.constant 63 : index
      %get3A_443 = memref.load %arg3[%get3A_442] : memref<64xf32, #tpu.memory_space<smem>>
      %max3A_444 = arith.maximumf %min3A_441, %get3A_443 : f32
      %min3A_445 = arith.minimumf %min3A_440, %max3A_444 : f32
      %min3A_446 = arith.minimumf %min3A_441, %get3A_443 : f32
      %add3A_447 = arith.addf %max3A_283, %max3A_282 : f32
      %mul3A_448 = arith.constant 5.000000e-03 : f32
      %mul3A_449 = arith.mulf %add3A_447, %mul3A_448 : f32
      %mul3A_450 = arith.mulf %mul3A_449, %mul3A_449 : f32
      %sub3A_451 = arith.constant 1.000000e+00 : f32
      %sub3A_452 = arith.subf %sub3A_451, %mul3A_450 : f32
      %log3A_453 = math.log %sub3A_452 : f32
      %div3A_454 = arith.constant -2.000000e+00 : f32
      %div3A_455 = arith.divf %div3A_454, %log3A_453 : f32
      %add3A_456 = arith.addf %min3A_446, %min3A_445 : f32
      %mul3A_457 = arith.constant 5.000000e-03 : f32
      %mul3A_458 = arith.mulf %add3A_456, %mul3A_457 : f32
      %mul3A_459 = arith.mulf %mul3A_458, %mul3A_458 : f32
      %sub3A_460 = arith.constant 1.000000e+00 : f32
      %sub3A_461 = arith.subf %sub3A_460, %mul3A_459 : f32
      %log3A_462 = math.log %sub3A_461 : f32
      %div3A_463 = arith.constant -2.000000e+00 : f32
      %div3A_464 = arith.divf %div3A_463, %log3A_462 : f32
      %sub3A_465 = arith.subf %div3A_464, %div3A_455 : f32
      %div3A_466 = arith.constant 1.000000e+01 : f32
      %div3A_467 = arith.divf %sub3A_465, %div3A_466 : f32
      %mul3A_468 = arith.constant 9.000000e+00 : f32
      %mul3A_469 = arith.mulf %mul3A_468, %div3A_467 : f32
      %add3A_470 = arith.addf %div3A_455, %mul3A_469 : f32
      %swap3A_471 = arith.constant 0 : index
      %swap3A_472 = memref.load %arg11[%swap3A_471] : memref<2xf32, #tpu.memory_space<smem>>
      memref.store %add3A_470, %arg11[%swap3A_471] : memref<2xf32, #tpu.memory_space<smem>>
      %mul3A_473 = arith.constant 1.000000e+01 : f32
      %mul3A_474 = arith.mulf %mul3A_473, %div3A_467 : f32
      %add3A_475 = arith.addf %div3A_455, %mul3A_474 : f32
      %add3A_476 = arith.constant 1.000000e+00 : f32
      %add3A_477 = arith.addf %add3A_475, %add3A_476 : f32
      %swap3A_478 = arith.constant 1 : index
      %swap3A_479 = memref.load %arg11[%swap3A_478] : memref<2xf32, #tpu.memory_space<smem>>
      memref.store %add3A_477, %arg11[%swap3A_478] : memref<2xf32, #tpu.memory_space<smem>>
      %get3A_480 = arith.constant 0 : index
      %get3A_481 = arith.constant 0 : index
      %get3A_482 = vector.load %arg7[%get3A_480, %get3A_481] : memref<8x4096xf32, #tpu.memory_space<vmem>>, vector<8x4096xf32>
      %get3A_483 = arith.constant 0 : index
      %get3A_484 = arith.constant 0 : index
      %get3A_485 = vector.load %arg9[%get3A_483, %get3A_484] : memref<8x4096xf32, #tpu.memory_space<vmem>>, vector<8x4096xf32>
      %mul3A_486 = arith.mulf %get3A_482, %get3A_482 : vector<8x4096xf32>
      %reduce_sum3A_487 = arith.constant dense<0.000000e+00> : vector<4096xf32>
      %reduce_sum3A_488 = vector.multi_reduction <add>, %mul3A_486, %reduce_sum3A_487 [0] : vector<8x4096xf32> to vector<4096xf32>
      %broadcast_in_dim3A_489 = vector.shape_cast %reduce_sum3A_488 : vector<4096xf32> to vector<1x4096xf32>
      %swap3A_490 = arith.constant 0 : index
      %swap3A_491 = arith.constant 0 : index
      %swap3A_492 = vector.load %arg12[%swap3A_490, %swap3A_491] : memref<2x4096xf32, #tpu.memory_space<vmem>>, vector<1x4096xf32>
      tpu.vector_store %arg12[%swap3A_490, %swap3A_491], %broadcast_in_dim3A_489 {strides = array<i32>} : memref<2x4096xf32, #tpu.memory_space<vmem>>, vector<1x4096xf32>,
      %mul3A_493 = arith.mulf %get3A_485, %get3A_485 : vector<8x4096xf32>
      %reduce_sum3A_494 = arith.constant dense<0.000000e+00> : vector<4096xf32>
      %reduce_sum3A_495 = vector.multi_reduction <add>, %mul3A_493, %reduce_sum3A_494 [0] : vector<8x4096xf32> to vector<4096xf32>
      %broadcast_in_dim3A_496 = vector.shape_cast %reduce_sum3A_495 : vector<4096xf32> to vector<1x4096xf32>
      %swap3A_497 = arith.constant 1 : index
      %swap3A_498 = arith.constant 0 : index
      %swap3A_499 = vector.load %arg12[%swap3A_497, %swap3A_498] : memref<2x4096xf32, #tpu.memory_space<vmem>>, vector<1x4096xf32>
      tpu.vector_store %arg12[%swap3A_497, %swap3A_498], %broadcast_in_dim3A_496 {strides = array<i32>} : memref<2x4096xf32, #tpu.memory_space<vmem>>, vector<1x4096xf32>,
      %get3A_500 = arith.constant 0 : index
      %get3A_501 = arith.constant 0 : index
      %get3A_502 = vector.load %arg6[%get3A_500, %get3A_501] : memref<4096x8xf32, #tpu.memory_space<vmem>>, vector<4096x8xf32>
      %get3A_503 = arith.constant 0 : index
      %get3A_504 = arith.constant 0 : index
      %get3A_505 = vector.load %arg8[%get3A_503, %get3A_504] : memref<4096x8xf32, #tpu.memory_space<vmem>>, vector<4096x8xf32>
      %mul3A_506 = arith.mulf %get3A_502, %get3A_502 : vector<4096x8xf32>
      %reduce_sum3A_507 = arith.constant dense<0.000000e+00> : vector<4096xf32>
      %reduce_sum3A_508 = vector.multi_reduction <add>, %mul3A_506, %reduce_sum3A_507 [1] : vector<4096x8xf32> to vector<4096xf32>
      %broadcast_in_dim3A_509 = vector.shape_cast %reduce_sum3A_508 : vector<4096xf32> to vector<4096x1xf32>
      %swap3A_510 = arith.constant 0 : index
      %swap3A_511 = arith.constant 0 : index
      %swap3A_512 = vector.load %arg13[%swap3A_510, %swap3A_511] : memref<4096x2xf32, #tpu.memory_space<vmem>>, vector<4096x1xf32>
      tpu.vector_store %arg13[%swap3A_510, %swap3A_511], %broadcast_in_dim3A_509 {strides = array<i32>} : memref<4096x2xf32, #tpu.memory_space<vmem>>, vector<4096x1xf32>,
      %mul3A_513 = arith.mulf %get3A_505, %get3A_505 : vector<4096x8xf32>
      %reduce_sum3A_514 = arith.constant dense<0.000000e+00> : vector<4096xf32>
      %reduce_sum3A_515 = vector.multi_reduction <add>, %mul3A_513, %reduce_sum3A_514 [1] : vector<4096x8xf32> to vector<4096xf32>
      %broadcast_in_dim3A_516 = vector.shape_cast %reduce_sum3A_515 : vector<4096xf32> to vector<4096x1xf32>
      %swap3A_517 = arith.constant 0 : index
      %swap3A_518 = arith.constant 1 : index
      %swap3A_519 = vector.load %arg13[%swap3A_517, %swap3A_518] : memref<4096x2xf32, #tpu.memory_space<vmem>>, vector<4096x1xf32>
      tpu.vector_store %arg13[%swap3A_517, %swap3A_518], %broadcast_in_dim3A_516 {strides = array<i32>} : memref<4096x2xf32, #tpu.memory_space<vmem>>, vector<4096x1xf32>,
      %broadcast_in_dim3A_520 = arith.constant 0.000000e+00 : f32
      %broadcast_in_dim3A_521 = vector.broadcast %broadcast_in_dim3A_520 : f32 to vector<16x1024xf32>
      %swap3A_522 = arith.constant 0 : index
      %swap3A_523 = arith.constant 0 : index
      %swap3A_524 = vector.load %arg14[%swap3A_522, %swap3A_523] : memref<16x1024xf32, #tpu.memory_space<vmem>>, vector<16x1024xf32>
      tpu.vector_store %arg14[%swap3A_522, %swap3A_523], %broadcast_in_dim3A_521 {strides = array<i32>} : memref<16x1024xf32, #tpu.memory_space<vmem>>, vector<16x1024xf32>,
    } else {
    }
    %get3A_5 = arith.constant 0 : index
    %get3A_6 = memref.load %arg11[%get3A_5] : memref<2xf32, #tpu.memory_space<smem>>
    %get3A_7 = arith.constant 1 : index
    %get3A_8 = memref.load %arg11[%get3A_7] : memref<2xf32, #tpu.memory_space<smem>>
    %mul3A = arith.constant 1024 : i32
    %mul3A_9 = arith.muli %get3A_0, %mul3A : i32
    %mul3A_10 = arith.constant 1024 : i32
    %mul3A_11 = arith.muli %get3A_2, %mul3A_10 : i32
    %get3A_12 = arith.index_cast %mul3A_9 : i32 to index
    %get3A_13 = arith.constant 0 : index
    %get3A_14 = vector.load %arg4[%get3A_12, %get3A_13] : memref<4096x1xf32, #tpu.memory_space<vmem>>, vector<1024x1xf32>
    %get3A_15 = arith.constant 0 : index
    %get3A_16 = arith.index_cast %mul3A_11 : i32 to index
    %get3A_17 = vector.load %arg5[%get3A_15, %get3A_16] : memref<1x4096xf32, #tpu.memory_space<vmem>>, vector<1x1024xf32>
    %add3A = vector.broadcast %get3A_14 : vector<1024x1xf32> to vector<1024x1024xf32>
    %add3A_18 = vector.broadcast %get3A_17 : vector<1x1024xf32> to vector<1024x1024xf32>
    %add3A_19 = arith.addf %add3A, %add3A_18 : vector<1024x1024xf32>
    %mul3A_20 = arith.constant 5.000000e-03 : f32
    %mul3A_21 = vector.broadcast %mul3A_20 : f32 to vector<1024x1024xf32>
    %mul3A_22 = arith.mulf %add3A_19, %mul3A_21 : vector<1024x1024xf32>
    %mul3A_23 = arith.mulf %mul3A_22, %mul3A_22 : vector<1024x1024xf32>
    %sub3A = arith.constant 1.000000e+00 : f32
    %sub3A_24 = vector.broadcast %sub3A : f32 to vector<1024x1024xf32>
    %sub3A_25 = arith.subf %sub3A_24, %mul3A_23 : vector<1024x1024xf32>
    %log3A = math.log %sub3A_25 : vector<1024x1024xf32>
    %div3A = arith.constant -2.000000e+00 : f32
    %div3A_26 = vector.broadcast %div3A : f32 to vector<1024x1024xf32>
    %div3A_27 = arith.divf %div3A_26, %log3A : vector<1024x1024xf32>
    %get3A_28 = arith.index_cast %mul3A_9 : i32 to index
    %get3A_29 = arith.constant 0 : index
    %get3A_30 = vector.load %arg6[%get3A_28, %get3A_29] : memref<4096x8xf32, #tpu.memory_space<vmem>>, vector<1024x8xf32>
    %get3A_31 = arith.constant 0 : index
    %get3A_32 = arith.index_cast %mul3A_11 : i32 to index
    %get3A_33 = vector.load %arg7[%get3A_31, %get3A_32] : memref<8x4096xf32, #tpu.memory_space<vmem>>, vector<8x1024xf32>
    %dot_general3A = arith.constant dense<0.000000e+00> : vector<1024x1024xf32>
    %dot_general3A_34 = tpu.matmul %get3A_30, %get3A_33, %dot_general3A {dimension_numbers = #tpu.dot_dimension_numbers<[1], [0], [0], [1], [0, 0, 1, 1], [], []>, transpose_lhs_hint = false} : vector<1024x8xf32>, vector<8x1024xf32>, vector<1024x1024xf32> -> vector<1024x1024xf32>
    %get3A_35 = arith.index_cast %mul3A_9 : i32 to index
    %get3A_36 = arith.constant 0 : index
    %get3A_37 = vector.load %arg13[%get3A_35, %get3A_36] : memref<4096x2xf32, #tpu.memory_space<vmem>>, vector<1024x1xf32>
    %get3A_38 = arith.constant 0 : index
    %get3A_39 = arith.index_cast %mul3A_11 : i32 to index
    %get3A_40 = vector.load %arg12[%get3A_38, %get3A_39] : memref<2x4096xf32, #tpu.memory_space<vmem>>, vector<1x1024xf32>
    %add3A_41 = vector.broadcast %get3A_37 : vector<1024x1xf32> to vector<1024x1024xf32>
    %add3A_42 = vector.broadcast %get3A_40 : vector<1x1024xf32> to vector<1024x1024xf32>
    %add3A_43 = arith.addf %add3A_41, %add3A_42 : vector<1024x1024xf32>
    %mul3A_44 = arith.constant 2.000000e+00 : f32
    %mul3A_45 = vector.broadcast %mul3A_44 : f32 to vector<1024x1024xf32>
    %mul3A_46 = arith.mulf %mul3A_45, %dot_general3A_34 : vector<1024x1024xf32>
    %sub3A_47 = arith.subf %add3A_43, %mul3A_46 : vector<1024x1024xf32>
    %max3A = arith.constant 0.000000e+00 : f32
    %max3A_48 = vector.broadcast %max3A : f32 to vector<1024x1024xf32>
    %max3A_49 = arith.maximumf %sub3A_47, %max3A_48 : vector<1024x1024xf32>
    %get3A_50 = arith.index_cast %mul3A_9 : i32 to index
    %get3A_51 = arith.constant 0 : index
    %get3A_52 = vector.load %arg8[%get3A_50, %get3A_51] : memref<4096x8xf32, #tpu.memory_space<vmem>>, vector<1024x8xf32>
    %get3A_53 = arith.constant 0 : index
    %get3A_54 = arith.index_cast %mul3A_11 : i32 to index
    %get3A_55 = vector.load %arg9[%get3A_53, %get3A_54] : memref<8x4096xf32, #tpu.memory_space<vmem>>, vector<8x1024xf32>
    %dot_general3A_56 = arith.constant dense<0.000000e+00> : vector<1024x1024xf32>
    %dot_general3A_57 = tpu.matmul %get3A_52, %get3A_55, %dot_general3A_56 {dimension_numbers = #tpu.dot_dimension_numbers<[1], [0], [0], [1], [0, 0, 1, 1], [], []>, transpose_lhs_hint = false} : vector<1024x8xf32>, vector<8x1024xf32>, vector<1024x1024xf32> -> vector<1024x1024xf32>
    %get3A_58 = arith.index_cast %mul3A_9 : i32 to index
    %get3A_59 = arith.constant 1 : index
    %get3A_60 = vector.load %arg13[%get3A_58, %get3A_59] : memref<4096x2xf32, #tpu.memory_space<vmem>>, vector<1024x1xf32>
    %get3A_61 = arith.constant 1 : index
    %get3A_62 = arith.index_cast %mul3A_11 : i32 to index
    %get3A_63 = vector.load %arg12[%get3A_61, %get3A_62] : memref<2x4096xf32, #tpu.memory_space<vmem>>, vector<1x1024xf32>
    %add3A_64 = vector.broadcast %get3A_60 : vector<1024x1xf32> to vector<1024x1024xf32>
    %add3A_65 = vector.broadcast %get3A_63 : vector<1x1024xf32> to vector<1024x1024xf32>
    %add3A_66 = arith.addf %add3A_64, %add3A_65 : vector<1024x1024xf32>
    %mul3A_67 = arith.constant 2.000000e+00 : f32
    %mul3A_68 = vector.broadcast %mul3A_67 : f32 to vector<1024x1024xf32>
    %mul3A_69 = arith.mulf %mul3A_68, %dot_general3A_57 : vector<1024x1024xf32>
    %sub3A_70 = arith.subf %add3A_66, %mul3A_69 : vector<1024x1024xf32>
    %max3A_71 = arith.constant 0.000000e+00 : f32
    %max3A_72 = vector.broadcast %max3A_71 : f32 to vector<1024x1024xf32>
    %max3A_73 = arith.maximumf %sub3A_70, %max3A_72 : vector<1024x1024xf32>
    %add3A_74 = arith.addf %max3A_49, %max3A_73 : vector<1024x1024xf32>
    %mul3A_75 = arith.mulf %max3A_49, %max3A_73 : vector<1024x1024xf32>
    %sqrt3A = math.sqrt %mul3A_75 : vector<1024x1024xf32>
    %mul3A_76 = arith.constant 2.000000e+00 : f32
    %mul3A_77 = vector.broadcast %mul3A_76 : f32 to vector<1024x1024xf32>
    %mul3A_78 = arith.mulf %mul3A_77, %sqrt3A : vector<1024x1024xf32>
    %sub3A_79 = arith.subf %add3A_74, %mul3A_78 : vector<1024x1024xf32>
    %ne3A = arith.cmpi ne, %get3A_2, %get3A_0 : i32
    %iota3A = tpu.iota {dimensions = array<i32: 1>} : vector<1024x1024xi32>
    %add3A_80 = vector.broadcast %mul3A_11 : i32 to vector<1024x1024xi32>
    %add3A_81 = arith.addi %add3A_80, %iota3A : vector<1024x1024xi32>
    %iota3A_82 = tpu.iota {dimensions = array<i32: 0>} : vector<1024x1024xi32>
    %add3A_83 = vector.broadcast %mul3A_9 : i32 to vector<1024x1024xi32>
    %add3A_84 = arith.addi %add3A_83, %iota3A_82 : vector<1024x1024xi32>
    %ge3A = vector.broadcast %get3A_6 : f32 to vector<1024x1024xf32>
    %ge3A_85 = arith.cmpf oge, %div3A_27, %ge3A : vector<1024x1024xf32>
    %le3A = vector.broadcast %get3A_8 : f32 to vector<1024x1024xf32>
    %le3A_86 = arith.cmpf ole, %div3A_27, %le3A : vector<1024x1024xf32>
    %and3A = arith.andi %ge3A_85, %le3A_86 : vector<1024x1024xi1>
    %ne3A_87 = arith.cmpi ne, %add3A_81, %add3A_84 : vector<1024x1024xi32>
    %or3A = vector.broadcast %ne3A : i1 to vector<1024x1024xi1>
    %or3A_88 = arith.ori %ne3A_87, %or3A : vector<1024x1024xi1>
    %and3A_89 = arith.andi %and3A, %or3A_88 : vector<1024x1024xi1>
    %jit3A = arith.constant 2.000000e+00 : f32
    %jit3A_90 = arith.constant 1.000000e+00 : f32
    %select_n3A = arith.select %ne3A, %jit3A, %jit3A_90 : f32
    %get3A_91 = arith.constant 0 : index
    %get3A_92 = arith.constant 0 : index
    %get3A_93 = vector.load %arg14[%get3A_91, %get3A_92] : memref<16x1024xf32, #tpu.memory_space<vmem>>, vector<8x1024xf32>
    %jit3A_94 = arith.constant 0.000000e+00 : f32
    %broadcast_in_dim3A = vector.broadcast %jit3A_94 : f32 to vector<1024x1024xf32>
    %select_n3A_95 = arith.select %and3A_89, %div3A_27, %broadcast_in_dim3A : vector<1024x1024xi1>, vector<1024x1024xf32>
    %reshape3A = vector.shape_cast %select_n3A_95 : vector<1024x1024xf32> to vector<128x8x1024xf32>
    %reduce_sum3A = arith.constant dense<0.000000e+00> : vector<8x1024xf32>
    %reduce_sum3A_96 = vector.multi_reduction <add>, %reshape3A, %reduce_sum3A [0] : vector<128x8x1024xf32> to vector<8x1024xf32>
    %mul3A_97 = vector.broadcast %select_n3A : f32 to vector<8x1024xf32>
    %mul3A_98 = arith.mulf %mul3A_97, %reduce_sum3A_96 : vector<8x1024xf32>
    %add3A_99 = arith.addf %get3A_93, %mul3A_98 : vector<8x1024xf32>
    %swap3A = arith.constant 0 : index
    %swap3A_100 = arith.constant 0 : index
    %swap3A_101 = vector.load %arg14[%swap3A, %swap3A_100] : memref<16x1024xf32, #tpu.memory_space<vmem>>, vector<8x1024xf32>
    tpu.vector_store %arg14[%swap3A, %swap3A_100], %add3A_99 {strides = array<i32>} : memref<16x1024xf32, #tpu.memory_space<vmem>>, vector<8x1024xf32>,
    %get3A_102 = arith.constant 8 : index
    %get3A_103 = arith.constant 0 : index
    %get3A_104 = vector.load %arg14[%get3A_102, %get3A_103] : memref<16x1024xf32, #tpu.memory_space<vmem>>, vector<8x1024xf32>
    %jit3A_105 = arith.constant 0.000000e+00 : f32
    %broadcast_in_dim3A_106 = vector.broadcast %jit3A_105 : f32 to vector<1024x1024xf32>
    %select_n3A_107 = arith.select %and3A_89, %sub3A_79, %broadcast_in_dim3A_106 : vector<1024x1024xi1>, vector<1024x1024xf32>
    %reshape3A_108 = vector.shape_cast %select_n3A_107 : vector<1024x1024xf32> to vector<128x8x1024xf32>
    %reduce_sum3A_109 = arith.constant dense<0.000000e+00> : vector<8x1024xf32>
    %reduce_sum3A_110 = vector.multi_reduction <add>, %reshape3A_108, %reduce_sum3A_109 [0] : vector<128x8x1024xf32> to vector<8x1024xf32>
    %mul3A_111 = vector.broadcast %select_n3A : f32 to vector<8x1024xf32>
    %mul3A_112 = arith.mulf %mul3A_111, %reduce_sum3A_110 : vector<8x1024xf32>
    %add3A_113 = arith.addf %get3A_104, %mul3A_112 : vector<8x1024xf32>
    %swap3A_114 = arith.constant 8 : index
    %swap3A_115 = arith.constant 0 : index
    %swap3A_116 = vector.load %arg14[%swap3A_114, %swap3A_115] : memref<16x1024xf32, #tpu.memory_space<vmem>>, vector<8x1024xf32>
    tpu.vector_store %arg14[%swap3A_114, %swap3A_115], %add3A_113 {strides = array<i32>} : memref<16x1024xf32, #tpu.memory_space<vmem>>, vector<8x1024xf32>,
    %eq3A_117 = arith.constant 9 : i32
    %eq3A_118 = arith.cmpi eq, %arg0, %eq3A_117 : i32
    %convert_element_type3A_119 = arith.extui %eq3A_118 : i1 to i32
    %cond3A_120 = arith.constant 0 : i32
    %cond3A_121 = arith.cmpi ne, %convert_element_type3A_119, %cond3A_120 : i32
    scf.if %cond3A_121 {
      %get3A_122 = arith.constant 8 : index
      %get3A_123 = arith.constant 0 : index
      %get3A_124 = vector.load %arg14[%get3A_122, %get3A_123] : memref<16x1024xf32, #tpu.memory_space<vmem>>, vector<8x1024xf32>
      %reduce_sum3A_125 = vector.shape_cast %get3A_124 : vector<8x1024xf32> to vector<1x8x1024xf32>
      %reduce_sum3A_126 = arith.constant dense<0.000000e+00> : vector<1xf32>
      %reduce_sum3A_127 = vector.multi_reduction <add>, %reduce_sum3A_125, %reduce_sum3A_126 [1, 2] : vector<1x8x1024xf32> to vector<1xf32>
      %reduce_sum3A_128 = vector.shape_cast %reduce_sum3A_127 : vector<1xf32> to vector<1x1x1xf32>
      %reduce_sum3A_129 = vector.extract %reduce_sum3A_128[0, 0, 0] : f32 from vector<1x1x1xf32>
      %get3A_130 = arith.constant 0 : index
      %get3A_131 = arith.constant 0 : index
      %get3A_132 = vector.load %arg14[%get3A_130, %get3A_131] : memref<16x1024xf32, #tpu.memory_space<vmem>>, vector<8x1024xf32>
      %reduce_sum3A_133 = vector.shape_cast %get3A_132 : vector<8x1024xf32> to vector<1x8x1024xf32>
      %reduce_sum3A_134 = arith.constant dense<0.000000e+00> : vector<1xf32>
      %reduce_sum3A_135 = vector.multi_reduction <add>, %reduce_sum3A_133, %reduce_sum3A_134 [1, 2] : vector<1x8x1024xf32> to vector<1xf32>
      %reduce_sum3A_136 = vector.shape_cast %reduce_sum3A_135 : vector<1xf32> to vector<1x1x1xf32>
      %reduce_sum3A_137 = vector.extract %reduce_sum3A_136[0, 0, 0] : f32 from vector<1x1x1xf32>
      %div3A_138 = arith.divf %reduce_sum3A_129, %reduce_sum3A_137 : f32
      %sqrt3A_139 = math.sqrt %div3A_138 : f32
      %sub3A_140 = arith.constant 1.000000e+00 : f32
      %sub3A_141 = arith.subf %sub3A_140, %sqrt3A_139 : f32
      %abs3A = math.absf %sub3A_141 : f32
      %broadcast_in_dim3A_142 = vector.broadcast %abs3A : f32 to vector<1x1xf32>
      %swap3A_143 = arith.constant 0 : index
      %swap3A_144 = arith.constant 0 : index
      %swap3A_145 = vector.load %arg10[%swap3A_143, %swap3A_144] : memref<1x1xf32, #tpu.memory_space<vmem>>, vector<1x1xf32>
      tpu.vector_store %arg10[%swap3A_143, %swap3A_144], %broadcast_in_dim3A_142 {strides = array<i32>} : memref<1x1xf32, #tpu.memory_space<vmem>>, vector<1x1xf32>,
    } else {
    }
    return
  }
  func.func @transform_0(%arg0: i32, %arg1: memref<10xi32, #tpu.memory_space<smem>>, %arg2: memref<10xi32, #tpu.memory_space<smem>>, %arg3: memref<64xf32, #tpu.memory_space<smem>>) -> (i32, i32) {
    %c0_i32 = arith.constant 0 : i32
    %c0_i32_0 = arith.constant 0 : i32
    %c0_i32_1 = arith.constant 0 : i32
    return %c0_i32, %c0_i32_0 : i32, i32
  }
  func.func @transform_1(%arg0: i32, %arg1: memref<10xi32, #tpu.memory_space<smem>>, %arg2: memref<10xi32, #tpu.memory_space<smem>>, %arg3: memref<64xf32, #tpu.memory_space<smem>>) -> (i32, i32) {
    %c0_i32 = arith.constant 0 : i32
    %c0_i32_0 = arith.constant 0 : i32
    %c0_i32_1 = arith.constant 0 : i32
    return %c0_i32, %c0_i32_0 : i32, i32
  }
  func.func @transform_2(%arg0: i32, %arg1: memref<10xi32, #tpu.memory_space<smem>>, %arg2: memref<10xi32, #tpu.memory_space<smem>>, %arg3: memref<64xf32, #tpu.memory_space<smem>>) -> (i32, i32) {
    %c0_i32 = arith.constant 0 : i32
    %c0_i32_0 = arith.constant 0 : i32
    %c0_i32_1 = arith.constant 0 : i32
    return %c0_i32, %c0_i32_0 : i32, i32
  }
  func.func @transform_3(%arg0: i32, %arg1: memref<10xi32, #tpu.memory_space<smem>>, %arg2: memref<10xi32, #tpu.memory_space<smem>>, %arg3: memref<64xf32, #tpu.memory_space<smem>>) -> (i32, i32) {
    %c0_i32 = arith.constant 0 : i32
    %c0_i32_0 = arith.constant 0 : i32
    %c0_i32_1 = arith.constant 0 : i32
    return %c0_i32, %c0_i32_0 : i32, i32
  }
  func.func @transform_4(%arg0: i32, %arg1: memref<10xi32, #tpu.memory_space<smem>>, %arg2: memref<10xi32, #tpu.memory_space<smem>>, %arg3: memref<64xf32, #tpu.memory_space<smem>>) -> (i32, i32) {
    %c0_i32 = arith.constant 0 : i32
    %c0_i32_0 = arith.constant 0 : i32
    %c0_i32_1 = arith.constant 0 : i32
    return %c0_i32, %c0_i32_0 : i32, i32
  }
  func.func @transform_5(%arg0: i32, %arg1: memref<10xi32, #tpu.memory_space<smem>>, %arg2: memref<10xi32, #tpu.memory_space<smem>>, %arg3: memref<64xf32, #tpu.memory_space<smem>>) -> (i32, i32) {
    %c0_i32 = arith.constant 0 : i32
    %c0_i32_0 = arith.constant 0 : i32
    %c0_i32_1 = arith.constant 0 : i32
    return %c0_i32, %c0_i32_0 : i32, i32
  }
  func.func @transform_6(%arg0: i32, %arg1: memref<10xi32, #tpu.memory_space<smem>>, %arg2: memref<10xi32, #tpu.memory_space<smem>>, %arg3: memref<64xf32, #tpu.memory_space<smem>>) -> (i32, i32) {
    %c0_i32 = arith.constant 0 : i32
    %c0_i32_0 = arith.constant 0 : i32
    %c0_i32_1 = arith.constant 0 : i32
    return %c0_i32, %c0_i32_0 : i32, i32
  }
}

</mosaic_0001>

<sc_bundles>
// kernel: kernel.4.cloned.1.call-start
scs
__scs_entry_jumppad:
0x0: {  	(pc) =	sbr.rel $0x88, $3  }
0x1: {  	(tag) =	ssettag $0x0;
	lr =	simm.s32 $0x1  }
0x2: {  	[smem:$0x3F9E] =	sst lr;
	_ =	strace $0xD0000000  }
0x3: {  	_ = 	snop  }
0x4: {  	_ = 	snop  }
0x5: {  	_ = 	snop  }
0x6: {  	_ = 	snop  }
0x7: {  	_ = 	snop  }
__scs_overlays_trampoline_lowered:
0x8: {  	[smem:$0x3FAD] =	sst s0  }
0x9: {  	[smem:$0x3FAE] =	sst s1  }
0xa: {  	[smem:$0x3FAF] =	sst s2  }
0xb: {  	[smem:$0x3FB0] =	sst s3  }
0xc: {  	[smem:$0x3FB1] =	sst s4  }
0xd: {  	[smem:$0x3FB2] =	sst s5  }
0xe: {  	[smem:$0x3FB3] =	sst s6  }
0xf: {  	[smem:$0x3FB4] =	sst s7  }
0x10: {  	[smem:$0x3FB5] =	sst s8  }
0x11: {  	[smem:$0x3FB6] =	sst s9;
	s0 =	simm.s32 @!p0 $0x0  }
0x12: {  	s1 =	sld [smem:$0x3F9C];
	s0 =	simm.s32 @p0 $0x1  }
0x13: {  	[smem:$0x3FB7] =	sst s0;
	s0 =	simm.s32 @!p1 $0x0  }
0x14: {  	s2 =	sld [smem:$0x3F9B];
	s0 =	simm.s32 @p1 $0x1  }
0x15: {  	[smem:$0x3FB8] =	sst s0;
	s0 =	simm.s32 @!p2 $0x0  }
0x16: {  	s3 =	sld [smem:$0x3FDB];
	s0 =	simm.s32 @p2 $0x1  }
0x17: {  	s4 =	simm.s32 $0x1BF5;
	[smem:$0x3FBA] =	sst s0  }
0x18: {  	s0 =	sld [smem:$0x3F9D];
	_ =	swait.ge [sflag:s4], $0x0  }
0x19: {  	s7 =	sld [smem:$0x3F9E]  }
0x1a: {  	s8 =	sadd.s32 $0xFFFFE003, lr  }
0x1b: {  	s9 =	sadd.s32 $0xFFFFFEF7, lr;
	s5 =	simm.s32 $0xFFFFFFFF;
	p2 =	slt.u32 s8, $0xFFFFF086  }
0x1c: {  	p1 =	slt.u32 s9, $0xF7A;
	s5 =	simm.s32 @!p2 $0x0  }
0x1d: {  	s5 =	simm.s32 @p1 $0x1;
	p0 =	seq.s32 s7, s2  }
0x1e: {  	s7 =	smul.u32 @!p0 $0xF7A, s2;
	p2 =	seq.s32 @!p0 s5, $0x0  }
0x1f: {  	s9 =	smul.u32 $0xF7A, s1;
	s8 =	simm.s32 @!p0 $0x1BF5;
	p2 =	por !p2, p0  }
0x20: {  	[sflag:s8] =	ssyncset.s32 @!p0 $0xFFFFF086;
	s6 =	sadd.s32 @!p0 s3, s7;
	s7 =	simm.s32 @!p0 $0x108  }
0x21: {  	s3 =	sadd.s32 s3, s9;
	s6 =	sadd.s32 @!p0 $0x88, s6;
	s7 =	simm.s32 @p2 $0x1082  }
0x22: {  	[simem:s7], [sflag:s8] =	dma.local @!p0 [hbm:s6], $0xF7A  }
0x23: {  	s9 =	sor.u32 $0xD0000000, s2;
	s6 =	simm.s32 $0x108;
	_ =	swait.ge @!p0 [sflag:s8], $0x0  }
0x24: {  	s3 =	sadd.s32 $0x88, s3;
	s6 =	simm.s32 @!p1 $0x1082;
	[sflag:s4] =	ssyncset.s32 $0xFFFFF086  }
0x25: {  	[simem:s6], [sflag:s4] =	dma.local [hbm:s3], $0xF7A  }
0x26: {  	[smem:$0x3F9E] =	sst s1;
	(tag) =	ssettag s2;
	_ =	strace s9  }
0x27: {  	s1 =	sld [smem:$0x3FAE]  }
0x28: {  	s2 =	sld [smem:$0x3FAF]  }
0x29: {  	s4 =	sld [smem:$0x3FB1]  }
0x2a: {  	p0 =	seq.s32 s5, $0x0;
	s5 =	sld [smem:$0x3FB2]  }
0x2b: {  	s6 =	sld [smem:$0x3FB3]  }
0x2c: {  	s7 =	sld [smem:$0x3FB4]  }
0x2d: {  	s3 =	simm.s32 $0x108;
	s8 =	sld [smem:$0x3FB5]  }
0x2e: {  	s3 =	simm.s32 @!p0 $0x1082;
	s9 =	sld [smem:$0x3FB6]  }
0x2f: {  	lr =	sadd.s32 s0, s3;
	s0 =	sld [smem:$0x3FAD]  }
0x30: {  	s3 =	sld [smem:$0x3FB0]  }
0x31: {  	[smem:$0x3FB9] =	sst s10  }
0x32: {  	s10 =	sld [smem:$0x3FB7];
	_ =	sdelay $0x3  }
0x33: {  	p0 =	seq.s32 s10, $0x1;
	s10 =	sld [smem:$0x3FB9];
	_ =	sdelay $0x3  }
0x34: {  	[smem:$0x3FB9] =	sst s10  }
0x35: {  	s10 =	sld [smem:$0x3FB8];
	_ =	sdelay $0x3  }
0x36: {  	p1 =	seq.s32 s10, $0x1;
	s10 =	sld [smem:$0x3FB9];
	_ =	sdelay $0x3  }
0x37: {  	[smem:$0x3FB9] =	sst s10  }
0x38: {  	s10 =	sld [smem:$0x3FBA]  }
0x39: {  	_ = 	snop;
	(pc) =	sbr.ind lr, $3  }
0x3a: {  	_ = 	snop  }
0x3b: {  	_ = 	snop  }
0x3c: {  	p2 =	seq.s32 s10, $0x1;
	s10 =	sld [smem:$0x3FB9]  }
0x3d: {  	_ =	shalt  }
0x3e: {  	_ =	shalt  }
0x3f: {  	_ =	shalt  }
0x40: {  	_ =	shalt  }
0x41: {  	_ =	shalt  }
0x42: {  	_ =	shalt  }
0x43: {  	_ =	shalt  }
0x44: {  	_ =	shalt  }
0x45: {  	_ =	shalt  }
0x46: {  	_ =	shalt  }
0x47: {  	_ =	shalt  }
0x48: {  	_ =	shalt  }
0x49: {  	_ =	shalt  }
0x4a: {  	_ =	shalt  }
0x4b: {  	_ =	shalt  }
0x4c: {  	_ =	shalt  }
0x4d: {  	_ =	shalt  }
0x4e: {  	_ =	shalt  }
0x4f: {  	_ =	shalt  }
0x50: {  	_ =	shalt  }
0x51: {  	_ =	shalt  }
0x52: {  	_ =	shalt  }
0x53: {  	_ =	shalt  }
0x54: {  	_ =	shalt  }
0x55: {  	_ =	shalt  }
0x56: {  	_ =	shalt  }
0x57: {  	_ =	shalt  }
0x58: {  	_ =	shalt  }
0x59: {  	_ =	shalt  }
0x5a: {  	_ =	shalt  }
0x5b: {  	_ =	shalt  }
0x5c: {  	_ =	shalt  }
0x5d: {  	_ =	shalt  }
0x5e: {  	_ =	shalt  }
0x5f: {  	_ =	shalt  }
0x60: {  	_ =	shalt  }
0x61: {  	_ =	shalt  }
0x62: {  	_ =	shalt  }
0x63: {  	_ =	shalt  }
0x64: {  	_ =	shalt  }
0x65: {  	_ =	shalt  }
0x66: {  	_ =	shalt  }
0x67: {  	_ =	shalt  }
0x68: {  	_ =	shalt  }
0x69: {  	_ =	shalt  }
0x6a: {  	_ =	shalt  }
0x6b: {  	_ =	shalt  }
0x6c: {  	_ =	shalt  }
0x6d: {  	_ =	shalt  }
0x6e: {  	_ =	shalt  }
0x6f: {  	_ =	shalt  }
0x70: {  	_ =	shalt  }
0x71: {  	_ =	shalt  }
0x72: {  	_ =	shalt  }
0x73: {  	_ =	shalt  }
0x74: {  	_ =	shalt  }
0x75: {  	_ =	shalt  }
0x76: {  	_ =	shalt  }
0x77: {  	_ =	shalt  }
0x78: {  	_ =	shalt  }
0x79: {  	_ =	shalt  }
0x7a: {  	_ =	shalt  }
0x7b: {  	_ =	shalt  }
0x7c: {  	_ =	shalt  }
0x7d: {  	_ =	shalt  }
0x7e: {  	_ =	shalt  }
0x7f: {  	_ =	shalt  }
0x80: {  	_ =	shalt  }
0x81: {  	_ =	shalt  }
0x82: {  	_ =	shalt  }
0x83: {  	_ =	shalt  }
0x84: {  	_ =	shalt  }
0x85: {  	_ =	shalt  }
0x86: {  	_ =	shalt  }
0x87: {  	_ =	shalt  }
.Lfunc_end0:
.L_simem_size_0:
called_computation_lowered:
.L_overlay_start_0:
0x88: {  	s2 =	sld [smem:$0x3FD9]  }
0x89: {  	s3 =	sld [smem:$0x3FFE];
	_ =	sdelay $0x1  }
0x8a: {  	s1 =	srdreg.scid  }
0x8b: {  	s0 =	sand.u32 $0x1, s1  }
0x8c: {  	s18 =	sshll.u32 s0, $0xA;
	s2 =	sadd.s32 s3, s2  }
0x8d: {  	s2 =	sadd.s32 s2, s18  }
0x8e: {  	[smem:$0x3FC5] =	sst s2  }
0x8f: {  	_ = 	snop  }
0x90: {  	s2 =	sld [smem:$0x3FC9]  }
0x91: {  	s19 =	sld [smem:$0x3FD0];
	(tm) =	ssettm $0x1  }
0x92: {  	s4 =	sld [smem:$0x3FFB];
	_ =	sdelay $0x3  }
0x93: {  	_ =	strace s4  }
0x94: {  	s4 =	sld [smem:$0x3FFC];
	_ =	sdelay $0x3  }
0x95: {  	_ =	strace s4  }
0x96: {  	s4 =	sld [smem:$0x3FFD];
	_ =	sdelay $0x3  }
0x97: {  	_ =	strace s4  }
0x98: {  	_ =	strace $0x8FFFFFFF  }
0x99: {  	s20 =	sld [smem:$0x3FDB];
	_ =	sdelay $0x1  }
0x9a: {  	s5 =	simm.s32 $_scs_section_size  }
0x9b: {  	s6 =	simm.s32 $_size__tile_overlayer_lowered;
	s7 =	simm.s32 $_tile_overlayer_lowered  }
0x9c: {  	s23 =	simm.s32 $0x1BFF;
	s22 =	sshll.u32 s7, $0x1;
	s4 =	sadd.s32 s5, s20  }
0x9d: {  	s8 =	simm.s32 $0x0;
	s21 =	sshll.u32 s6, $0x1;
	s6 =	sadd.s32 s22, s4  }
0x9e: {  	[timem:s8], [sflag:s23] =	dma.local [hbm:s6], s21  }
0x9f: {  	_ =	swait.ge [sflag:s23], s21  }
0xa0: {  	s5 =	ssub.s32 $0x0, s21;
	[sflag:s23] =	ssyncset.done $0x0  }
0xa1: {  	[sflag:s23] =	ssyncadd.s32 s5;
	_ =	sdelay $0x1  }
0xa2: {  	s24 =	simm.s32 $0x1B8B  }
0xa3: {  	_ =	swait.ge [sflag:s24], $0x1  }
0xa4: {  	[sflag:s24] =	ssyncset.done $0x0  }
0xa5: {  	s25 =	simm.s32 $0x1B8E;
	[sflag:s24] =	ssyncadd.s32 $0xFFFFFFFF  }
0xa6: {  	s26 =	simm.s32 $execute0_lowered;
	[smem:$0x3FD2] =	sst s25  }
0xa7: {  	s5 =	sshll.u32 s26, $0x1;
	_ =	strace $0x80000046;
	[dreg:$0x1] =	wrdreg $0xFFFFFFFF  }
0xa8: {  	s28 =	simm.s32 $_size_execute0_lowered;
	s4 =	sadd.s32 s4, s5;
	[dreg:$0x0] =	wrdreg $0x0  }
0xa9: {  	s5 =	sshll.u32 s28, $0x1;
	[dreg:$0x2] =	wrdreg s4  }
0xaa: {  	[dreg:$0x3] =	wrdreg s5  }
0xab: {  	[dreg:$0x4] =	wrdreg $0xC0  }
0xac: {  	_ =	task [dreg:s8], $0x5FFFF  }
0xad: {  	[dreg:$0x1] =	wrdreg $0xFFFFFFFF  }
0xae: {  	[dreg:$0x0] =	wrdreg $0x60  }
0xaf: {  	[dreg:$0x2] =	wrdreg s2  }
0xb0: {  	[dreg:$0x3] =	wrdreg s19  }
0xb1: {  	[dreg:$0x4] =	wrdreg $0x9  }
0xb2: {  	_ =	task.clear_ibuf [dreg:s8], $0x5FFFF;
	_ =	strace $0x90000046  }
0xb3: {  	s29 =	simm.s32 $0x9;
	_ =	strace $0x80000048  }
0xb4: {  	_ =	swait.ge [sflag:s29], $0x1  }
0xb5: {  	[sflag:s29] =	ssyncadd.s32 $0xFFFFFFFF  }
0xb6: {  	_ =	strace $0x90000048  }
0xb7: {  	_ =	sfence  }
0xb8: {  	s30 =	sld [smem:$0x0];
	_ =	sdelay $0x2  }
0xb9: {  	s31 =	sshll.u32 s1, $0xD;
	s1 =	sshrl.u32 s1, $0x2  }
0xba: {  	s3 =	sand.u32 $0x4000, s31;
	s1 =	sadd.s32 s1, s30  }
0xbb: {  	s0 =	sor.u32 s3, s0;
	s1 =	sshll.u32 s1, $0x11  }
0xbc: {  	s0 =	sor.u32 s1, s0  }
0xbd: {  	s0 =	sadd.s32 $0x8F2B, s0  }
0xbe: {  	[sflag:s0] =	ssyncadd.remote.s32 $0x1  }
0xbf: {  	_ =	sfence.sel $0xFFFF  }
0xc0: {  	[dreg:$0x0] =	wrdreg $0xFFFFFFFF;
	(pc) =	sbr.abs _section_cstart, $3  }
0xc1: {  	[dreg:$0x1] =	wrdreg $0xFFFFFFFF  }
0xc2: {  	_ =	task.clear_ibuf [dreg:s8], $0x2FFFF;
	_ =	strace $0x9FFFFFFF  }
0xc3: {  	(tm) =	ssettm $0x7FFFFFFF  }
tec
execute0_lowered:
.L_overlay_start_1:
0x0: {  	(tag) =	ssettag $0x1  }
0x1: {  	s0 =	srdreg.scid  }
0x2: {  	s4 =	sand.u32 $0x1, s0;
	s0 =	stileid.u32  }
0x3: {  	s5 =	sor.u32 s0, s4  }
0x4: {  	p0 =	sne.s32 s5, $0x0  }
.Ltmp0:
0x5: {  	_ = 	snop;
	(pc) =	sbr.rel @p0 .LBB2_3-.Ltmp0, $4  }
0x6: {  	_ = 	snop  }
0x7: {  	s2 =	rddreg [dreg:$0x0]  }
0x8: {  	s3 =	rddreg [dreg:$0x1]  }
0x9: {  	s1 =	rddreg [dreg:$0x2];
	_ =	strace $0x80000047  }
0xa: {  	s4 =	ssub.s32 $0x2, s4  }
0xb: {  	s6 =	simm.s32 $0x1;
	s5 =	sshrl.u32 s4, $0x1  }
0xc: {  	s7 =	simm.s32 $0x1000;
	s4 =	ssub.s32 s4, s5;
	s5 =	simm.s32 $0x0  }
.LBB2_2:
0xd: {  	[tilespmem:s5], [sflag:$0x1] =	stream.linear.gather [hbm4b:s2+s5], $0x1000, $0x38;
	[tilespmem:$0x1080] =	vst v63  }
0xe: {  	_ =	swait.ge [sflag:s6], $0x1000  }
0xf: {  	[sflag:s6] =	ssyncset.done $0x0  }
0x10: {  	[sflag:s6] =	ssyncadd.s32 $0xFFFFF000  }
0x11: {  	v0 =	vld [tilespmem:$0x0]  }
0x12: {  	v1 =	vld [tilespmem:$0x10];
	_ =	sdelay $0x1  }
0x13: {  	v2 =	vld [tilespmem:$0x20]  }
0x14: {  	v3 =	vld [tilespmem:$0x30]  }
0x15: {  	v4 =	vmin.f32 v0, $-Inf  }
0x16: {  	v5 =	vmin.f32 v0, v1;
	v6 =	vmax.f32 v0, $+Inf;
	v0 =	vmax.f32 v0, v1  }
0x17: {  	v60 =	vld [tilespmem:$0x40];
	v4 =	vmax.f32 v4, v5;
	v6 =	vmin.f32 v6, v0  }
0x18: {  	v7 =	vmin.f32 v0, v2;
	v0 =	vmax.f32 v0, v2;
	v61 =	vmax.f32 v5, v2  }
0x19: {  	v9 =	vld [tilespmem:$0x50];
	v2 =	vmin.f32 v5, v2;
	v4 =	vmax.f32 v4, v7;
	v8 =	vmin.f32 v0, v3  }
0x1a: {  	v62 =	vld [tilespmem:$0x60];
	v6 =	vmin.f32 v6, v61;
	v0 =	vmax.f32 v0, v3;
	v63 =	vmax.f32 v2, v3  }
0x1b: {  	v2 =	vmin.f32 v2, v3;
	v4 =	vmax.f32 v4, v8;
	v10 =	vmin.f32 v6, v63  }
0x1c: {  	v11 =	vmin.f32 v0, v60;
	v12 =	vmax.f32 v2, v60;
	v0 =	vmax.f32 v0, v60  }
0x1d: {  	v13 =	vld [tilespmem:$0x70];
	v1 =	vmin.f32 v2, v60;
	v4 =	vmax.f32 v4, v11;
	v3 =	vmin.f32 v10, v12  }
0x1e: {  	v14 =	vmin.f32 v0, v9;
	v0 =	vmax.f32 v0, v9;
	v15 =	vmax.f32 v1, v9  }
0x1f: {  	v17 =	vld [tilespmem:$0x80];
	v1 =	vmin.f32 v1, v9;
	v2 =	vmax.f32 v4, v14;
	v16 =	vmin.f32 v0, v62  }
0x20: {  	v18 =	vld [tilespmem:$0x90];
	v3 =	vmin.f32 v3, v15;
	v0 =	vmax.f32 v0, v62;
	v19 =	vmax.f32 v1, v62  }
0x21: {  	v1 =	vmin.f32 v1, v62;
	v2 =	vmax.f32 v2, v16;
	v3 =	vmin.f32 v3, v19  }
0x22: {  	v20 =	vmin.f32 v0, v13;
	v21 =	vmax.f32 v1, v13;
	v0 =	vmax.f32 v0, v13  }
0x23: {  	v22 =	vld [tilespmem:$0xA0];
	v1 =	vmin.f32 v1, v13;
	v2 =	vmax.f32 v2, v20;
	v3 =	vmin.f32 v3, v21  }
0x24: {  	v23 =	vmin.f32 v0, v17;
	v0 =	vmax.f32 v0, v17;
	v24 =	vmax.f32 v1, v17  }
0x25: {  	v26 =	vld [tilespmem:$0xB0];
	v1 =	vmin.f32 v1, v17;
	v2 =	vmax.f32 v2, v23;
	v25 =	vmin.f32 v0, v18  }
0x26: {  	v27 =	vld [tilespmem:$0xC0];
	v3 =	vmin.f32 v3, v24;
	v0 =	vmax.f32 v0, v18;
	v28 =	vmax.f32 v1, v18  }
0x27: {  	v1 =	vmin.f32 v1, v18;
	v2 =	vmax.f32 v2, v25;
	v3 =	vmin.f32 v3, v28  }
0x28: {  	v29 =	vmin.f32 v0, v22;
	v30 =	vmax.f32 v1, v22;
	v0 =	vmax.f32 v0, v22  }
0x29: {  	v31 =	vld [tilespmem:$0xD0];
	v1 =	vmin.f32 v1, v22;
	v2 =	vmax.f32 v2, v29;
	v3 =	vmin.f32 v3, v30  }
0x2a: {  	v32 =	vmin.f32 v0, v26;
	v0 =	vmax.f32 v0, v26;
	v33 =	vmax.f32 v1, v26  }
0x2b: {  	v35 =	vld [tilespmem:$0xE0];
	v1 =	vmin.f32 v1, v26;
	v2 =	vmax.f32 v2, v32;
	v34 =	vmin.f32 v0, v27  }
0x2c: {  	v36 =	vld [tilespmem:$0xF0];
	v3 =	vmin.f32 v3, v33;
	v0 =	vmax.f32 v0, v27;
	v37 =	vmax.f32 v1, v27  }
0x2d: {  	v1 =	vmin.f32 v1, v27;
	v2 =	vmax.f32 v2, v34;
	v3 =	vmin.f32 v3, v37  }
0x2e: {  	v38 =	vmin.f32 v0, v31;
	v39 =	vmax.f32 v1, v31;
	v0 =	vmax.f32 v0, v31  }
0x2f: {  	v40 =	vld [tilespmem:$0x100];
	v1 =	vmin.f32 v1, v31;
	v2 =	vmax.f32 v2, v38;
	v3 =	vmin.f32 v3, v39  }
0x30: {  	v41 =	vmin.f32 v0, v35;
	v0 =	vmax.f32 v0, v35;
	v42 =	vmax.f32 v1, v35  }
0x31: {  	v44 =	vld [tilespmem:$0x110];
	v1 =	vmin.f32 v1, v35;
	v2 =	vmax.f32 v2, v41;
	v43 =	vmin.f32 v0, v36  }
0x32: {  	v45 =	vld [tilespmem:$0x120];
	v3 =	vmin.f32 v3, v42;
	v0 =	vmax.f32 v0, v36;
	v46 =	vmax.f32 v1, v36  }
0x33: {  	v1 =	vmin.f32 v1, v36;
	v2 =	vmax.f32 v2, v43;
	v3 =	vmin.f32 v3, v46  }
0x34: {  	v47 =	vmin.f32 v0, v40;
	v48 =	vmax.f32 v1, v40;
	v0 =	vmax.f32 v0, v40  }
0x35: {  	v49 =	vld [tilespmem:$0x130];
	v1 =	vmin.f32 v1, v40;
	v2 =	vmax.f32 v2, v47;
	v3 =	vmin.f32 v3, v48  }
0x36: {  	v50 =	vmin.f32 v0, v44;
	v0 =	vmax.f32 v0, v44;
	v51 =	vmax.f32 v1, v44  }
0x37: {  	v53 =	vld [tilespmem:$0x140];
	v1 =	vmin.f32 v1, v44;
	v2 =	vmax.f32 v2, v50;
	v52 =	vmin.f32 v0, v45  }
0x38: {  	v54 =	vld [tilespmem:$0x150];
	v3 =	vmin.f32 v3, v51;
	v0 =	vmax.f32 v0, v45;
	v55 =	vmax.f32 v1, v45  }
0x39: {  	v1 =	vmin.f32 v1, v45;
	v2 =	vmax.f32 v2, v52;
	v3 =	vmin.f32 v3, v55  }
0x3a: {  	v56 =	vmin.f32 v0, v49;
	v57 =	vmax.f32 v1, v49;
	v0 =	vmax.f32 v0, v49  }
0x3b: {  	v58 =	vld [tilespmem:$0x160];
	v1 =	vmin.f32 v1, v49;
	v2 =	vmax.f32 v2, v56;
	v3 =	vmin.f32 v3, v57  }
0x3c: {  	v59 =	vmin.f32 v0, v53;
	v0 =	vmax.f32 v0, v53;
	v60 =	vmax.f32 v1, v53  }
0x3d: {  	v62 =	vld [tilespmem:$0x170];
	v1 =	vmin.f32 v1, v53;
	v2 =	vmax.f32 v2, v59;
	v61 =	vmin.f32 v0, v54  }
0x3e: {  	v63 =	vld [tilespmem:$0x180];
	v3 =	vmin.f32 v3, v60;
	v0 =	vmax.f32 v0, v54;
	v10 =	vmax.f32 v1, v54  }
0x3f: {  	v1 =	vmin.f32 v1, v54;
	v2 =	vmax.f32 v2, v61;
	v3 =	vmin.f32 v3, v10  }
0x40: {  	v11 =	vmin.f32 v0, v58;
	v12 =	vmax.f32 v1, v58;
	v0 =	vmax.f32 v0, v58  }
0x41: {  	v13 =	vld [tilespmem:$0x190];
	v1 =	vmin.f32 v1, v58;
	v2 =	vmax.f32 v2, v11;
	v3 =	vmin.f32 v3, v12  }
0x42: {  	v14 =	vmin.f32 v0, v62;
	v0 =	vmax.f32 v0, v62;
	v15 =	vmax.f32 v1, v62  }
0x43: {  	v17 =	vld [tilespmem:$0x1A0];
	v1 =	vmin.f32 v1, v62;
	v2 =	vmax.f32 v2, v14;
	v16 =	vmin.f32 v0, v63  }
0x44: {  	v18 =	vld [tilespmem:$0x1B0];
	v3 =	vmin.f32 v3, v15;
	v0 =	vmax.f32 v0, v63;
	v19 =	vmax.f32 v1, v63  }
0x45: {  	v1 =	vmin.f32 v1, v63;
	v2 =	vmax.f32 v2, v16;
	v3 =	vmin.f32 v3, v19  }
0x46: {  	v20 =	vmin.f32 v0, v13;
	v21 =	vmax.f32 v1, v13;
	v0 =	vmax.f32 v0, v13  }
0x47: {  	v22 =	vld [tilespmem:$0x1C0];
	v1 =	vmin.f32 v1, v13;
	v2 =	vmax.f32 v2, v20;
	v3 =	vmin.f32 v3, v21  }
0x48: {  	v23 =	vmin.f32 v0, v17;
	v0 =	vmax.f32 v0, v17;
	v24 =	vmax.f32 v1, v17  }
0x49: {  	v26 =	vld [tilespmem:$0x1D0];
	v1 =	vmin.f32 v1, v17;
	v2 =	vmax.f32 v2, v23;
	v25 =	vmin.f32 v0, v18  }
0x4a: {  	v27 =	vld [tilespmem:$0x1E0];
	v3 =	vmin.f32 v3, v24;
	v0 =	vmax.f32 v0, v18;
	v28 =	vmax.f32 v1, v18  }
0x4b: {  	v1 =	vmin.f32 v1, v18;
	v2 =	vmax.f32 v2, v25;
	v3 =	vmin.f32 v3, v28  }
0x4c: {  	v29 =	vmin.f32 v0, v22;
	v30 =	vmax.f32 v1, v22;
	v0 =	vmax.f32 v0, v22  }
0x4d: {  	v31 =	vld [tilespmem:$0x1F0];
	v1 =	vmin.f32 v1, v22;
	v2 =	vmax.f32 v2, v29;
	v3 =	vmin.f32 v3, v30  }
0x4e: {  	v32 =	vmin.f32 v0, v26;
	v0 =	vmax.f32 v0, v26;
	v33 =	vmax.f32 v1, v26  }
0x4f: {  	v35 =	vld [tilespmem:$0x200];
	v1 =	vmin.f32 v1, v26;
	v2 =	vmax.f32 v2, v32;
	v34 =	vmin.f32 v0, v27  }
0x50: {  	v36 =	vld [tilespmem:$0x210];
	v3 =	vmin.f32 v3, v33;
	v0 =	vmax.f32 v0, v27;
	v37 =	vmax.f32 v1, v27  }
0x51: {  	v1 =	vmin.f32 v1, v27;
	v2 =	vmax.f32 v2, v34;
	v3 =	vmin.f32 v3, v37  }
0x52: {  	v38 =	vmin.f32 v0, v31;
	v39 =	vmax.f32 v1, v31;
	v0 =	vmax.f32 v0, v31  }
0x53: {  	v40 =	vld [tilespmem:$0x220];
	v1 =	vmin.f32 v1, v31;
	v2 =	vmax.f32 v2, v38;
	v3 =	vmin.f32 v3, v39  }
0x54: {  	v41 =	vmin.f32 v0, v35;
	v0 =	vmax.f32 v0, v35;
	v42 =	vmax.f32 v1, v35  }
0x55: {  	v44 =	vld [tilespmem:$0x230];
	v1 =	vmin.f32 v1, v35;
	v2 =	vmax.f32 v2, v41;
	v43 =	vmin.f32 v0, v36  }
0x56: {  	v45 =	vld [tilespmem:$0x240];
	v3 =	vmin.f32 v3, v42;
	v0 =	vmax.f32 v0, v36;
	v46 =	vmax.f32 v1, v36  }
0x57: {  	v1 =	vmin.f32 v1, v36;
	v2 =	vmax.f32 v2, v43;
	v3 =	vmin.f32 v3, v46  }
0x58: {  	v47 =	vmin.f32 v0, v40;
	v48 =	vmax.f32 v1, v40;
	v0 =	vmax.f32 v0, v40  }
0x59: {  	v49 =	vld [tilespmem:$0x250];
	v1 =	vmin.f32 v1, v40;
	v2 =	vmax.f32 v2, v47;
	v3 =	vmin.f32 v3, v48  }
0x5a: {  	v50 =	vmin.f32 v0, v44;
	v0 =	vmax.f32 v0, v44;
	v51 =	vmax.f32 v1, v44  }
0x5b: {  	v53 =	vld [tilespmem:$0x260];
	v1 =	vmin.f32 v1, v44;
	v2 =	vmax.f32 v2, v50;
	v52 =	vmin.f32 v0, v45  }
0x5c: {  	v54 =	vld [tilespmem:$0x270];
	v3 =	vmin.f32 v3, v51;
	v0 =	vmax.f32 v0, v45;
	v55 =	vmax.f32 v1, v45  }
0x5d: {  	v1 =	vmin.f32 v1, v45;
	v2 =	vmax.f32 v2, v52;
	v3 =	vmin.f32 v3, v55  }
0x5e: {  	v56 =	vmin.f32 v0, v49;
	v57 =	vmax.f32 v1, v49;
	v0 =	vmax.f32 v0, v49  }
0x5f: {  	v58 =	vld [tilespmem:$0x280];
	v1 =	vmin.f32 v1, v49;
	v2 =	vmax.f32 v2, v56;
	v3 =	vmin.f32 v3, v57  }
0x60: {  	v59 =	vmin.f32 v0, v53;
	v0 =	vmax.f32 v0, v53;
	v60 =	vmax.f32 v1, v53  }
0x61: {  	v62 =	vld [tilespmem:$0x290];
	v1 =	vmin.f32 v1, v53;
	v2 =	vmax.f32 v2, v59;
	v61 =	vmin.f32 v0, v54  }
0x62: {  	v63 =	vld [tilespmem:$0x2A0];
	v3 =	vmin.f32 v3, v60;
	v0 =	vmax.f32 v0, v54;
	v10 =	vmax.f32 v1, v54  }
0x63: {  	v1 =	vmin.f32 v1, v54;
	v2 =	vmax.f32 v2, v61;
	v3 =	vmin.f32 v3, v10  }
0x64: {  	v11 =	vmin.f32 v0, v58;
	v12 =	vmax.f32 v1, v58;
	v0 =	vmax.f32 v0, v58  }
0x65: {  	v13 =	vld [tilespmem:$0x2B0];
	v1 =	vmin.f32 v1, v58;
	v2 =	vmax.f32 v2, v11;
	v3 =	vmin.f32 v3, v12  }
0x66: {  	v14 =	vmin.f32 v0, v62;
	v0 =	vmax.f32 v0, v62;
	v15 =	vmax.f32 v1, v62  }
0x67: {  	v17 =	vld [tilespmem:$0x2C0];
	v1 =	vmin.f32 v1, v62;
	v2 =	vmax.f32 v2, v14;
	v16 =	vmin.f32 v0, v63  }
0x68: {  	v18 =	vld [tilespmem:$0x2D0];
	v3 =	vmin.f32 v3, v15;
	v0 =	vmax.f32 v0, v63;
	v19 =	vmax.f32 v1, v63  }
0x69: {  	v1 =	vmin.f32 v1, v63;
	v2 =	vmax.f32 v2, v16;
	v3 =	vmin.f32 v3, v19  }
0x6a: {  	v20 =	vmin.f32 v0, v13;
	v21 =	vmax.f32 v1, v13;
	v0 =	vmax.f32 v0, v13  }
0x6b: {  	v22 =	vld [tilespmem:$0x2E0];
	v1 =	vmin.f32 v1, v13;
	v2 =	vmax.f32 v2, v20;
	v3 =	vmin.f32 v3, v21  }
0x6c: {  	v23 =	vmin.f32 v0, v17;
	v0 =	vmax.f32 v0, v17;
	v24 =	vmax.f32 v1, v17  }
0x6d: {  	v26 =	vld [tilespmem:$0x2F0];
	v1 =	vmin.f32 v1, v17;
	v2 =	vmax.f32 v2, v23;
	v25 =	vmin.f32 v0, v18  }
0x6e: {  	v27 =	vld [tilespmem:$0x300];
	v3 =	vmin.f32 v3, v24;
	v0 =	vmax.f32 v0, v18;
	v28 =	vmax.f32 v1, v18  }
0x6f: {  	v1 =	vmin.f32 v1, v18;
	v2 =	vmax.f32 v2, v25;
	v3 =	vmin.f32 v3, v28  }
0x70: {  	v29 =	vmin.f32 v0, v22;
	v30 =	vmax.f32 v1, v22;
	v0 =	vmax.f32 v0, v22  }
0x71: {  	v31 =	vld [tilespmem:$0x310];
	v1 =	vmin.f32 v1, v22;
	v2 =	vmax.f32 v2, v29;
	v3 =	vmin.f32 v3, v30  }
0x72: {  	v32 =	vmin.f32 v0, v26;
	v0 =	vmax.f32 v0, v26;
	v33 =	vmax.f32 v1, v26  }
0x73: {  	v35 =	vld [tilespmem:$0x320];
	v1 =	vmin.f32 v1, v26;
	v2 =	vmax.f32 v2, v32;
	v34 =	vmin.f32 v0, v27  }
0x74: {  	v36 =	vld [tilespmem:$0x330];
	v3 =	vmin.f32 v3, v33;
	v0 =	vmax.f32 v0, v27;
	v37 =	vmax.f32 v1, v27  }
0x75: {  	v1 =	vmin.f32 v1, v27;
	v2 =	vmax.f32 v2, v34;
	v3 =	vmin.f32 v3, v37  }
0x76: {  	v38 =	vmin.f32 v0, v31;
	v39 =	vmax.f32 v1, v31;
	v0 =	vmax.f32 v0, v31  }
0x77: {  	v40 =	vld [tilespmem:$0x340];
	v1 =	vmin.f32 v1, v31;
	v2 =	vmax.f32 v2, v38;
	v3 =	vmin.f32 v3, v39  }
0x78: {  	v41 =	vmin.f32 v0, v35;
	v0 =	vmax.f32 v0, v35;
	v42 =	vmax.f32 v1, v35  }
0x79: {  	v44 =	vld [tilespmem:$0x350];
	v1 =	vmin.f32 v1, v35;
	v2 =	vmax.f32 v2, v41;
	v43 =	vmin.f32 v0, v36  }
0x7a: {  	v45 =	vld [tilespmem:$0x360];
	v3 =	vmin.f32 v3, v42;
	v0 =	vmax.f32 v0, v36;
	v46 =	vmax.f32 v1, v36  }
0x7b: {  	v1 =	vmin.f32 v1, v36;
	v2 =	vmax.f32 v2, v43;
	v3 =	vmin.f32 v3, v46  }
0x7c: {  	v47 =	vmin.f32 v0, v40;
	v48 =	vmax.f32 v1, v40;
	v0 =	vmax.f32 v0, v40  }
0x7d: {  	v49 =	vld [tilespmem:$0x370];
	v1 =	vmin.f32 v1, v40;
	v2 =	vmax.f32 v2, v47;
	v3 =	vmin.f32 v3, v48  }
0x7e: {  	v50 =	vmin.f32 v0, v44;
	v0 =	vmax.f32 v0, v44;
	v51 =	vmax.f32 v1, v44  }
0x7f: {  	v53 =	vld [tilespmem:$0x380];
	v1 =	vmin.f32 v1, v44;
	v2 =	vmax.f32 v2, v50;
	v52 =	vmin.f32 v0, v45  }
0x80: {  	v54 =	vld [tilespmem:$0x390];
	v3 =	vmin.f32 v3, v51;
	v0 =	vmax.f32 v0, v45;
	v55 =	vmax.f32 v1, v45  }
0x81: {  	v1 =	vmin.f32 v1, v45;
	v2 =	vmax.f32 v2, v52;
	v3 =	vmin.f32 v3, v55  }
0x82: {  	v56 =	vmin.f32 v0, v49;
	v57 =	vmax.f32 v1, v49;
	v0 =	vmax.f32 v0, v49  }
0x83: {  	v58 =	vld [tilespmem:$0x3A0];
	v1 =	vmin.f32 v1, v49;
	v2 =	vmax.f32 v2, v56;
	v3 =	vmin.f32 v3, v57  }
0x84: {  	v59 =	vmin.f32 v0, v53;
	v0 =	vmax.f32 v0, v53;
	v60 =	vmax.f32 v1, v53  }
0x85: {  	v62 =	vld [tilespmem:$0x3B0];
	v1 =	vmin.f32 v1, v53;
	v2 =	vmax.f32 v2, v59;
	v61 =	vmin.f32 v0, v54  }
0x86: {  	v63 =	vld [tilespmem:$0x3C0];
	v3 =	vmin.f32 v3, v60;
	v0 =	vmax.f32 v0, v54;
	v10 =	vmax.f32 v1, v54  }
0x87: {  	v1 =	vmin.f32 v1, v54;
	v2 =	vmax.f32 v2, v61;
	v3 =	vmin.f32 v3, v10  }
0x88: {  	v11 =	vmin.f32 v0, v58;
	v12 =	vmax.f32 v1, v58;
	v0 =	vmax.f32 v0, v58  }
0x89: {  	v13 =	vld [tilespmem:$0x3D0];
	v1 =	vmin.f32 v1, v58;
	v2 =	vmax.f32 v2, v11;
	v3 =	vmin.f32 v3, v12  }
0x8a: {  	v14 =	vmin.f32 v0, v62;
	v0 =	vmax.f32 v0, v62;
	v15 =	vmax.f32 v1, v62  }
0x8b: {  	v17 =	vld [tilespmem:$0x3E0];
	v1 =	vmin.f32 v1, v62;
	v2 =	vmax.f32 v2, v14;
	v16 =	vmin.f32 v0, v63  }
0x8c: {  	v18 =	vld [tilespmem:$0x3F0];
	v3 =	vmin.f32 v3, v15;
	v0 =	vmax.f32 v0, v63;
	v19 =	vmax.f32 v1, v63  }
0x8d: {  	v1 =	vmin.f32 v1, v63;
	v2 =	vmax.f32 v2, v16;
	v3 =	vmin.f32 v3, v19  }
0x8e: {  	v20 =	vmin.f32 v0, v13;
	v21 =	vmax.f32 v1, v13;
	v0 =	vmax.f32 v0, v13  }
0x8f: {  	v22 =	vld [tilespmem:$0x400];
	v1 =	vmin.f32 v1, v13;
	v2 =	vmax.f32 v2, v20;
	v3 =	vmin.f32 v3, v21  }
0x90: {  	v23 =	vmin.f32 v0, v17;
	v0 =	vmax.f32 v0, v17;
	v24 =	vmax.f32 v1, v17  }
0x91: {  	v26 =	vld [tilespmem:$0x410];
	v1 =	vmin.f32 v1, v17;
	v2 =	vmax.f32 v2, v23;
	v25 =	vmin.f32 v0, v18  }
0x92: {  	v27 =	vld [tilespmem:$0x420];
	v3 =	vmin.f32 v3, v24;
	v0 =	vmax.f32 v0, v18;
	v28 =	vmax.f32 v1, v18  }
0x93: {  	v1 =	vmin.f32 v1, v18;
	v2 =	vmax.f32 v2, v25;
	v3 =	vmin.f32 v3, v28  }
0x94: {  	v29 =	vmin.f32 v0, v22;
	v30 =	vmax.f32 v1, v22;
	v0 =	vmax.f32 v0, v22  }
0x95: {  	v31 =	vld [tilespmem:$0x430];
	v1 =	vmin.f32 v1, v22;
	v2 =	vmax.f32 v2, v29;
	v3 =	vmin.f32 v3, v30  }
0x96: {  	v32 =	vmin.f32 v0, v26;
	v0 =	vmax.f32 v0, v26;
	v33 =	vmax.f32 v1, v26  }
0x97: {  	v35 =	vld [tilespmem:$0x440];
	v1 =	vmin.f32 v1, v26;
	v2 =	vmax.f32 v2, v32;
	v34 =	vmin.f32 v0, v27  }
0x98: {  	v36 =	vld [tilespmem:$0x450];
	v3 =	vmin.f32 v3, v33;
	v0 =	vmax.f32 v0, v27;
	v37 =	vmax.f32 v1, v27  }
0x99: {  	v1 =	vmin.f32 v1, v27;
	v2 =	vmax.f32 v2, v34;
	v3 =	vmin.f32 v3, v37  }
0x9a: {  	v38 =	vmin.f32 v0, v31;
	v39 =	vmax.f32 v1, v31;
	v0 =	vmax.f32 v0, v31  }
0x9b: {  	v40 =	vld [tilespmem:$0x460];
	v1 =	vmin.f32 v1, v31;
	v2 =	vmax.f32 v2, v38;
	v3 =	vmin.f32 v3, v39  }
0x9c: {  	v41 =	vmin.f32 v0, v35;
	v0 =	vmax.f32 v0, v35;
	v42 =	vmax.f32 v1, v35  }
0x9d: {  	v44 =	vld [tilespmem:$0x470];
	v1 =	vmin.f32 v1, v35;
	v2 =	vmax.f32 v2, v41;
	v43 =	vmin.f32 v0, v36  }
0x9e: {  	v45 =	vld [tilespmem:$0x480];
	v3 =	vmin.f32 v3, v42;
	v0 =	vmax.f32 v0, v36;
	v46 =	vmax.f32 v1, v36  }
0x9f: {  	v1 =	vmin.f32 v1, v36;
	v2 =	vmax.f32 v2, v43;
	v3 =	vmin.f32 v3, v46  }
0xa0: {  	v47 =	vmin.f32 v0, v40;
	v48 =	vmax.f32 v1, v40;
	v0 =	vmax.f32 v0, v40  }
0xa1: {  	v49 =	vld [tilespmem:$0x490];
	v1 =	vmin.f32 v1, v40;
	v2 =	vmax.f32 v2, v47;
	v3 =	vmin.f32 v3, v48  }
0xa2: {  	v50 =	vmin.f32 v0, v44;
	v0 =	vmax.f32 v0, v44;
	v51 =	vmax.f32 v1, v44  }
0xa3: {  	v53 =	vld [tilespmem:$0x4A0];
	v1 =	vmin.f32 v1, v44;
	v2 =	vmax.f32 v2, v50;
	v52 =	vmin.f32 v0, v45  }
0xa4: {  	v54 =	vld [tilespmem:$0x4B0];
	v3 =	vmin.f32 v3, v51;
	v0 =	vmax.f32 v0, v45;
	v55 =	vmax.f32 v1, v45  }
0xa5: {  	v1 =	vmin.f32 v1, v45;
	v2 =	vmax.f32 v2, v52;
	v3 =	vmin.f32 v3, v55  }
0xa6: {  	v56 =	vmin.f32 v0, v49;
	v57 =	vmax.f32 v1, v49;
	v0 =	vmax.f32 v0, v49  }
0xa7: {  	v58 =	vld [tilespmem:$0x4C0];
	v1 =	vmin.f32 v1, v49;
	v2 =	vmax.f32 v2, v56;
	v3 =	vmin.f32 v3, v57  }
0xa8: {  	v59 =	vmin.f32 v0, v53;
	v0 =	vmax.f32 v0, v53;
	v60 =	vmax.f32 v1, v53  }
0xa9: {  	v62 =	vld [tilespmem:$0x4D0];
	v1 =	vmin.f32 v1, v53;
	v2 =	vmax.f32 v2, v59;
	v61 =	vmin.f32 v0, v54  }
0xaa: {  	v63 =	vld [tilespmem:$0x4E0];
	v3 =	vmin.f32 v3, v60;
	v0 =	vmax.f32 v0, v54;
	v10 =	vmax.f32 v1, v54  }
0xab: {  	v1 =	vmin.f32 v1, v54;
	v2 =	vmax.f32 v2, v61;
	v3 =	vmin.f32 v3, v10  }
0xac: {  	v11 =	vmin.f32 v0, v58;
	v12 =	vmax.f32 v1, v58;
	v0 =	vmax.f32 v0, v58  }
0xad: {  	v13 =	vld [tilespmem:$0x4F0];
	v1 =	vmin.f32 v1, v58;
	v2 =	vmax.f32 v2, v11;
	v3 =	vmin.f32 v3, v12  }
0xae: {  	v14 =	vmin.f32 v0, v62;
	v0 =	vmax.f32 v0, v62;
	v15 =	vmax.f32 v1, v62  }
0xaf: {  	v17 =	vld [tilespmem:$0x500];
	v1 =	vmin.f32 v1, v62;
	v2 =	vmax.f32 v2, v14;
	v16 =	vmin.f32 v0, v63  }
0xb0: {  	v18 =	vld [tilespmem:$0x510];
	v3 =	vmin.f32 v3, v15;
	v0 =	vmax.f32 v0, v63;
	v19 =	vmax.f32 v1, v63  }
0xb1: {  	v1 =	vmin.f32 v1, v63;
	v2 =	vmax.f32 v2, v16;
	v3 =	vmin.f32 v3, v19  }
0xb2: {  	v20 =	vmin.f32 v0, v13;
	v21 =	vmax.f32 v1, v13;
	v0 =	vmax.f32 v0, v13  }
0xb3: {  	v22 =	vld [tilespmem:$0x520];
	v1 =	vmin.f32 v1, v13;
	v2 =	vmax.f32 v2, v20;
	v3 =	vmin.f32 v3, v21  }
0xb4: {  	v23 =	vmin.f32 v0, v17;
	v0 =	vmax.f32 v0, v17;
	v24 =	vmax.f32 v1, v17  }
0xb5: {  	v26 =	vld [tilespmem:$0x530];
	v1 =	vmin.f32 v1, v17;
	v2 =	vmax.f32 v2, v23;
	v25 =	vmin.f32 v0, v18  }
0xb6: {  	v27 =	vld [tilespmem:$0x540];
	v3 =	vmin.f32 v3, v24;
	v0 =	vmax.f32 v0, v18;
	v28 =	vmax.f32 v1, v18  }
0xb7: {  	v1 =	vmin.f32 v1, v18;
	v2 =	vmax.f32 v2, v25;
	v3 =	vmin.f32 v3, v28  }
0xb8: {  	v29 =	vmin.f32 v0, v22;
	v30 =	vmax.f32 v1, v22;
	v0 =	vmax.f32 v0, v22  }
0xb9: {  	v31 =	vld [tilespmem:$0x550];
	v1 =	vmin.f32 v1, v22;
	v2 =	vmax.f32 v2, v29;
	v3 =	vmin.f32 v3, v30  }
0xba: {  	v32 =	vmin.f32 v0, v26;
	v0 =	vmax.f32 v0, v26;
	v33 =	vmax.f32 v1, v26  }
0xbb: {  	v35 =	vld [tilespmem:$0x560];
	v1 =	vmin.f32 v1, v26;
	v2 =	vmax.f32 v2, v32;
	v34 =	vmin.f32 v0, v27  }
0xbc: {  	v36 =	vld [tilespmem:$0x570];
	v3 =	vmin.f32 v3, v33;
	v0 =	vmax.f32 v0, v27;
	v37 =	vmax.f32 v1, v27  }
0xbd: {  	v1 =	vmin.f32 v1, v27;
	v2 =	vmax.f32 v2, v34;
	v3 =	vmin.f32 v3, v37  }
0xbe: {  	v38 =	vmin.f32 v0, v31;
	v39 =	vmax.f32 v1, v31;
	v0 =	vmax.f32 v0, v31  }
0xbf: {  	v40 =	vld [tilespmem:$0x580];
	v1 =	vmin.f32 v1, v31;
	v2 =	vmax.f32 v2, v38;
	v3 =	vmin.f32 v3, v39  }
0xc0: {  	v41 =	vmin.f32 v0, v35;
	v0 =	vmax.f32 v0, v35;
	v42 =	vmax.f32 v1, v35  }
0xc1: {  	v44 =	vld [tilespmem:$0x590];
	v1 =	vmin.f32 v1, v35;
	v2 =	vmax.f32 v2, v41;
	v43 =	vmin.f32 v0, v36  }
0xc2: {  	v45 =	vld [tilespmem:$0x5A0];
	v3 =	vmin.f32 v3, v42;
	v0 =	vmax.f32 v0, v36;
	v46 =	vmax.f32 v1, v36  }
0xc3: {  	v1 =	vmin.f32 v1, v36;
	v2 =	vmax.f32 v2, v43;
	v3 =	vmin.f32 v3, v46  }
0xc4: {  	v47 =	vmin.f32 v0, v40;
	v48 =	vmax.f32 v1, v40;
	v0 =	vmax.f32 v0, v40  }
0xc5: {  	v49 =	vld [tilespmem:$0x5B0];
	v1 =	vmin.f32 v1, v40;
	v2 =	vmax.f32 v2, v47;
	v3 =	vmin.f32 v3, v48  }
0xc6: {  	v50 =	vmin.f32 v0, v44;
	v0 =	vmax.f32 v0, v44;
	v51 =	vmax.f32 v1, v44  }
0xc7: {  	v53 =	vld [tilespmem:$0x5C0];
	v1 =	vmin.f32 v1, v44;
	v2 =	vmax.f32 v2, v50;
	v52 =	vmin.f32 v0, v45  }
0xc8: {  	v54 =	vld [tilespmem:$0x5D0];
	v3 =	vmin.f32 v3, v51;
	v0 =	vmax.f32 v0, v45;
	v55 =	vmax.f32 v1, v45  }
0xc9: {  	v1 =	vmin.f32 v1, v45;
	v2 =	vmax.f32 v2, v52;
	v3 =	vmin.f32 v3, v55  }
0xca: {  	v56 =	vmin.f32 v0, v49;
	v57 =	vmax.f32 v1, v49;
	v0 =	vmax.f32 v0, v49  }
0xcb: {  	v58 =	vld [tilespmem:$0x5E0];
	v1 =	vmin.f32 v1, v49;
	v2 =	vmax.f32 v2, v56;
	v3 =	vmin.f32 v3, v57  }
0xcc: {  	v59 =	vmin.f32 v0, v53;
	v0 =	vmax.f32 v0, v53;
	v60 =	vmax.f32 v1, v53  }
0xcd: {  	v62 =	vld [tilespmem:$0x5F0];
	v1 =	vmin.f32 v1, v53;
	v2 =	vmax.f32 v2, v59;
	v61 =	vmin.f32 v0, v54  }
0xce: {  	v63 =	vld [tilespmem:$0x600];
	v3 =	vmin.f32 v3, v60;
	v0 =	vmax.f32 v0, v54;
	v10 =	vmax.f32 v1, v54  }
0xcf: {  	v1 =	vmin.f32 v1, v54;
	v2 =	vmax.f32 v2, v61;
	v3 =	vmin.f32 v3, v10  }
0xd0: {  	v11 =	vmin.f32 v0, v58;
	v12 =	vmax.f32 v1, v58;
	v0 =	vmax.f32 v0, v58  }
0xd1: {  	v13 =	vld [tilespmem:$0x610];
	v1 =	vmin.f32 v1, v58;
	v2 =	vmax.f32 v2, v11;
	v3 =	vmin.f32 v3, v12  }
0xd2: {  	v14 =	vmin.f32 v0, v62;
	v0 =	vmax.f32 v0, v62;
	v15 =	vmax.f32 v1, v62  }
0xd3: {  	v17 =	vld [tilespmem:$0x620];
	v1 =	vmin.f32 v1, v62;
	v2 =	vmax.f32 v2, v14;
	v16 =	vmin.f32 v0, v63  }
0xd4: {  	v18 =	vld [tilespmem:$0x630];
	v3 =	vmin.f32 v3, v15;
	v0 =	vmax.f32 v0, v63;
	v19 =	vmax.f32 v1, v63  }
0xd5: {  	v1 =	vmin.f32 v1, v63;
	v2 =	vmax.f32 v2, v16;
	v3 =	vmin.f32 v3, v19  }
0xd6: {  	v20 =	vmin.f32 v0, v13;
	v21 =	vmax.f32 v1, v13;
	v0 =	vmax.f32 v0, v13  }
0xd7: {  	v22 =	vld [tilespmem:$0x640];
	v1 =	vmin.f32 v1, v13;
	v2 =	vmax.f32 v2, v20;
	v3 =	vmin.f32 v3, v21  }
0xd8: {  	v23 =	vmin.f32 v0, v17;
	v0 =	vmax.f32 v0, v17;
	v24 =	vmax.f32 v1, v17  }
0xd9: {  	v26 =	vld [tilespmem:$0x650];
	v1 =	vmin.f32 v1, v17;
	v2 =	vmax.f32 v2, v23;
	v25 =	vmin.f32 v0, v18  }
0xda: {  	v27 =	vld [tilespmem:$0x660];
	v3 =	vmin.f32 v3, v24;
	v0 =	vmax.f32 v0, v18;
	v28 =	vmax.f32 v1, v18  }
0xdb: {  	v1 =	vmin.f32 v1, v18;
	v2 =	vmax.f32 v2, v25;
	v3 =	vmin.f32 v3, v28  }
0xdc: {  	v29 =	vmin.f32 v0, v22;
	v30 =	vmax.f32 v1, v22;
	v0 =	vmax.f32 v0, v22  }
0xdd: {  	v31 =	vld [tilespmem:$0x670];
	v1 =	vmin.f32 v1, v22;
	v2 =	vmax.f32 v2, v29;
	v3 =	vmin.f32 v3, v30  }
0xde: {  	v32 =	vmin.f32 v0, v26;
	v0 =	vmax.f32 v0, v26;
	v33 =	vmax.f32 v1, v26  }
0xdf: {  	v35 =	vld [tilespmem:$0x680];
	v1 =	vmin.f32 v1, v26;
	v2 =	vmax.f32 v2, v32;
	v34 =	vmin.f32 v0, v27  }
0xe0: {  	v36 =	vld [tilespmem:$0x690];
	v3 =	vmin.f32 v3, v33;
	v0 =	vmax.f32 v0, v27;
	v37 =	vmax.f32 v1, v27  }
0xe1: {  	v1 =	vmin.f32 v1, v27;
	v2 =	vmax.f32 v2, v34;
	v3 =	vmin.f32 v3, v37  }
0xe2: {  	v38 =	vmin.f32 v0, v31;
	v39 =	vmax.f32 v1, v31;
	v0 =	vmax.f32 v0, v31  }
0xe3: {  	v40 =	vld [tilespmem:$0x6A0];
	v1 =	vmin.f32 v1, v31;
	v2 =	vmax.f32 v2, v38;
	v3 =	vmin.f32 v3, v39  }
0xe4: {  	v41 =	vmin.f32 v0, v35;
	v0 =	vmax.f32 v0, v35;
	v42 =	vmax.f32 v1, v35  }
0xe5: {  	v44 =	vld [tilespmem:$0x6B0];
	v1 =	vmin.f32 v1, v35;
	v2 =	vmax.f32 v2, v41;
	v43 =	vmin.f32 v0, v36  }
0xe6: {  	v45 =	vld [tilespmem:$0x6C0];
	v3 =	vmin.f32 v3, v42;
	v0 =	vmax.f32 v0, v36;
	v46 =	vmax.f32 v1, v36  }
0xe7: {  	v1 =	vmin.f32 v1, v36;
	v2 =	vmax.f32 v2, v43;
	v3 =	vmin.f32 v3, v46  }
0xe8: {  	v47 =	vmin.f32 v0, v40;
	v48 =	vmax.f32 v1, v40;
	v0 =	vmax.f32 v0, v40  }
0xe9: {  	v49 =	vld [tilespmem:$0x6D0];
	v1 =	vmin.f32 v1, v40;
	v2 =	vmax.f32 v2, v47;
	v3 =	vmin.f32 v3, v48  }
0xea: {  	v50 =	vmin.f32 v0, v44;
	v0 =	vmax.f32 v0, v44;
	v51 =	vmax.f32 v1, v44  }
0xeb: {  	v53 =	vld [tilespmem:$0x6E0];
	v1 =	vmin.f32 v1, v44;
	v2 =	vmax.f32 v2, v50;
	v52 =	vmin.f32 v0, v45  }
0xec: {  	v54 =	vld [tilespmem:$0x6F0];
	v3 =	vmin.f32 v3, v51;
	v0 =	vmax.f32 v0, v45;
	v55 =	vmax.f32 v1, v45  }
0xed: {  	v1 =	vmin.f32 v1, v45;
	v2 =	vmax.f32 v2, v52;
	v3 =	vmin.f32 v3, v55  }
0xee: {  	v56 =	vmin.f32 v0, v49;
	v57 =	vmax.f32 v1, v49;
	v0 =	vmax.f32 v0, v49  }
0xef: {  	v58 =	vld [tilespmem:$0x700];
	v1 =	vmin.f32 v1, v49;
	v2 =	vmax.f32 v2, v56;
	v3 =	vmin.f32 v3, v57  }
0xf0: {  	v59 =	vmin.f32 v0, v53;
	v0 =	vmax.f32 v0, v53;
	v60 =	vmax.f32 v1, v53  }
0xf1: {  	v62 =	vld [tilespmem:$0x710];
	v1 =	vmin.f32 v1, v53;
	v2 =	vmax.f32 v2, v59;
	v61 =	vmin.f32 v0, v54  }
0xf2: {  	v63 =	vld [tilespmem:$0x720];
	v3 =	vmin.f32 v3, v60;
	v0 =	vmax.f32 v0, v54;
	v10 =	vmax.f32 v1, v54  }
0xf3: {  	v1 =	vmin.f32 v1, v54;
	v2 =	vmax.f32 v2, v61;
	v3 =	vmin.f32 v3, v10  }
0xf4: {  	v11 =	vmin.f32 v0, v58;
	v12 =	vmax.f32 v1, v58;
	v0 =	vmax.f32 v0, v58  }
0xf5: {  	v13 =	vld [tilespmem:$0x730];
	v1 =	vmin.f32 v1, v58;
	v2 =	vmax.f32 v2, v11;
	v3 =	vmin.f32 v3, v12  }
0xf6: {  	v14 =	vmin.f32 v0, v62;
	v0 =	vmax.f32 v0, v62;
	v15 =	vmax.f32 v1, v62  }
0xf7: {  	v17 =	vld [tilespmem:$0x740];
	v1 =	vmin.f32 v1, v62;
	v2 =	vmax.f32 v2, v14;
	v16 =	vmin.f32 v0, v63  }
0xf8: {  	v18 =	vld [tilespmem:$0x750];
	v3 =	vmin.f32 v3, v15;
	v0 =	vmax.f32 v0, v63;
	v19 =	vmax.f32 v1, v63  }
0xf9: {  	v1 =	vmin.f32 v1, v63;
	v2 =	vmax.f32 v2, v16;
	v3 =	vmin.f32 v3, v19  }
0xfa: {  	v20 =	vmin.f32 v0, v13;
	v21 =	vmax.f32 v1, v13;
	v0 =	vmax.f32 v0, v13  }
0xfb: {  	v22 =	vld [tilespmem:$0x760];
	v1 =	vmin.f32 v1, v13;
	v2 =	vmax.f32 v2, v20;
	v3 =	vmin.f32 v3, v21  }
0xfc: {  	v23 =	vmin.f32 v0, v17;
	v0 =	vmax.f32 v0, v17;
	v24 =	vmax.f32 v1, v17  }
0xfd: {  	v26 =	vld [tilespmem:$0x770];
	v1 =	vmin.f32 v1, v17;
	v2 =	vmax.f32 v2, v23;
	v25 =	vmin.f32 v0, v18  }
0xfe: {  	v27 =	vld [tilespmem:$0x780];
	v3 =	vmin.f32 v3, v24;
	v0 =	vmax.f32 v0, v18;
	v28 =	vmax.f32 v1, v18  }
0xff: {  	v1 =	vmin.f32 v1, v18;
	v2 =	vmax.f32 v2, v25;
	v3 =	vmin.f32 v3, v28  }
0x100: {  	v29 =	vmin.f32 v0, v22;
	v30 =	vmax.f32 v1, v22;
	v0 =	vmax.f32 v0, v22  }
0x101: {  	v31 =	vld [tilespmem:$0x790];
	v1 =	vmin.f32 v1, v22;
	v2 =	vmax.f32 v2, v29;
	v3 =	vmin.f32 v3, v30  }
0x102: {  	v32 =	vmin.f32 v0, v26;
	v0 =	vmax.f32 v0, v26;
	v33 =	vmax.f32 v1, v26  }
0x103: {  	v35 =	vld [tilespmem:$0x7A0];
	v1 =	vmin.f32 v1, v26;
	v2 =	vmax.f32 v2, v32;
	v34 =	vmin.f32 v0, v27  }
0x104: {  	v36 =	vld [tilespmem:$0x7B0];
	v3 =	vmin.f32 v3, v33;
	v0 =	vmax.f32 v0, v27;
	v37 =	vmax.f32 v1, v27  }
0x105: {  	v1 =	vmin.f32 v1, v27;
	v2 =	vmax.f32 v2, v34;
	v3 =	vmin.f32 v3, v37  }
0x106: {  	v38 =	vmin.f32 v0, v31;
	v39 =	vmax.f32 v1, v31;
	v0 =	vmax.f32 v0, v31  }
0x107: {  	v40 =	vld [tilespmem:$0x7C0];
	v1 =	vmin.f32 v1, v31;
	v2 =	vmax.f32 v2, v38;
	v3 =	vmin.f32 v3, v39  }
0x108: {  	v41 =	vmin.f32 v0, v35;
	v0 =	vmax.f32 v0, v35;
	v42 =	vmax.f32 v1, v35  }
0x109: {  	v44 =	vld [tilespmem:$0x7D0];
	v1 =	vmin.f32 v1, v35;
	v2 =	vmax.f32 v2, v41;
	v43 =	vmin.f32 v0, v36  }
0x10a: {  	v45 =	vld [tilespmem:$0x7E0];
	v3 =	vmin.f32 v3, v42;
	v0 =	vmax.f32 v0, v36;
	v46 =	vmax.f32 v1, v36  }
0x10b: {  	v1 =	vmin.f32 v1, v36;
	v2 =	vmax.f32 v2, v43;
	v3 =	vmin.f32 v3, v46  }
0x10c: {  	v47 =	vmin.f32 v0, v40;
	v48 =	vmax.f32 v1, v40;
	v0 =	vmax.f32 v0, v40  }
0x10d: {  	v49 =	vld [tilespmem:$0x7F0];
	v1 =	vmin.f32 v1, v40;
	v2 =	vmax.f32 v2, v47;
	v3 =	vmin.f32 v3, v48  }
0x10e: {  	v50 =	vmin.f32 v0, v44;
	v0 =	vmax.f32 v0, v44;
	v51 =	vmax.f32 v1, v44  }
0x10f: {  	v53 =	vld [tilespmem:$0x800];
	v1 =	vmin.f32 v1, v44;
	v2 =	vmax.f32 v2, v50;
	v52 =	vmin.f32 v0, v45  }
0x110: {  	v54 =	vld [tilespmem:$0x810];
	v3 =	vmin.f32 v3, v51;
	v0 =	vmax.f32 v0, v45;
	v55 =	vmax.f32 v1, v45  }
0x111: {  	v1 =	vmin.f32 v1, v45;
	v2 =	vmax.f32 v2, v52;
	v3 =	vmin.f32 v3, v55  }
0x112: {  	v56 =	vmin.f32 v0, v49;
	v57 =	vmax.f32 v1, v49;
	v0 =	vmax.f32 v0, v49  }
0x113: {  	v58 =	vld [tilespmem:$0x820];
	v1 =	vmin.f32 v1, v49;
	v2 =	vmax.f32 v2, v56;
	v3 =	vmin.f32 v3, v57  }
0x114: {  	v59 =	vmin.f32 v0, v53;
	v0 =	vmax.f32 v0, v53;
	v60 =	vmax.f32 v1, v53  }
0x115: {  	v62 =	vld [tilespmem:$0x830];
	v1 =	vmin.f32 v1, v53;
	v2 =	vmax.f32 v2, v59;
	v61 =	vmin.f32 v0, v54  }
0x116: {  	v63 =	vld [tilespmem:$0x840];
	v3 =	vmin.f32 v3, v60;
	v0 =	vmax.f32 v0, v54;
	v10 =	vmax.f32 v1, v54  }
0x117: {  	v1 =	vmin.f32 v1, v54;
	v2 =	vmax.f32 v2, v61;
	v3 =	vmin.f32 v3, v10  }
0x118: {  	v11 =	vmin.f32 v0, v58;
	v12 =	vmax.f32 v1, v58;
	v0 =	vmax.f32 v0, v58  }
0x119: {  	v13 =	vld [tilespmem:$0x850];
	v1 =	vmin.f32 v1, v58;
	v2 =	vmax.f32 v2, v11;
	v3 =	vmin.f32 v3, v12  }
0x11a: {  	v14 =	vmin.f32 v0, v62;
	v0 =	vmax.f32 v0, v62;
	v15 =	vmax.f32 v1, v62  }
0x11b: {  	v17 =	vld [tilespmem:$0x860];
	v1 =	vmin.f32 v1, v62;
	v2 =	vmax.f32 v2, v14;
	v16 =	vmin.f32 v0, v63  }
0x11c: {  	v18 =	vld [tilespmem:$0x870];
	v3 =	vmin.f32 v3, v15;
	v0 =	vmax.f32 v0, v63;
	v19 =	vmax.f32 v1, v63  }
0x11d: {  	v1 =	vmin.f32 v1, v63;
	v2 =	vmax.f32 v2, v16;
	v3 =	vmin.f32 v3, v19  }
0x11e: {  	v20 =	vmin.f32 v0, v13;
	v21 =	vmax.f32 v1, v13;
	v0 =	vmax.f32 v0, v13  }
0x11f: {  	v22 =	vld [tilespmem:$0x880];
	v1 =	vmin.f32 v1, v13;
	v2 =	vmax.f32 v2, v20;
	v3 =	vmin.f32 v3, v21  }
0x120: {  	v23 =	vmin.f32 v0, v17;
	v0 =	vmax.f32 v0, v17;
	v24 =	vmax.f32 v1, v17  }
0x121: {  	v26 =	vld [tilespmem:$0x890];
	v1 =	vmin.f32 v1, v17;
	v2 =	vmax.f32 v2, v23;
	v25 =	vmin.f32 v0, v18  }
0x122: {  	v27 =	vld [tilespmem:$0x8A0];
	v3 =	vmin.f32 v3, v24;
	v0 =	vmax.f32 v0, v18;
	v28 =	vmax.f32 v1, v18  }
0x123: {  	v1 =	vmin.f32 v1, v18;
	v2 =	vmax.f32 v2, v25;
	v3 =	vmin.f32 v3, v28  }
0x124: {  	v29 =	vmin.f32 v0, v22;
	v30 =	vmax.f32 v1, v22;
	v0 =	vmax.f32 v0, v22  }
0x125: {  	v31 =	vld [tilespmem:$0x8B0];
	v1 =	vmin.f32 v1, v22;
	v2 =	vmax.f32 v2, v29;
	v3 =	vmin.f32 v3, v30  }
0x126: {  	v32 =	vmin.f32 v0, v26;
	v0 =	vmax.f32 v0, v26;
	v33 =	vmax.f32 v1, v26  }
0x127: {  	v35 =	vld [tilespmem:$0x8C0];
	v1 =	vmin.f32 v1, v26;
	v2 =	vmax.f32 v2, v32;
	v34 =	vmin.f32 v0, v27  }
0x128: {  	v36 =	vld [tilespmem:$0x8D0];
	v3 =	vmin.f32 v3, v33;
	v0 =	vmax.f32 v0, v27;
	v37 =	vmax.f32 v1, v27  }
0x129: {  	v1 =	vmin.f32 v1, v27;
	v2 =	vmax.f32 v2, v34;
	v3 =	vmin.f32 v3, v37  }
0x12a: {  	v38 =	vmin.f32 v0, v31;
	v39 =	vmax.f32 v1, v31;
	v0 =	vmax.f32 v0, v31  }
0x12b: {  	v40 =	vld [tilespmem:$0x8E0];
	v1 =	vmin.f32 v1, v31;
	v2 =	vmax.f32 v2, v38;
	v3 =	vmin.f32 v3, v39  }
0x12c: {  	v41 =	vmin.f32 v0, v35;
	v0 =	vmax.f32 v0, v35;
	v42 =	vmax.f32 v1, v35  }
0x12d: {  	v44 =	vld [tilespmem:$0x8F0];
	v1 =	vmin.f32 v1, v35;
	v2 =	vmax.f32 v2, v41;
	v43 =	vmin.f32 v0, v36  }
0x12e: {  	v45 =	vld [tilespmem:$0x900];
	v3 =	vmin.f32 v3, v42;
	v0 =	vmax.f32 v0, v36;
	v46 =	vmax.f32 v1, v36  }
0x12f: {  	v1 =	vmin.f32 v1, v36;
	v2 =	vmax.f32 v2, v43;
	v3 =	vmin.f32 v3, v46  }
0x130: {  	v47 =	vmin.f32 v0, v40;
	v48 =	vmax.f32 v1, v40;
	v0 =	vmax.f32 v0, v40  }
0x131: {  	v49 =	vld [tilespmem:$0x910];
	v1 =	vmin.f32 v1, v40;
	v2 =	vmax.f32 v2, v47;
	v3 =	vmin.f32 v3, v48  }
0x132: {  	v50 =	vmin.f32 v0, v44;
	v0 =	vmax.f32 v0, v44;
	v51 =	vmax.f32 v1, v44  }
0x133: {  	v53 =	vld [tilespmem:$0x920];
	v1 =	vmin.f32 v1, v44;
	v2 =	vmax.f32 v2, v50;
	v52 =	vmin.f32 v0, v45  }
0x134: {  	v54 =	vld [tilespmem:$0x930];
	v3 =	vmin.f32 v3, v51;
	v0 =	vmax.f32 v0, v45;
	v55 =	vmax.f32 v1, v45  }
0x135: {  	v1 =	vmin.f32 v1, v45;
	v2 =	vmax.f32 v2, v52;
	v3 =	vmin.f32 v3, v55  }
0x136: {  	v56 =	vmin.f32 v0, v49;
	v57 =	vmax.f32 v1, v49;
	v0 =	vmax.f32 v0, v49  }
0x137: {  	v58 =	vld [tilespmem:$0x940];
	v1 =	vmin.f32 v1, v49;
	v2 =	vmax.f32 v2, v56;
	v3 =	vmin.f32 v3, v57  }
0x138: {  	v59 =	vmin.f32 v0, v53;
	v0 =	vmax.f32 v0, v53;
	v60 =	vmax.f32 v1, v53  }
0x139: {  	v62 =	vld [tilespmem:$0x950];
	v1 =	vmin.f32 v1, v53;
	v2 =	vmax.f32 v2, v59;
	v61 =	vmin.f32 v0, v54  }
0x13a: {  	v63 =	vld [tilespmem:$0x960];
	v3 =	vmin.f32 v3, v60;
	v0 =	vmax.f32 v0, v54;
	v10 =	vmax.f32 v1, v54  }
0x13b: {  	v1 =	vmin.f32 v1, v54;
	v2 =	vmax.f32 v2, v61;
	v3 =	vmin.f32 v3, v10  }
0x13c: {  	v11 =	vmin.f32 v0, v58;
	v12 =	vmax.f32 v1, v58;
	v0 =	vmax.f32 v0, v58  }
0x13d: {  	v13 =	vld [tilespmem:$0x970];
	v1 =	vmin.f32 v1, v58;
	v2 =	vmax.f32 v2, v11;
	v3 =	vmin.f32 v3, v12  }
0x13e: {  	v14 =	vmin.f32 v0, v62;
	v0 =	vmax.f32 v0, v62;
	v15 =	vmax.f32 v1, v62  }
0x13f: {  	v17 =	vld [tilespmem:$0x980];
	v1 =	vmin.f32 v1, v62;
	v2 =	vmax.f32 v2, v14;
	v16 =	vmin.f32 v0, v63  }
0x140: {  	v18 =	vld [tilespmem:$0x990];
	v3 =	vmin.f32 v3, v15;
	v0 =	vmax.f32 v0, v63;
	v19 =	vmax.f32 v1, v63  }
0x141: {  	v1 =	vmin.f32 v1, v63;
	v2 =	vmax.f32 v2, v16;
	v3 =	vmin.f32 v3, v19  }
0x142: {  	v20 =	vmin.f32 v0, v13;
	v21 =	vmax.f32 v1, v13;
	v0 =	vmax.f32 v0, v13  }
0x143: {  	v22 =	vld [tilespmem:$0x9A0];
	v1 =	vmin.f32 v1, v13;
	v2 =	vmax.f32 v2, v20;
	v3 =	vmin.f32 v3, v21  }
0x144: {  	v23 =	vmin.f32 v0, v17;
	v0 =	vmax.f32 v0, v17;
	v24 =	vmax.f32 v1, v17  }
0x145: {  	v26 =	vld [tilespmem:$0x9B0];
	v1 =	vmin.f32 v1, v17;
	v2 =	vmax.f32 v2, v23;
	v25 =	vmin.f32 v0, v18  }
0x146: {  	v27 =	vld [tilespmem:$0x9C0];
	v3 =	vmin.f32 v3, v24;
	v0 =	vmax.f32 v0, v18;
	v28 =	vmax.f32 v1, v18  }
0x147: {  	v1 =	vmin.f32 v1, v18;
	v2 =	vmax.f32 v2, v25;
	v3 =	vmin.f32 v3, v28  }
0x148: {  	v29 =	vmin.f32 v0, v22;
	v30 =	vmax.f32 v1, v22;
	v0 =	vmax.f32 v0, v22  }
0x149: {  	v31 =	vld [tilespmem:$0x9D0];
	v1 =	vmin.f32 v1, v22;
	v2 =	vmax.f32 v2, v29;
	v3 =	vmin.f32 v3, v30  }
0x14a: {  	v32 =	vmin.f32 v0, v26;
	v0 =	vmax.f32 v0, v26;
	v33 =	vmax.f32 v1, v26  }
0x14b: {  	v35 =	vld [tilespmem:$0x9E0];
	v1 =	vmin.f32 v1, v26;
	v2 =	vmax.f32 v2, v32;
	v34 =	vmin.f32 v0, v27  }
0x14c: {  	v36 =	vld [tilespmem:$0x9F0];
	v3 =	vmin.f32 v3, v33;
	v0 =	vmax.f32 v0, v27;
	v37 =	vmax.f32 v1, v27  }
0x14d: {  	v1 =	vmin.f32 v1, v27;
	v2 =	vmax.f32 v2, v34;
	v3 =	vmin.f32 v3, v37  }
0x14e: {  	v38 =	vmin.f32 v0, v31;
	v39 =	vmax.f32 v1, v31;
	v0 =	vmax.f32 v0, v31  }
0x14f: {  	v40 =	vld [tilespmem:$0xA00];
	v1 =	vmin.f32 v1, v31;
	v2 =	vmax.f32 v2, v38;
	v3 =	vmin.f32 v3, v39  }
0x150: {  	v41 =	vmin.f32 v0, v35;
	v0 =	vmax.f32 v0, v35;
	v42 =	vmax.f32 v1, v35  }
0x151: {  	v44 =	vld [tilespmem:$0xA10];
	v1 =	vmin.f32 v1, v35;
	v2 =	vmax.f32 v2, v41;
	v43 =	vmin.f32 v0, v36  }
0x152: {  	v45 =	vld [tilespmem:$0xA20];
	v3 =	vmin.f32 v3, v42;
	v0 =	vmax.f32 v0, v36;
	v46 =	vmax.f32 v1, v36  }
0x153: {  	v1 =	vmin.f32 v1, v36;
	v2 =	vmax.f32 v2, v43;
	v3 =	vmin.f32 v3, v46  }
0x154: {  	v47 =	vmin.f32 v0, v40;
	v48 =	vmax.f32 v1, v40;
	v0 =	vmax.f32 v0, v40  }
0x155: {  	v49 =	vld [tilespmem:$0xA30];
	v1 =	vmin.f32 v1, v40;
	v2 =	vmax.f32 v2, v47;
	v3 =	vmin.f32 v3, v48  }
0x156: {  	v50 =	vmin.f32 v0, v44;
	v0 =	vmax.f32 v0, v44;
	v51 =	vmax.f32 v1, v44  }
0x157: {  	v53 =	vld [tilespmem:$0xA40];
	v1 =	vmin.f32 v1, v44;
	v2 =	vmax.f32 v2, v50;
	v52 =	vmin.f32 v0, v45  }
0x158: {  	v54 =	vld [tilespmem:$0xA50];
	v3 =	vmin.f32 v3, v51;
	v0 =	vmax.f32 v0, v45;
	v55 =	vmax.f32 v1, v45  }
0x159: {  	v1 =	vmin.f32 v1, v45;
	v2 =	vmax.f32 v2, v52;
	v3 =	vmin.f32 v3, v55  }
0x15a: {  	v56 =	vmin.f32 v0, v49;
	v57 =	vmax.f32 v1, v49;
	v0 =	vmax.f32 v0, v49  }
0x15b: {  	v58 =	vld [tilespmem:$0xA60];
	v1 =	vmin.f32 v1, v49;
	v2 =	vmax.f32 v2, v56;
	v3 =	vmin.f32 v3, v57  }
0x15c: {  	v59 =	vmin.f32 v0, v53;
	v0 =	vmax.f32 v0, v53;
	v60 =	vmax.f32 v1, v53  }
0x15d: {  	v62 =	vld [tilespmem:$0xA70];
	v1 =	vmin.f32 v1, v53;
	v2 =	vmax.f32 v2, v59;
	v61 =	vmin.f32 v0, v54  }
0x15e: {  	v63 =	vld [tilespmem:$0xA80];
	v3 =	vmin.f32 v3, v60;
	v0 =	vmax.f32 v0, v54;
	v10 =	vmax.f32 v1, v54  }
0x15f: {  	v1 =	vmin.f32 v1, v54;
	v2 =	vmax.f32 v2, v61;
	v3 =	vmin.f32 v3, v10  }
0x160: {  	v11 =	vmin.f32 v0, v58;
	v12 =	vmax.f32 v1, v58;
	v0 =	vmax.f32 v0, v58  }
0x161: {  	v13 =	vld [tilespmem:$0xA90];
	v1 =	vmin.f32 v1, v58;
	v2 =	vmax.f32 v2, v11;
	v3 =	vmin.f32 v3, v12  }
0x162: {  	v14 =	vmin.f32 v0, v62;
	v0 =	vmax.f32 v0, v62;
	v15 =	vmax.f32 v1, v62  }
0x163: {  	v17 =	vld [tilespmem:$0xAA0];
	v1 =	vmin.f32 v1, v62;
	v2 =	vmax.f32 v2, v14;
	v16 =	vmin.f32 v0, v63  }
0x164: {  	v18 =	vld [tilespmem:$0xAB0];
	v3 =	vmin.f32 v3, v15;
	v0 =	vmax.f32 v0, v63;
	v19 =	vmax.f32 v1, v63  }
0x165: {  	v1 =	vmin.f32 v1, v63;
	v2 =	vmax.f32 v2, v16;
	v3 =	vmin.f32 v3, v19  }
0x166: {  	v20 =	vmin.f32 v0, v13;
	v21 =	vmax.f32 v1, v13;
	v0 =	vmax.f32 v0, v13  }
0x167: {  	v22 =	vld [tilespmem:$0xAC0];
	v1 =	vmin.f32 v1, v13;
	v2 =	vmax.f32 v2, v20;
	v3 =	vmin.f32 v3, v21  }
0x168: {  	v23 =	vmin.f32 v0, v17;
	v0 =	vmax.f32 v0, v17;
	v24 =	vmax.f32 v1, v17  }
0x169: {  	v26 =	vld [tilespmem:$0xAD0];
	v1 =	vmin.f32 v1, v17;
	v2 =	vmax.f32 v2, v23;
	v25 =	vmin.f32 v0, v18  }
0x16a: {  	v27 =	vld [tilespmem:$0xAE0];
	v3 =	vmin.f32 v3, v24;
	v0 =	vmax.f32 v0, v18;
	v28 =	vmax.f32 v1, v18  }
0x16b: {  	v1 =	vmin.f32 v1, v18;
	v2 =	vmax.f32 v2, v25;
	v3 =	vmin.f32 v3, v28  }
0x16c: {  	v29 =	vmin.f32 v0, v22;
	v30 =	vmax.f32 v1, v22;
	v0 =	vmax.f32 v0, v22  }
0x16d: {  	v31 =	vld [tilespmem:$0xAF0];
	v1 =	vmin.f32 v1, v22;
	v2 =	vmax.f32 v2, v29;
	v3 =	vmin.f32 v3, v30  }
0x16e: {  	v32 =	vmin.f32 v0, v26;
	v0 =	vmax.f32 v0, v26;
	v33 =	vmax.f32 v1, v26  }
0x16f: {  	v35 =	vld [tilespmem:$0xB00];
	v1 =	vmin.f32 v1, v26;
	v2 =	vmax.f32 v2, v32;
	v34 =	vmin.f32 v0, v27  }
0x170: {  	v36 =	vld [tilespmem:$0xB10];
	v3 =	vmin.f32 v3, v33;
	v0 =	vmax.f32 v0, v27;
	v37 =	vmax.f32 v1, v27  }
0x171: {  	v1 =	vmin.f32 v1, v27;
	v2 =	vmax.f32 v2, v34;
	v3 =	vmin.f32 v3, v37  }
0x172: {  	v38 =	vmin.f32 v0, v31;
	v39 =	vmax.f32 v1, v31;
	v0 =	vmax.f32 v0, v31  }
0x173: {  	v40 =	vld [tilespmem:$0xB20];
	v1 =	vmin.f32 v1, v31;
	v2 =	vmax.f32 v2, v38;
	v3 =	vmin.f32 v3, v39  }
0x174: {  	v41 =	vmin.f32 v0, v35;
	v0 =	vmax.f32 v0, v35;
	v42 =	vmax.f32 v1, v35  }
0x175: {  	v44 =	vld [tilespmem:$0xB30];
	v1 =	vmin.f32 v1, v35;
	v2 =	vmax.f32 v2, v41;
	v43 =	vmin.f32 v0, v36  }
0x176: {  	v45 =	vld [tilespmem:$0xB40];
	v3 =	vmin.f32 v3, v42;
	v0 =	vmax.f32 v0, v36;
	v46 =	vmax.f32 v1, v36  }
0x177: {  	v1 =	vmin.f32 v1, v36;
	v2 =	vmax.f32 v2, v43;
	v3 =	vmin.f32 v3, v46  }
0x178: {  	v47 =	vmin.f32 v0, v40;
	v48 =	vmax.f32 v1, v40;
	v0 =	vmax.f32 v0, v40  }
0x179: {  	v49 =	vld [tilespmem:$0xB50];
	v1 =	vmin.f32 v1, v40;
	v2 =	vmax.f32 v2, v47;
	v3 =	vmin.f32 v3, v48  }
0x17a: {  	v50 =	vmin.f32 v0, v44;
	v0 =	vmax.f32 v0, v44;
	v51 =	vmax.f32 v1, v44  }
0x17b: {  	v53 =	vld [tilespmem:$0xB60];
	v1 =	vmin.f32 v1, v44;
	v2 =	vmax.f32 v2, v50;
	v52 =	vmin.f32 v0, v45  }
0x17c: {  	v54 =	vld [tilespmem:$0xB70];
	v3 =	vmin.f32 v3, v51;
	v0 =	vmax.f32 v0, v45;
	v55 =	vmax.f32 v1, v45  }
0x17d: {  	v1 =	vmin.f32 v1, v45;
	v2 =	vmax.f32 v2, v52;
	v3 =	vmin.f32 v3, v55  }
0x17e: {  	v56 =	vmin.f32 v0, v49;
	v57 =	vmax.f32 v1, v49;
	v0 =	vmax.f32 v0, v49  }
0x17f: {  	v58 =	vld [tilespmem:$0xB80];
	v1 =	vmin.f32 v1, v49;
	v2 =	vmax.f32 v2, v56;
	v3 =	vmin.f32 v3, v57  }
0x180: {  	v59 =	vmin.f32 v0, v53;
	v0 =	vmax.f32 v0, v53;
	v60 =	vmax.f32 v1, v53  }
0x181: {  	v62 =	vld [tilespmem:$0xB90];
	v1 =	vmin.f32 v1, v53;
	v2 =	vmax.f32 v2, v59;
	v61 =	vmin.f32 v0, v54  }
0x182: {  	v63 =	vld [tilespmem:$0xBA0];
	v3 =	vmin.f32 v3, v60;
	v0 =	vmax.f32 v0, v54;
	v10 =	vmax.f32 v1, v54  }
0x183: {  	v1 =	vmin.f32 v1, v54;
	v2 =	vmax.f32 v2, v61;
	v3 =	vmin.f32 v3, v10  }
0x184: {  	v11 =	vmin.f32 v0, v58;
	v12 =	vmax.f32 v1, v58;
	v0 =	vmax.f32 v0, v58  }
0x185: {  	v13 =	vld [tilespmem:$0xBB0];
	v1 =	vmin.f32 v1, v58;
	v2 =	vmax.f32 v2, v11;
	v3 =	vmin.f32 v3, v12  }
0x186: {  	v14 =	vmin.f32 v0, v62;
	v0 =	vmax.f32 v0, v62;
	v15 =	vmax.f32 v1, v62  }
0x187: {  	v17 =	vld [tilespmem:$0xBC0];
	v1 =	vmin.f32 v1, v62;
	v2 =	vmax.f32 v2, v14;
	v16 =	vmin.f32 v0, v63  }
0x188: {  	v18 =	vld [tilespmem:$0xBD0];
	v3 =	vmin.f32 v3, v15;
	v0 =	vmax.f32 v0, v63;
	v19 =	vmax.f32 v1, v63  }
0x189: {  	v1 =	vmin.f32 v1, v63;
	v2 =	vmax.f32 v2, v16;
	v3 =	vmin.f32 v3, v19  }
0x18a: {  	v20 =	vmin.f32 v0, v13;
	v21 =	vmax.f32 v1, v13;
	v0 =	vmax.f32 v0, v13  }
0x18b: {  	v22 =	vld [tilespmem:$0xBE0];
	v1 =	vmin.f32 v1, v13;
	v2 =	vmax.f32 v2, v20;
	v3 =	vmin.f32 v3, v21  }
0x18c: {  	v23 =	vmin.f32 v0, v17;
	v0 =	vmax.f32 v0, v17;
	v24 =	vmax.f32 v1, v17  }
0x18d: {  	v26 =	vld [tilespmem:$0xBF0];
	v1 =	vmin.f32 v1, v17;
	v2 =	vmax.f32 v2, v23;
	v25 =	vmin.f32 v0, v18  }
0x18e: {  	v27 =	vld [tilespmem:$0xC00];
	v3 =	vmin.f32 v3, v24;
	v0 =	vmax.f32 v0, v18;
	v28 =	vmax.f32 v1, v18  }
0x18f: {  	v1 =	vmin.f32 v1, v18;
	v2 =	vmax.f32 v2, v25;
	v3 =	vmin.f32 v3, v28  }
0x190: {  	v29 =	vmin.f32 v0, v22;
	v30 =	vmax.f32 v1, v22;
	v0 =	vmax.f32 v0, v22  }
0x191: {  	v31 =	vld [tilespmem:$0xC10];
	v1 =	vmin.f32 v1, v22;
	v2 =	vmax.f32 v2, v29;
	v3 =	vmin.f32 v3, v30  }
0x192: {  	v32 =	vmin.f32 v0, v26;
	v0 =	vmax.f32 v0, v26;
	v33 =	vmax.f32 v1, v26  }
0x193: {  	v35 =	vld [tilespmem:$0xC20];
	v1 =	vmin.f32 v1, v26;
	v2 =	vmax.f32 v2, v32;
	v34 =	vmin.f32 v0, v27  }
0x194: {  	v36 =	vld [tilespmem:$0xC30];
	v3 =	vmin.f32 v3, v33;
	v0 =	vmax.f32 v0, v27;
	v37 =	vmax.f32 v1, v27  }
0x195: {  	v1 =	vmin.f32 v1, v27;
	v2 =	vmax.f32 v2, v34;
	v3 =	vmin.f32 v3, v37  }
0x196: {  	v38 =	vmin.f32 v0, v31;
	v39 =	vmax.f32 v1, v31;
	v0 =	vmax.f32 v0, v31  }
0x197: {  	v40 =	vld [tilespmem:$0xC40];
	v1 =	vmin.f32 v1, v31;
	v2 =	vmax.f32 v2, v38;
	v3 =	vmin.f32 v3, v39  }
0x198: {  	v41 =	vmin.f32 v0, v35;
	v0 =	vmax.f32 v0, v35;
	v42 =	vmax.f32 v1, v35  }
0x199: {  	v44 =	vld [tilespmem:$0xC50];
	v1 =	vmin.f32 v1, v35;
	v2 =	vmax.f32 v2, v41;
	v43 =	vmin.f32 v0, v36  }
0x19a: {  	v45 =	vld [tilespmem:$0xC60];
	v3 =	vmin.f32 v3, v42;
	v0 =	vmax.f32 v0, v36;
	v46 =	vmax.f32 v1, v36  }
0x19b: {  	v1 =	vmin.f32 v1, v36;
	v2 =	vmax.f32 v2, v43;
	v3 =	vmin.f32 v3, v46  }
0x19c: {  	v47 =	vmin.f32 v0, v40;
	v48 =	vmax.f32 v1, v40;
	v0 =	vmax.f32 v0, v40  }
0x19d: {  	v49 =	vld [tilespmem:$0xC70];
	v1 =	vmin.f32 v1, v40;
	v2 =	vmax.f32 v2, v47;
	v3 =	vmin.f32 v3, v48  }
0x19e: {  	v50 =	vmin.f32 v0, v44;
	v0 =	vmax.f32 v0, v44;
	v51 =	vmax.f32 v1, v44  }
0x19f: {  	v53 =	vld [tilespmem:$0xC80];
	v1 =	vmin.f32 v1, v44;
	v2 =	vmax.f32 v2, v50;
	v52 =	vmin.f32 v0, v45  }
0x1a0: {  	v54 =	vld [tilespmem:$0xC90];
	v3 =	vmin.f32 v3, v51;
	v0 =	vmax.f32 v0, v45;
	v55 =	vmax.f32 v1, v45  }
0x1a1: {  	v1 =	vmin.f32 v1, v45;
	v2 =	vmax.f32 v2, v52;
	v3 =	vmin.f32 v3, v55  }
0x1a2: {  	v56 =	vmin.f32 v0, v49;
	v57 =	vmax.f32 v1, v49;
	v0 =	vmax.f32 v0, v49  }
0x1a3: {  	v58 =	vld [tilespmem:$0xCA0];
	v1 =	vmin.f32 v1, v49;
	v2 =	vmax.f32 v2, v56;
	v3 =	vmin.f32 v3, v57  }
0x1a4: {  	v59 =	vmin.f32 v0, v53;
	v0 =	vmax.f32 v0, v53;
	v60 =	vmax.f32 v1, v53  }
0x1a5: {  	v62 =	vld [tilespmem:$0xCB0];
	v1 =	vmin.f32 v1, v53;
	v2 =	vmax.f32 v2, v59;
	v61 =	vmin.f32 v0, v54  }
0x1a6: {  	v63 =	vld [tilespmem:$0xCC0];
	v3 =	vmin.f32 v3, v60;
	v0 =	vmax.f32 v0, v54;
	v10 =	vmax.f32 v1, v54  }
0x1a7: {  	v1 =	vmin.f32 v1, v54;
	v2 =	vmax.f32 v2, v61;
	v3 =	vmin.f32 v3, v10  }
0x1a8: {  	v11 =	vmin.f32 v0, v58;
	v12 =	vmax.f32 v1, v58;
	v0 =	vmax.f32 v0, v58  }
0x1a9: {  	v13 =	vld [tilespmem:$0xCD0];
	v1 =	vmin.f32 v1, v58;
	v2 =	vmax.f32 v2, v11;
	v3 =	vmin.f32 v3, v12  }
0x1aa: {  	v14 =	vmin.f32 v0, v62;
	v0 =	vmax.f32 v0, v62;
	v15 =	vmax.f32 v1, v62  }
0x1ab: {  	v17 =	vld [tilespmem:$0xCE0];
	v1 =	vmin.f32 v1, v62;
	v2 =	vmax.f32 v2, v14;
	v16 =	vmin.f32 v0, v63  }
0x1ac: {  	v18 =	vld [tilespmem:$0xCF0];
	v3 =	vmin.f32 v3, v15;
	v0 =	vmax.f32 v0, v63;
	v19 =	vmax.f32 v1, v63  }
0x1ad: {  	v1 =	vmin.f32 v1, v63;
	v2 =	vmax.f32 v2, v16;
	v3 =	vmin.f32 v3, v19  }
0x1ae: {  	v20 =	vmin.f32 v0, v13;
	v21 =	vmax.f32 v1, v13;
	v0 =	vmax.f32 v0, v13  }
0x1af: {  	v22 =	vld [tilespmem:$0xD00];
	v1 =	vmin.f32 v1, v13;
	v2 =	vmax.f32 v2, v20;
	v3 =	vmin.f32 v3, v21  }
0x1b0: {  	v23 =	vmin.f32 v0, v17;
	v0 =	vmax.f32 v0, v17;
	v24 =	vmax.f32 v1, v17  }
0x1b1: {  	v26 =	vld [tilespmem:$0xD10];
	v1 =	vmin.f32 v1, v17;
	v2 =	vmax.f32 v2, v23;
	v25 =	vmin.f32 v0, v18  }
0x1b2: {  	v27 =	vld [tilespmem:$0xD20];
	v3 =	vmin.f32 v3, v24;
	v0 =	vmax.f32 v0, v18;
	v28 =	vmax.f32 v1, v18  }
0x1b3: {  	v1 =	vmin.f32 v1, v18;
	v2 =	vmax.f32 v2, v25;
	v3 =	vmin.f32 v3, v28  }
0x1b4: {  	v29 =	vmin.f32 v0, v22;
	v30 =	vmax.f32 v1, v22;
	v0 =	vmax.f32 v0, v22  }
0x1b5: {  	v31 =	vld [tilespmem:$0xD30];
	v1 =	vmin.f32 v1, v22;
	v2 =	vmax.f32 v2, v29;
	v3 =	vmin.f32 v3, v30  }
0x1b6: {  	v32 =	vmin.f32 v0, v26;
	v0 =	vmax.f32 v0, v26;
	v33 =	vmax.f32 v1, v26  }
0x1b7: {  	v35 =	vld [tilespmem:$0xD40];
	v1 =	vmin.f32 v1, v26;
	v2 =	vmax.f32 v2, v32;
	v34 =	vmin.f32 v0, v27  }
0x1b8: {  	v36 =	vld [tilespmem:$0xD50];
	v3 =	vmin.f32 v3, v33;
	v0 =	vmax.f32 v0, v27;
	v37 =	vmax.f32 v1, v27  }
0x1b9: {  	v1 =	vmin.f32 v1, v27;
	v2 =	vmax.f32 v2, v34;
	v3 =	vmin.f32 v3, v37  }
0x1ba: {  	v38 =	vmin.f32 v0, v31;
	v39 =	vmax.f32 v1, v31;
	v0 =	vmax.f32 v0, v31  }
0x1bb: {  	v40 =	vld [tilespmem:$0xD60];
	v1 =	vmin.f32 v1, v31;
	v2 =	vmax.f32 v2, v38;
	v3 =	vmin.f32 v3, v39  }
0x1bc: {  	v41 =	vmin.f32 v0, v35;
	v0 =	vmax.f32 v0, v35;
	v42 =	vmax.f32 v1, v35  }
0x1bd: {  	v44 =	vld [tilespmem:$0xD70];
	v1 =	vmin.f32 v1, v35;
	v2 =	vmax.f32 v2, v41;
	v43 =	vmin.f32 v0, v36  }
0x1be: {  	v45 =	vld [tilespmem:$0xD80];
	v3 =	vmin.f32 v3, v42;
	v0 =	vmax.f32 v0, v36;
	v46 =	vmax.f32 v1, v36  }
0x1bf: {  	v1 =	vmin.f32 v1, v36;
	v2 =	vmax.f32 v2, v43;
	v3 =	vmin.f32 v3, v46  }
0x1c0: {  	v47 =	vmin.f32 v0, v40;
	v48 =	vmax.f32 v1, v40;
	v0 =	vmax.f32 v0, v40  }
0x1c1: {  	v49 =	vld [tilespmem:$0xD90];
	v1 =	vmin.f32 v1, v40;
	v2 =	vmax.f32 v2, v47;
	v3 =	vmin.f32 v3, v48  }
0x1c2: {  	v50 =	vmin.f32 v0, v44;
	v0 =	vmax.f32 v0, v44;
	v51 =	vmax.f32 v1, v44  }
0x1c3: {  	v53 =	vld [tilespmem:$0xDA0];
	v1 =	vmin.f32 v1, v44;
	v2 =	vmax.f32 v2, v50;
	v52 =	vmin.f32 v0, v45  }
0x1c4: {  	v54 =	vld [tilespmem:$0xDB0];
	v3 =	vmin.f32 v3, v51;
	v0 =	vmax.f32 v0, v45;
	v55 =	vmax.f32 v1, v45  }
0x1c5: {  	v1 =	vmin.f32 v1, v45;
	v2 =	vmax.f32 v2, v52;
	v3 =	vmin.f32 v3, v55  }
0x1c6: {  	v56 =	vmin.f32 v0, v49;
	v57 =	vmax.f32 v1, v49;
	v0 =	vmax.f32 v0, v49  }
0x1c7: {  	v58 =	vld [tilespmem:$0xDC0];
	v1 =	vmin.f32 v1, v49;
	v2 =	vmax.f32 v2, v56;
	v3 =	vmin.f32 v3, v57  }
0x1c8: {  	v59 =	vmin.f32 v0, v53;
	v0 =	vmax.f32 v0, v53;
	v60 =	vmax.f32 v1, v53  }
0x1c9: {  	v62 =	vld [tilespmem:$0xDD0];
	v1 =	vmin.f32 v1, v53;
	v2 =	vmax.f32 v2, v59;
	v61 =	vmin.f32 v0, v54  }
0x1ca: {  	v63 =	vld [tilespmem:$0xDE0];
	v3 =	vmin.f32 v3, v60;
	v0 =	vmax.f32 v0, v54;
	v10 =	vmax.f32 v1, v54  }
0x1cb: {  	v1 =	vmin.f32 v1, v54;
	v2 =	vmax.f32 v2, v61;
	v3 =	vmin.f32 v3, v10  }
0x1cc: {  	v11 =	vmin.f32 v0, v58;
	v12 =	vmax.f32 v1, v58;
	v0 =	vmax.f32 v0, v58  }
0x1cd: {  	v13 =	vld [tilespmem:$0xDF0];
	v1 =	vmin.f32 v1, v58;
	v2 =	vmax.f32 v2, v11;
	v3 =	vmin.f32 v3, v12  }
0x1ce: {  	v14 =	vmin.f32 v0, v62;
	v0 =	vmax.f32 v0, v62;
	v15 =	vmax.f32 v1, v62  }
0x1cf: {  	v17 =	vld [tilespmem:$0xE00];
	v1 =	vmin.f32 v1, v62;
	v2 =	vmax.f32 v2, v14;
	v16 =	vmin.f32 v0, v63  }
0x1d0: {  	v18 =	vld [tilespmem:$0xE10];
	v3 =	vmin.f32 v3, v15;
	v0 =	vmax.f32 v0, v63;
	v19 =	vmax.f32 v1, v63  }
0x1d1: {  	v1 =	vmin.f32 v1, v63;
	v2 =	vmax.f32 v2, v16;
	v3 =	vmin.f32 v3, v19  }
0x1d2: {  	v20 =	vmin.f32 v0, v13;
	v21 =	vmax.f32 v1, v13;
	v0 =	vmax.f32 v0, v13  }
0x1d3: {  	v22 =	vld [tilespmem:$0xE20];
	v1 =	vmin.f32 v1, v13;
	v2 =	vmax.f32 v2, v20;
	v3 =	vmin.f32 v3, v21  }
0x1d4: {  	v23 =	vmin.f32 v0, v17;
	v0 =	vmax.f32 v0, v17;
	v24 =	vmax.f32 v1, v17  }
0x1d5: {  	v26 =	vld [tilespmem:$0xE30];
	v1 =	vmin.f32 v1, v17;
	v2 =	vmax.f32 v2, v23;
	v25 =	vmin.f32 v0, v18  }
0x1d6: {  	v27 =	vld [tilespmem:$0xE40];
	v3 =	vmin.f32 v3, v24;
	v0 =	vmax.f32 v0, v18;
	v28 =	vmax.f32 v1, v18  }
0x1d7: {  	v1 =	vmin.f32 v1, v18;
	v2 =	vmax.f32 v2, v25;
	v3 =	vmin.f32 v3, v28  }
0x1d8: {  	v29 =	vmin.f32 v0, v22;
	v30 =	vmax.f32 v1, v22;
	v0 =	vmax.f32 v0, v22  }
0x1d9: {  	v31 =	vld [tilespmem:$0xE50];
	v1 =	vmin.f32 v1, v22;
	v2 =	vmax.f32 v2, v29;
	v3 =	vmin.f32 v3, v30  }
0x1da: {  	v32 =	vmin.f32 v0, v26;
	v0 =	vmax.f32 v0, v26;
	v33 =	vmax.f32 v1, v26  }
0x1db: {  	v35 =	vld [tilespmem:$0xE60];
	v1 =	vmin.f32 v1, v26;
	v2 =	vmax.f32 v2, v32;
	v34 =	vmin.f32 v0, v27  }
0x1dc: {  	v36 =	vld [tilespmem:$0xE70];
	v3 =	vmin.f32 v3, v33;
	v0 =	vmax.f32 v0, v27;
	v37 =	vmax.f32 v1, v27  }
0x1dd: {  	v1 =	vmin.f32 v1, v27;
	v2 =	vmax.f32 v2, v34;
	v3 =	vmin.f32 v3, v37  }
0x1de: {  	v38 =	vmin.f32 v0, v31;
	v39 =	vmax.f32 v1, v31;
	v0 =	vmax.f32 v0, v31  }
0x1df: {  	v40 =	vld [tilespmem:$0xE80];
	v1 =	vmin.f32 v1, v31;
	v2 =	vmax.f32 v2, v38;
	v3 =	vmin.f32 v3, v39  }
0x1e0: {  	v41 =	vmin.f32 v0, v35;
	v0 =	vmax.f32 v0, v35;
	v42 =	vmax.f32 v1, v35  }
0x1e1: {  	v44 =	vld [tilespmem:$0xE90];
	v1 =	vmin.f32 v1, v35;
	v2 =	vmax.f32 v2, v41;
	v43 =	vmin.f32 v0, v36  }
0x1e2: {  	v45 =	vld [tilespmem:$0xEA0];
	v3 =	vmin.f32 v3, v42;
	v0 =	vmax.f32 v0, v36;
	v46 =	vmax.f32 v1, v36  }
0x1e3: {  	v1 =	vmin.f32 v1, v36;
	v2 =	vmax.f32 v2, v43;
	v3 =	vmin.f32 v3, v46  }
0x1e4: {  	v47 =	vmin.f32 v0, v40;
	v48 =	vmax.f32 v1, v40;
	v0 =	vmax.f32 v0, v40  }
0x1e5: {  	v49 =	vld [tilespmem:$0xEB0];
	v1 =	vmin.f32 v1, v40;
	v2 =	vmax.f32 v2, v47;
	v3 =	vmin.f32 v3, v48  }
0x1e6: {  	v50 =	vmin.f32 v0, v44;
	v0 =	vmax.f32 v0, v44;
	v51 =	vmax.f32 v1, v44  }
0x1e7: {  	v53 =	vld [tilespmem:$0xEC0];
	v1 =	vmin.f32 v1, v44;
	v2 =	vmax.f32 v2, v50;
	v52 =	vmin.f32 v0, v45  }
0x1e8: {  	v54 =	vld [tilespmem:$0xED0];
	v3 =	vmin.f32 v3, v51;
	v0 =	vmax.f32 v0, v45;
	v55 =	vmax.f32 v1, v45  }
0x1e9: {  	v1 =	vmin.f32 v1, v45;
	v2 =	vmax.f32 v2, v52;
	v3 =	vmin.f32 v3, v55  }
0x1ea: {  	v56 =	vmin.f32 v0, v49;
	v57 =	vmax.f32 v1, v49;
	v0 =	vmax.f32 v0, v49  }
0x1eb: {  	v58 =	vld [tilespmem:$0xEE0];
	v1 =	vmin.f32 v1, v49;
	v2 =	vmax.f32 v2, v56;
	v3 =	vmin.f32 v3, v57  }
0x1ec: {  	v59 =	vmin.f32 v0, v53;
	v0 =	vmax.f32 v0, v53;
	v60 =	vmax.f32 v1, v53  }
0x1ed: {  	v62 =	vld [tilespmem:$0xEF0];
	v1 =	vmin.f32 v1, v53;
	v2 =	vmax.f32 v2, v59;
	v61 =	vmin.f32 v0, v54  }
0x1ee: {  	v63 =	vld [tilespmem:$0xF00];
	v3 =	vmin.f32 v3, v60;
	v0 =	vmax.f32 v0, v54;
	v12 =	vmax.f32 v1, v54  }
0x1ef: {  	v1 =	vmin.f32 v1, v54;
	v2 =	vmax.f32 v2, v61;
	v3 =	vmin.f32 v3, v12  }
0x1f0: {  	v13 =	vmin.f32 v0, v58;
	v14 =	vmax.f32 v1, v58;
	v0 =	vmax.f32 v0, v58  }
0x1f1: {  	v15 =	vld [tilespmem:$0xF10];
	v1 =	vmin.f32 v1, v58;
	v2 =	vmax.f32 v2, v13;
	v3 =	vmin.f32 v3, v14  }
0x1f2: {  	v16 =	vmin.f32 v0, v62;
	v0 =	vmax.f32 v0, v62;
	v17 =	vmax.f32 v1, v62  }
0x1f3: {  	v19 =	vld [tilespmem:$0xF20];
	v1 =	vmin.f32 v1, v62;
	v2 =	vmax.f32 v2, v16;
	v18 =	vmin.f32 v0, v63  }
0x1f4: {  	v20 =	vld [tilespmem:$0xF30];
	v3 =	vmin.f32 v3, v17;
	v0 =	vmax.f32 v0, v63;
	v21 =	vmax.f32 v1, v63  }
0x1f5: {  	v1 =	vmin.f32 v1, v63;
	v2 =	vmax.f32 v2, v18;
	v3 =	vmin.f32 v3, v21  }
0x1f6: {  	v22 =	vmin.f32 v0, v15;
	v23 =	vmax.f32 v1, v15;
	v0 =	vmax.f32 v0, v15  }
0x1f7: {  	v24 =	vld [tilespmem:$0xF40];
	v1 =	vmin.f32 v1, v15;
	v2 =	vmax.f32 v2, v22;
	v3 =	vmin.f32 v3, v23  }
0x1f8: {  	v25 =	vmin.f32 v0, v19;
	v0 =	vmax.f32 v0, v19;
	v26 =	vmax.f32 v1, v19  }
0x1f9: {  	v28 =	vld [tilespmem:$0xF50];
	v1 =	vmin.f32 v1, v19;
	v2 =	vmax.f32 v2, v25;
	v27 =	vmin.f32 v0, v20  }
0x1fa: {  	v29 =	vld [tilespmem:$0xF60];
	v3 =	vmin.f32 v3, v26;
	v0 =	vmax.f32 v0, v20;
	v30 =	vmax.f32 v1, v20  }
0x1fb: {  	v1 =	vmin.f32 v1, v20;
	v2 =	vmax.f32 v2, v27;
	v3 =	vmin.f32 v3, v30  }
0x1fc: {  	v31 =	vmin.f32 v0, v24;
	v32 =	vmax.f32 v1, v24;
	v0 =	vmax.f32 v0, v24  }
0x1fd: {  	v33 =	vld [tilespmem:$0xF70];
	v1 =	vmin.f32 v1, v24;
	v2 =	vmax.f32 v2, v31;
	v3 =	vmin.f32 v3, v32  }
0x1fe: {  	v34 =	vmin.f32 v0, v28;
	v0 =	vmax.f32 v0, v28;
	v35 =	vmax.f32 v1, v28  }
0x1ff: {  	v37 =	vld [tilespmem:$0xF80];
	v1 =	vmin.f32 v1, v28;
	v2 =	vmax.f32 v2, v34;
	v36 =	vmin.f32 v0, v29  }
0x200: {  	v38 =	vld [tilespmem:$0xF90];
	v3 =	vmin.f32 v3, v35;
	v0 =	vmax.f32 v0, v29;
	v39 =	vmax.f32 v1, v29  }
0x201: {  	v1 =	vmin.f32 v1, v29;
	v2 =	vmax.f32 v2, v36;
	v3 =	vmin.f32 v3, v39  }
0x202: {  	v40 =	vmin.f32 v0, v33;
	v41 =	vmax.f32 v1, v33;
	v0 =	vmax.f32 v0, v33  }
0x203: {  	v42 =	vld [tilespmem:$0xFA0];
	v1 =	vmin.f32 v1, v33;
	v2 =	vmax.f32 v2, v40;
	v3 =	vmin.f32 v3, v41  }
0x204: {  	v43 =	vmin.f32 v0, v37;
	v0 =	vmax.f32 v0, v37;
	v44 =	vmax.f32 v1, v37  }
0x205: {  	v46 =	vld [tilespmem:$0xFB0];
	v1 =	vmin.f32 v1, v37;
	v2 =	vmax.f32 v2, v43;
	v45 =	vmin.f32 v0, v38  }
0x206: {  	v47 =	vld [tilespmem:$0xFC0];
	v3 =	vmin.f32 v3, v44;
	v0 =	vmax.f32 v0, v38;
	v48 =	vmax.f32 v1, v38  }
0x207: {  	v1 =	vmin.f32 v1, v38;
	v2 =	vmax.f32 v2, v45;
	v3 =	vmin.f32 v3, v48  }
0x208: {  	v49 =	vmin.f32 v0, v42;
	v50 =	vmax.f32 v1, v42;
	v0 =	vmax.f32 v0, v42  }
0x209: {  	v51 =	vld [tilespmem:$0xFD0];
	v1 =	vmin.f32 v1, v42;
	v2 =	vmax.f32 v2, v49;
	v3 =	vmin.f32 v3, v50  }
0x20a: {  	v52 =	vmin.f32 v0, v46;
	v0 =	vmax.f32 v0, v46;
	v53 =	vmax.f32 v1, v46  }
0x20b: {  	v55 =	vld [tilespmem:$0xFE0];
	v1 =	vmin.f32 v1, v46;
	v2 =	vmax.f32 v2, v52;
	v54 =	vmin.f32 v0, v47  }
0x20c: {  	v56 =	vld [tilespmem:$0xFF0];
	v3 =	vmin.f32 v3, v53;
	v0 =	vmax.f32 v0, v47;
	v57 =	vmax.f32 v1, v47  }
0x20d: {  	v1 =	vmin.f32 v1, v47;
	v2 =	vmax.f32 v2, v54;
	v3 =	vmin.f32 v3, v57  }
0x20e: {  	v58 =	vmin.f32 v0, v51;
	v59 =	vmax.f32 v1, v51;
	v0 =	vmax.f32 v0, v51  }
0x20f: {  	v1 =	vmin.f32 v1, v51;
	v2 =	vmax.f32 v2, v58;
	v3 =	vmin.f32 v3, v59  }
0x210: {  	v60 =	vmin.f32 v0, v55;
	v0 =	vmax.f32 v0, v55;
	v5 =	vmax.f32 v1, v55  }
0x211: {  	v1 =	vmin.f32 v1, v55;
	v61 =	vmin.f32 v0, v56;
	v0 =	vmax.f32 v0, v56  }
0x212: {  	v2 =	vmax.f32 v2, v60;
	v63 =	vmax.f32 v1, v56;
	v1 =	vmin.f32 v1, v56;
	[tilespmem:$0x1000] =	vst v0  }
0x213: {  	v62 =	vmin.f32 v3, v5;
	v2 =	vmax.f32 v2, v61;
	[tilespmem:$0x1020] =	vst v1  }
0x214: {  	p0 =	sne.s32 s4, $0x1;
	v0 =	vmin.f32 v62, v63;
	[tilespmem:$0x1010] =	vst v2  }
.Ltmp1:
0x215: {  	[tilespmem:$0x1030] =	vst v0;
	(pc) =	sbr.rel @p0 .LBB2_2-.Ltmp1, $4  }
0x216: {  	[hbm4b:s3+s5] =	stream.linear.scatter [tilespmem:s7], [sflag:$0x1], $0x80, $0x38;
	[tilespmem:$0x1080] =	vst v63  }
0x217: {  	_ =	swait.ge [sflag:s6], $0x80  }
0x218: {  	[sflag:s6] =	ssyncset.done $0x0  }
0x219: {  	s4 =	sadd.s32 $0xFFFFFFFF, s4;
	[sflag:s6] =	ssyncadd.s32 $0xFFFFFF80  }
.LBB2_3:
0x21a: {  	_ =	sfence.sel $0x180000  }
0x21b: {  	[bflag:$0x0] =	sbarrier.arrive $0xFFFF  }
0x21c: {  	p0 =	sne.s32 s0, $0x0;
	_ =	strace $0x90000047  }
0x21d: {  	s0 =	sadd.s32 @!p0 $0x100000, s1;
	[bflag:$0x2] =	sbarrier.arrive $0xFFFF  }
0x21e: {  	[sflag:s0] =	ssyncadd.tile.s32 @!p0 $0x1;
	_ =	shalt  }
.Lfunc_end2:
_tile_overlayer_lowered:
.L_overlay_start_2:
0x21f: {  	(tag) =	ssettag $0x2  }
0x220: {  	s0 =	rddreg [dreg:$0x0];
	s2 =	stileid.u32  }
0x221: {  	s1 =	rddreg [dreg:$0x1];
	p0 =	sne.s32 s2, $0x0  }
0x222: {  	s3 =	rddreg [dreg:$0x2];
	[bflag:$0x3] =	sbarrier.arrive $0xFFFF;
	s2 =	simm.s32 @!p0 $0x1C01  }
0x223: {  	[timem:s3], [sflag:s2] =	dma.local @!p0 [hbm:s0], s1  }
0x224: {  	s0 =	simm.s32 @!p0 $0x1  }
0x225: {  	_ =	swait.ge @!p0 [sflag:s0], s1  }
0x226: {  	s1 =	ssub.s32 @!p0 $0x0, s1;
	[sflag:s0] =	ssyncset.done @!p0 $0x0  }
0x227: {  	[sflag:s0] =	ssyncadd.s32 @!p0 s1  }
0x228: {  	[bflag:$0x3] =	sbarrier.arrive $0xFFFF  }
0x229: {  	_ =	shalt  }

</sc_bundles>
